<compile_context>
chip_gen: v7x
topology: tpu7x:2x2x1
jax: 0.10.2.dev20260603
libtpu: 0.0.44.dev20260713+nightly
codegen_flags: <defaults>
</compile_context>

<pallas_src>
import functools

import numpy as np
import jax
import jax.numpy as jnp
from jax import lax
from jax.experimental import pallas as pl
from jax.experimental.pallas import tpu as pltpu
from jax.experimental.pallas import tpu_sc as plsc

B = 1024
NDENSE = 13
NFIELDS = 26
VOCAB = 100000
EDIM = 16
D_INT = 432
DP = 448
G = 8
NSTEP = D_INT // G
OUT_INT = D_INT * (D_INT + 1) // 2
EPS = 1e-5

SC_CHUNK = 104
SC_NC = 2
SC_NS = 16
SC_NW = SC_NC * SC_NS


def _row_index_map() -> np.ndarray:
    row_start = np.array(
        [i * D_INT - (i * (i - 1)) // 2 for i in range(D_INT)], dtype=np.int64)
    i_idx = np.arange(D_INT).reshape(NSTEP, 1, G)
    j_idx = np.arange(DP).reshape(1, DP, 1)
    m = np.where((j_idx >= i_idx) & (j_idx < D_INT),
                 row_start[np.arange(D_INT)].reshape(NSTEP, 1, G)
                 + (j_idx - i_idx), OUT_INT)
    return m.astype(np.int32)


_ROW_MAP = _row_index_map()


def _embed_gather(table, idx3):
    nchunk = idx3.shape[1]
    b_per_w = nchunk * SC_CHUNK
    n = SC_NW * b_per_w
    mesh = plsc.VectorSubcoreMesh(core_axis_name="c", subcore_axis_name="s")

    @functools.partial(
        pl.kernel, mesh=mesh,
        out_type=jax.ShapeDtypeStruct((n, EDIM), jnp.float32),
        compiler_params=pltpu.CompilerParams(use_tc_tiling_on_sc=False),
        scratch_types=[
            pltpu.VMEM((nchunk, SC_CHUNK), jnp.int32),
            pltpu.VMEM((b_per_w, EDIM), jnp.float32),
            pltpu.SemaphoreType.DMA,
        ],
    )
    def k(table_hbm, idx_hbm, out_hbm, idx_v, rows_v, sem):
        wid = lax.axis_index("s") * SC_NC + lax.axis_index("c")
        base = wid * b_per_w
        pltpu.sync_copy(idx_hbm.at[wid], idx_v)
        copies = []
        for j in range(nchunk):
            copies.append(pltpu.async_copy(
                table_hbm.at[idx_v.at[j]],
                rows_v.at[pl.ds(j * SC_CHUNK, SC_CHUNK)],
                sem))
        for c in copies:
            c.wait()
        pltpu.sync_copy(rows_v, out_hbm.at[pl.ds(base, b_per_w)])

    return k(table, idx3)


def _bn_relu(x, g, b):
    mu = jnp.mean(x, axis=0, keepdims=True)
    var = jnp.mean((x - mu) ** 2, axis=0, keepdims=True)
    return jnp.maximum((x - mu) * lax.rsqrt(var + EPS) * g + b, 0.0)


def _bot_body(dense_ref, w0_ref, g0_ref, e0_ref, w1_ref, g1_ref, e1_ref,
              w2_ref, g2_ref, e2_ref, out_ref):
    f32 = jnp.float32
    x = dense_ref[...]
    h = _bn_relu(jnp.dot(x, w0_ref[...], preferred_element_type=f32),
                 g0_ref[...], e0_ref[...])
    h = _bn_relu(jnp.dot(h, w1_ref[...], preferred_element_type=f32),
                 g1_ref[...], e1_ref[...])
    h = _bn_relu(jnp.dot(h, w2_ref[...], preferred_element_type=f32),
                 g2_ref[...], e2_ref[...])
    out_ref[...] = h


def _bottom_mlp(dense, w0, g0, e0, w1, g1, e1, w2, g2, e2):
    return pl.pallas_call(
        _bot_body,
        out_shape=jax.ShapeDtypeStruct((B, 16), jnp.float32),
    )(dense, w0, g0, e0, w1, g1, e1, w2, g2, e2)


def _top_body(h_ref, e_ref, w0h_ref, wab_ref, tg0_ref, te0_ref,
              tW1_ref, tg1_ref, te1_ref, tW2_ref, tb2_ref, out_ref,
              zf_ref, zb_ref, acc_ref):
    f32 = jnp.float32
    s = pl.program_id(0)

    @pl.when(s == 0)
    def _init():
        z = jnp.concatenate([h_ref[...], e_ref[...]], axis=1)
        zf_ref[...] = jnp.zeros((B, DP), f32)
        zf_ref[:, 0:D_INT] = z
        zb_ref[...] = zf_ref[...].astype(jnp.bfloat16)
        acc_ref[...] = jnp.dot(h_ref[...], w0h_ref[...],
                               preferred_element_type=f32)

    jrow = lax.broadcasted_iota(jnp.int32, (DP, 128), 0)
    gcol = lax.broadcasted_iota(jnp.int32, (DP, 128), 1)
    ohm = jnp.where((jrow - G * s == gcol) & (gcol < G), 1.0, 0.0)
    cols = jnp.dot(zf_ref[...], ohm, preferred_element_type=f32)

    res = lax.dot_general(
        zb_ref[...], wab_ref[0], (((1,), (0,)), ((), ())),
        preferred_element_type=f32)
    upd = cols[:, 0:1] * res[:, 0:256]
    for g in range(1, G):
        upd = upd + cols[:, g:g + 1] * res[:, g * 256:(g + 1) * 256]
    acc_ref[...] += upd

    @pl.when(s == NSTEP - 1)
    def _fin():
        x = acc_ref[...]
        x = _bn_relu(x, tg0_ref[...], te0_ref[...])
        x = _bn_relu(jnp.dot(x, tW1_ref[...], preferred_element_type=f32),
                     tg1_ref[...], te1_ref[...])
        out_ref[...] = (jnp.dot(x, tW2_ref[...], preferred_element_type=f32)
                        + tb2_ref[...])


def _top_mlp(h, e, w0h, wab, tg0, te0, tW1, tg1, te1, tW2, tb2):
    full = lambda shape: pl.BlockSpec(shape, lambda s: tuple(0 for _ in shape))
    return pl.pallas_call(
        _top_body,
        grid=(NSTEP,),
        in_specs=[
            full((B, 16)),
            full((B, NFIELDS * EDIM)),
            full((16, 256)),
            pl.BlockSpec((1, DP, G * 256), lambda s: (s, 0, 0)),
            full((1, 256)), full((1, 256)),
            full((256, 128)), full((1, 128)), full((1, 128)),
            full((128, 1)), full((1, 1)),
        ],
        out_specs=full((B, 1)),
        out_shape=jax.ShapeDtypeStruct((B, 1), jnp.float32),
        scratch_shapes=[
            pltpu.VMEM((B, DP), jnp.float32),
            pltpu.VMEM((B, DP), jnp.bfloat16),
            pltpu.VMEM((B, 256), jnp.float32),
        ],
    )(h, e, w0h, wab, tg0, te0, tW1, tg1, te1, tW2, tb2)


def kernel(dense_features, sparse_features, emb, bW0, bb0, bg0, be0,
           bW1, bb1, bg1, be1, bW2, bb2, bg2, be2,
           tW0, tb0, tg0, te0, tW1, tb1, tg1, te1, tW2, tb2):
    del bb0, bb1, bb2, tb0, tb1

    flat_tables = emb.reshape(NFIELDS * VOCAB, EDIM)
    idx = (sparse_features.astype(jnp.int32)
           + (jnp.arange(NFIELDS, dtype=jnp.int32) * VOCAB)[None, :])
    idx3 = idx.reshape(SC_NW, (B * NFIELDS) // (SC_NW * SC_CHUNK), SC_CHUNK)

    w0h = tW0[:16]
    w_ext = jnp.concatenate(
        [tW0[16:], jnp.zeros((1, 256), jnp.float32)], axis=0)
    wab = (jnp.take(w_ext, jnp.asarray(_ROW_MAP.reshape(-1)), axis=0)
           .astype(jnp.bfloat16)
           .reshape(NSTEP, DP, G * 256))

    row2 = lambda a: a.reshape(1, -1)

    e = _embed_gather(flat_tables, idx3)
    h = _bottom_mlp(dense_features, bW0, row2(bg0), row2(be0),
                    bW1, row2(bg1), row2(be1),
                    bW2, row2(bg2), row2(be2))
    e = e.reshape(B, NFIELDS * EDIM)
    out = _top_mlp(h, e, w0h, wab, row2(tg0), row2(te0),
                   tW1, row2(tg1), row2(te1), tW2, row2(tb2))
    return out

# --- scband reference (transcript-rebuilt; emitter-appended) ---
"""Pipeline reference for scband-dlrmnet-76003741270612 (READ-ONLY COPY).

The authoritative reference and input builder live on the scoring server;
editing this copy changes nothing except your own understanding.
"""

import jax, jax.numpy as jnp
import numpy as np

B = 1024
NDENSE = 13
NFIELDS = 26
VOCAB = 100000
EDIM = 16
BOT = [512, 256, 16]
TOP = [256, 128]
D_INT = BOT[-1] + NFIELDS * EDIM  # 432
OUT_INT = D_INT * (D_INT + 1) // 2  # 93528
TOP_IN = BOT[-1] + OUT_INT  # 93544
EPS = 1e-5


def _he(k, fan_in, shape):
    return jax.random.normal(k, shape, dtype=jnp.float32) * np.sqrt(2.0 / fan_in).astype(np.float32)


def setup_inputs(seed: int = 0):
    key = jax.random.key(seed)
    ks = jax.random.split(key, 16)
    inp = {}
    inp['dense_features'] = jax.random.normal(ks[0], (B, NDENSE), dtype=jnp.float32)
    inp['sparse_features'] = jax.random.randint(ks[1], (B, NFIELDS), 0, VOCAB)
    inp['emb'] = jax.random.normal(ks[2], (NFIELDS, VOCAB, EDIM), dtype=jnp.float32) * 0.1
    inp['bW0'] = _he(ks[3], NDENSE, (NDENSE, BOT[0]))
    inp['bb0'] = jnp.zeros((BOT[0],), jnp.float32)
    inp['bg0'] = jnp.ones((BOT[0],), jnp.float32)
    inp['be0'] = jnp.zeros((BOT[0],), jnp.float32)
    inp['bW1'] = _he(ks[4], BOT[0], (BOT[0], BOT[1]))
    inp['bb1'] = jnp.zeros((BOT[1],), jnp.float32)
    inp['bg1'] = jnp.ones((BOT[1],), jnp.float32)
    inp['be1'] = jnp.zeros((BOT[1],), jnp.float32)
    inp['bW2'] = _he(ks[5], BOT[1], (BOT[1], BOT[2]))
    inp['bb2'] = jnp.zeros((BOT[2],), jnp.float32)
    inp['bg2'] = jnp.ones((BOT[2],), jnp.float32)
    inp['be2'] = jnp.zeros((BOT[2],), jnp.float32)
    inp['tW0'] = _he(ks[6], TOP_IN, (TOP_IN, TOP[0]))
    inp['tb0'] = jnp.zeros((TOP[0],), jnp.float32)
    inp['tg0'] = jnp.ones((TOP[0],), jnp.float32)
    inp['te0'] = jnp.zeros((TOP[0],), jnp.float32)
    inp['tW1'] = _he(ks[7], TOP[0], (TOP[0], TOP[1]))
    inp['tb1'] = jnp.zeros((TOP[1],), jnp.float32)
    inp['tg1'] = jnp.ones((TOP[1],), jnp.float32)
    inp['te1'] = jnp.zeros((TOP[1],), jnp.float32)
    inp['tW2'] = _he(ks[8], TOP[1], (TOP[1], 1))
    inp['tb2'] = jnp.zeros((1,), jnp.float32)
    return inp


def _bn(x, g, b):
    # BatchNorm1d in training mode: per-batch statistics (biased variance), affine transform
    mu = jnp.mean(x, axis=0)
    var = jnp.var(x, axis=0)
    return (x - mu) / jnp.sqrt(var + EPS) * g + b


def _forward(dense, sparse, emb, bW0, bb0, bg0, be0, bW1, bb1, bg1, be1, bW2, bb2, bg2, be2, tW0, tb0, tg0, te0, tW1, tb1, tg1, te1, tW2, tb2):
    # bottom MLP (dropout is identity here: deterministic reference)
    h = jax.nn.relu(_bn(dense @ bW0 + bb0, bg0, be0))
    h = jax.nn.relu(_bn(h @ bW1 + bb1, bg1, be1))
    h = jax.nn.relu(_bn(h @ bW2 + bb2, bg2, be2))
    # embedding lookups: one gather into the stacked tables
    flat_tables = emb.reshape(NFIELDS * VOCAB, EDIM)
    idx = sparse + jnp.arange(NFIELDS, dtype=sparse.dtype)[None, :] * VOCAB
    e = jnp.take(flat_tables, idx.reshape(-1), axis=0).reshape(B, NFIELDS * EDIM)
    # feature interaction: upper triangle (incl diagonal) of per-sample outer product
    z = jnp.concatenate([h, e], axis=1)  # [B, D_INT]
    iu0, iu1 = jnp.triu_indices(D_INT)
    inter = z[:, iu0] * z[:, iu1]  # [B, OUT_INT], row-major triu order matches torch bool-mask flatten
    x = jnp.concatenate([h, inter], axis=1)
    x = jax.nn.relu(_bn(x @ tW0 + tb0, tg0, te0))
    x = jax.nn.relu(_bn(x @ tW1 + tb1, tg1, te1))
    x = x @ tW2 + tb2
    return x


def reference(dense_features, sparse_features, emb, bW0, bb0, bg0, be0, bW1, bb1, bg1, be1, bW2, bb2, bg2, be2, tW0, tb0, tg0, te0, tW1, tb1, tg1, te1, tW2, tb2):
    return _forward(dense_features, sparse_features, emb, bW0, bb0, bg0, be0, bW1, bb1, bg1, be1, bW2, bb2, bg2, be2, tW0, tb0, tg0, te0, tW1, tb1, tg1, te1, tW2, tb2)

if __name__ == "__main__":
    import jax
    _d = setup_inputs()
    print(jax.jit(kernel)(*tuple(_d.values())))

</pallas_src>

<mosaic_0001>
#map = affine_map<(d0, d1) -> (0, 0)>
#map1 = affine_map<(d0, d1) -> (0, 0, 0)>
module attributes {stable_mosaic.version = 14 : i64} {
  func.func @k(%arg0: i32, %arg1: i32, %arg2: memref<2600000x16xf32, #tpu.memory_space<hbm>>, %arg3: memref<32x8x104xi32, #tpu.memory_space<hbm>>, %arg4: memref<26624x16xf32, #tpu.memory_space<hbm>>, %arg5: memref<8x104xi32, #tpu.memory_space<vmem>>, %arg6: memref<832x16xf32, #tpu.memory_space<vmem>>, %arg7: memref<!tpu.dma_semaphore, #tpu.memory_space<semaphore_mem>>) attributes {dimension_semantics = [#tpu.dimension_semantics<core_parallel>, #tpu.dimension_semantics<subcore_parallel>], iteration_bounds = array<i64: 2, 16>, scalar_prefetch = 0 : i64, scratch_operands = 3 : i64, tpu.core_type = #tpu.core_type<sc_vector_subcore>, window_params = [{transform_indices = #map}, {transform_indices = #map1}, {transform_indices = #map}]} {
    %mul3A = arith.constant 2 : i32
    %mul3A_0 = arith.muli %arg1, %mul3A : i32
    %add3A = arith.addi %mul3A_0, %arg0 : i32
    %mul3A_1 = arith.constant 832 : i32
    %mul3A_2 = arith.muli %add3A, %mul3A_1 : i32
    "tpu.region"() ({
      %run_scoped3A = tpu.sem_alloc : memref<!tpu.dma_semaphore, #tpu.memory_space<semaphore_mem>>
      %dma_start3A_161 = arith.constant 0 : i32
      %dma_start3A_162 = arith.constant 0 : i32
      %dma_start3A_163 = tpu.memref_slice %arg3[%add3A, %dma_start3A_161, %dma_start3A_162] : memref<32x8x104xi32, #tpu.memory_space<hbm>> -> memref<1x8x104xi32, #tpu.memory_space<hbm>>
      %dma_start3A_164 = tpu.memref_squeeze %dma_start3A_163 : memref<1x8x104xi32, #tpu.memory_space<hbm>> -> memref<8x104xi32, #tpu.memory_space<hbm>>
      %dma_start3A_165 = arith.constant 0 : i32
      %dma_start3A_166 = arith.constant 0 : i32
      %dma_start3A_167 = tpu.memref_slice %arg3[%add3A, %dma_start3A_165, %dma_start3A_166] : memref<32x8x104xi32, #tpu.memory_space<hbm>> -> memref<1x8x104xi32, #tpu.memory_space<hbm>>
      %dma_start3A_168 = tpu.memref_squeeze %dma_start3A_167 : memref<1x8x104xi32, #tpu.memory_space<hbm>> -> memref<8x104xi32, #tpu.memory_space<hbm>>
      tpu.enqueue_dma source(%dma_start3A_168 : memref<8x104xi32, #tpu.memory_space<hbm>>) target(%arg5 : memref<8x104xi32, #tpu.memory_space<vmem>>) target_semaphore(%run_scoped3A : memref<!tpu.dma_semaphore, #tpu.memory_space<semaphore_mem>>)
      %dma_wait3A_169 = arith.constant 0 : i32
      %dma_wait3A_170 = arith.constant 0 : i32
      %dma_wait3A_171 = tpu.memref_slice %arg3[%add3A, %dma_wait3A_169, %dma_wait3A_170] : memref<32x8x104xi32, #tpu.memory_space<hbm>> -> memref<1x8x104xi32, #tpu.memory_space<hbm>>
      %dma_wait3A_172 = tpu.memref_squeeze %dma_wait3A_171 : memref<1x8x104xi32, #tpu.memory_space<hbm>> -> memref<8x104xi32, #tpu.memory_space<hbm>>
      %dma_wait3A_173 = arith.constant 0 : i32
      %dma_wait3A_174 = arith.constant 0 : i32
      %dma_wait3A_175 = tpu.memref_slice %arg3[%add3A, %dma_wait3A_173, %dma_wait3A_174] : memref<32x8x104xi32, #tpu.memory_space<hbm>> -> memref<1x8x104xi32, #tpu.memory_space<hbm>>
      %dma_wait3A_176 = tpu.memref_squeeze %dma_wait3A_175 : memref<1x8x104xi32, #tpu.memory_space<hbm>> -> memref<8x104xi32, #tpu.memory_space<hbm>>
      tpu.wait_dma2 semaphore(%run_scoped3A : memref<!tpu.dma_semaphore, #tpu.memory_space<semaphore_mem>>) src(%dma_wait3A_176 : memref<8x104xi32, #tpu.memory_space<hbm>>) dst(%arg5 : memref<8x104xi32, #tpu.memory_space<vmem>>)
      tpu.yield
    }) : () -> ()
    %dma_start3A = arith.constant 0 : i32
    %dma_start3A_3 = arith.constant 0 : i32
    %dma_start3A_4 = arith.constant 0 : i32
    %dma_start3A_5 = tpu.memref_slice %arg6[%dma_start3A_3, %dma_start3A_4] : memref<832x16xf32, #tpu.memory_space<vmem>> -> memref<104x16xf32, #tpu.memory_space<vmem>>
    %dma_start3A_6 = arith.constant 0 : i32
    %dma_start3A_7 = tpu.memref_slice %arg5[%dma_start3A, %dma_start3A_6] : memref<8x104xi32, #tpu.memory_space<vmem>> -> memref<1x104xi32, #tpu.memory_space<vmem>>
    %dma_start3A_8 = tpu.memref_squeeze %dma_start3A_7 : memref<1x104xi32, #tpu.memory_space<vmem>> -> memref<104xi32, #tpu.memory_space<vmem>>
    %dma_start3A_9 = arith.constant 0 : i32
    %dma_start3A_10 = arith.constant 0 : i32
    %dma_start3A_11 = tpu.memref_slice %arg2[%dma_start3A_9, %dma_start3A_10] : memref<2600000x16xf32, #tpu.memory_space<hbm>> -> memref<2600000x16xf32, #tpu.memory_space<hbm>>
    tpu.enqueue_indirect_dma source(%dma_start3A_11 : memref<2600000x16xf32, #tpu.memory_space<hbm>>) target(%dma_start3A_5 : memref<104x16xf32, #tpu.memory_space<vmem>>) offsets(%dma_start3A_8 : memref<104xi32, #tpu.memory_space<vmem>>) semaphore(%arg7 : memref<!tpu.dma_semaphore, #tpu.memory_space<semaphore_mem>>)
    %dma_start3A_12 = arith.constant 1 : i32
    %dma_start3A_13 = arith.constant 104 : i32
    %dma_start3A_14 = arith.constant 0 : i32
    %dma_start3A_15 = tpu.memref_slice %arg6[%dma_start3A_13, %dma_start3A_14] : memref<832x16xf32, #tpu.memory_space<vmem>> -> memref<104x16xf32, #tpu.memory_space<vmem>>
    %dma_start3A_16 = arith.constant 0 : i32
    %dma_start3A_17 = tpu.memref_slice %arg5[%dma_start3A_12, %dma_start3A_16] : memref<8x104xi32, #tpu.memory_space<vmem>> -> memref<1x104xi32, #tpu.memory_space<vmem>>
    %dma_start3A_18 = tpu.memref_squeeze %dma_start3A_17 : memref<1x104xi32, #tpu.memory_space<vmem>> -> memref<104xi32, #tpu.memory_space<vmem>>
    %dma_start3A_19 = arith.constant 0 : i32
    %dma_start3A_20 = arith.constant 0 : i32
    %dma_start3A_21 = tpu.memref_slice %arg2[%dma_start3A_19, %dma_start3A_20] : memref<2600000x16xf32, #tpu.memory_space<hbm>> -> memref<2600000x16xf32, #tpu.memory_space<hbm>>
    tpu.enqueue_indirect_dma source(%dma_start3A_21 : memref<2600000x16xf32, #tpu.memory_space<hbm>>) target(%dma_start3A_15 : memref<104x16xf32, #tpu.memory_space<vmem>>) offsets(%dma_start3A_18 : memref<104xi32, #tpu.memory_space<vmem>>) semaphore(%arg7 : memref<!tpu.dma_semaphore, #tpu.memory_space<semaphore_mem>>)
    %dma_start3A_22 = arith.constant 2 : i32
    %dma_start3A_23 = arith.constant 208 : i32
    %dma_start3A_24 = arith.constant 0 : i32
    %dma_start3A_25 = tpu.memref_slice %arg6[%dma_start3A_23, %dma_start3A_24] : memref<832x16xf32, #tpu.memory_space<vmem>> -> memref<104x16xf32, #tpu.memory_space<vmem>>
    %dma_start3A_26 = arith.constant 0 : i32
    %dma_start3A_27 = tpu.memref_slice %arg5[%dma_start3A_22, %dma_start3A_26] : memref<8x104xi32, #tpu.memory_space<vmem>> -> memref<1x104xi32, #tpu.memory_space<vmem>>
    %dma_start3A_28 = tpu.memref_squeeze %dma_start3A_27 : memref<1x104xi32, #tpu.memory_space<vmem>> -> memref<104xi32, #tpu.memory_space<vmem>>
    %dma_start3A_29 = arith.constant 0 : i32
    %dma_start3A_30 = arith.constant 0 : i32
    %dma_start3A_31 = tpu.memref_slice %arg2[%dma_start3A_29, %dma_start3A_30] : memref<2600000x16xf32, #tpu.memory_space<hbm>> -> memref<2600000x16xf32, #tpu.memory_space<hbm>>
    tpu.enqueue_indirect_dma source(%dma_start3A_31 : memref<2600000x16xf32, #tpu.memory_space<hbm>>) target(%dma_start3A_25 : memref<104x16xf32, #tpu.memory_space<vmem>>) offsets(%dma_start3A_28 : memref<104xi32, #tpu.memory_space<vmem>>) semaphore(%arg7 : memref<!tpu.dma_semaphore, #tpu.memory_space<semaphore_mem>>)
    %dma_start3A_32 = arith.constant 3 : i32
    %dma_start3A_33 = arith.constant 312 : i32
    %dma_start3A_34 = arith.constant 0 : i32
    %dma_start3A_35 = tpu.memref_slice %arg6[%dma_start3A_33, %dma_start3A_34] : memref<832x16xf32, #tpu.memory_space<vmem>> -> memref<104x16xf32, #tpu.memory_space<vmem>>
    %dma_start3A_36 = arith.constant 0 : i32
    %dma_start3A_37 = tpu.memref_slice %arg5[%dma_start3A_32, %dma_start3A_36] : memref<8x104xi32, #tpu.memory_space<vmem>> -> memref<1x104xi32, #tpu.memory_space<vmem>>
    %dma_start3A_38 = tpu.memref_squeeze %dma_start3A_37 : memref<1x104xi32, #tpu.memory_space<vmem>> -> memref<104xi32, #tpu.memory_space<vmem>>
    %dma_start3A_39 = arith.constant 0 : i32
    %dma_start3A_40 = arith.constant 0 : i32
    %dma_start3A_41 = tpu.memref_slice %arg2[%dma_start3A_39, %dma_start3A_40] : memref<2600000x16xf32, #tpu.memory_space<hbm>> -> memref<2600000x16xf32, #tpu.memory_space<hbm>>
    tpu.enqueue_indirect_dma source(%dma_start3A_41 : memref<2600000x16xf32, #tpu.memory_space<hbm>>) target(%dma_start3A_35 : memref<104x16xf32, #tpu.memory_space<vmem>>) offsets(%dma_start3A_38 : memref<104xi32, #tpu.memory_space<vmem>>) semaphore(%arg7 : memref<!tpu.dma_semaphore, #tpu.memory_space<semaphore_mem>>)
    %dma_start3A_42 = arith.constant 4 : i32
    %dma_start3A_43 = arith.constant 416 : i32
    %dma_start3A_44 = arith.constant 0 : i32
    %dma_start3A_45 = tpu.memref_slice %arg6[%dma_start3A_43, %dma_start3A_44] : memref<832x16xf32, #tpu.memory_space<vmem>> -> memref<104x16xf32, #tpu.memory_space<vmem>>
    %dma_start3A_46 = arith.constant 0 : i32
    %dma_start3A_47 = tpu.memref_slice %arg5[%dma_start3A_42, %dma_start3A_46] : memref<8x104xi32, #tpu.memory_space<vmem>> -> memref<1x104xi32, #tpu.memory_space<vmem>>
    %dma_start3A_48 = tpu.memref_squeeze %dma_start3A_47 : memref<1x104xi32, #tpu.memory_space<vmem>> -> memref<104xi32, #tpu.memory_space<vmem>>
    %dma_start3A_49 = arith.constant 0 : i32
    %dma_start3A_50 = arith.constant 0 : i32
    %dma_start3A_51 = tpu.memref_slice %arg2[%dma_start3A_49, %dma_start3A_50] : memref<2600000x16xf32, #tpu.memory_space<hbm>> -> memref<2600000x16xf32, #tpu.memory_space<hbm>>
    tpu.enqueue_indirect_dma source(%dma_start3A_51 : memref<2600000x16xf32, #tpu.memory_space<hbm>>) target(%dma_start3A_45 : memref<104x16xf32, #tpu.memory_space<vmem>>) offsets(%dma_start3A_48 : memref<104xi32, #tpu.memory_space<vmem>>) semaphore(%arg7 : memref<!tpu.dma_semaphore, #tpu.memory_space<semaphore_mem>>)
    %dma_start3A_52 = arith.constant 5 : i32
    %dma_start3A_53 = arith.constant 520 : i32
    %dma_start3A_54 = arith.constant 0 : i32
    %dma_start3A_55 = tpu.memref_slice %arg6[%dma_start3A_53, %dma_start3A_54] : memref<832x16xf32, #tpu.memory_space<vmem>> -> memref<104x16xf32, #tpu.memory_space<vmem>>
    %dma_start3A_56 = arith.constant 0 : i32
    %dma_start3A_57 = tpu.memref_slice %arg5[%dma_start3A_52, %dma_start3A_56] : memref<8x104xi32, #tpu.memory_space<vmem>> -> memref<1x104xi32, #tpu.memory_space<vmem>>
    %dma_start3A_58 = tpu.memref_squeeze %dma_start3A_57 : memref<1x104xi32, #tpu.memory_space<vmem>> -> memref<104xi32, #tpu.memory_space<vmem>>
    %dma_start3A_59 = arith.constant 0 : i32
    %dma_start3A_60 = arith.constant 0 : i32
    %dma_start3A_61 = tpu.memref_slice %arg2[%dma_start3A_59, %dma_start3A_60] : memref<2600000x16xf32, #tpu.memory_space<hbm>> -> memref<2600000x16xf32, #tpu.memory_space<hbm>>
    tpu.enqueue_indirect_dma source(%dma_start3A_61 : memref<2600000x16xf32, #tpu.memory_space<hbm>>) target(%dma_start3A_55 : memref<104x16xf32, #tpu.memory_space<vmem>>) offsets(%dma_start3A_58 : memref<104xi32, #tpu.memory_space<vmem>>) semaphore(%arg7 : memref<!tpu.dma_semaphore, #tpu.memory_space<semaphore_mem>>)
    %dma_start3A_62 = arith.constant 6 : i32
    %dma_start3A_63 = arith.constant 624 : i32
    %dma_start3A_64 = arith.constant 0 : i32
    %dma_start3A_65 = tpu.memref_slice %arg6[%dma_start3A_63, %dma_start3A_64] : memref<832x16xf32, #tpu.memory_space<vmem>> -> memref<104x16xf32, #tpu.memory_space<vmem>>
    %dma_start3A_66 = arith.constant 0 : i32
    %dma_start3A_67 = tpu.memref_slice %arg5[%dma_start3A_62, %dma_start3A_66] : memref<8x104xi32, #tpu.memory_space<vmem>> -> memref<1x104xi32, #tpu.memory_space<vmem>>
    %dma_start3A_68 = tpu.memref_squeeze %dma_start3A_67 : memref<1x104xi32, #tpu.memory_space<vmem>> -> memref<104xi32, #tpu.memory_space<vmem>>
    %dma_start3A_69 = arith.constant 0 : i32
    %dma_start3A_70 = arith.constant 0 : i32
    %dma_start3A_71 = tpu.memref_slice %arg2[%dma_start3A_69, %dma_start3A_70] : memref<2600000x16xf32, #tpu.memory_space<hbm>> -> memref<2600000x16xf32, #tpu.memory_space<hbm>>
    tpu.enqueue_indirect_dma source(%dma_start3A_71 : memref<2600000x16xf32, #tpu.memory_space<hbm>>) target(%dma_start3A_65 : memref<104x16xf32, #tpu.memory_space<vmem>>) offsets(%dma_start3A_68 : memref<104xi32, #tpu.memory_space<vmem>>) semaphore(%arg7 : memref<!tpu.dma_semaphore, #tpu.memory_space<semaphore_mem>>)
    %dma_start3A_72 = arith.constant 7 : i32
    %dma_start3A_73 = arith.constant 728 : i32
    %dma_start3A_74 = arith.constant 0 : i32
    %dma_start3A_75 = tpu.memref_slice %arg6[%dma_start3A_73, %dma_start3A_74] : memref<832x16xf32, #tpu.memory_space<vmem>> -> memref<104x16xf32, #tpu.memory_space<vmem>>
    %dma_start3A_76 = arith.constant 0 : i32
    %dma_start3A_77 = tpu.memref_slice %arg5[%dma_start3A_72, %dma_start3A_76] : memref<8x104xi32, #tpu.memory_space<vmem>> -> memref<1x104xi32, #tpu.memory_space<vmem>>
    %dma_start3A_78 = tpu.memref_squeeze %dma_start3A_77 : memref<1x104xi32, #tpu.memory_space<vmem>> -> memref<104xi32, #tpu.memory_space<vmem>>
    %dma_start3A_79 = arith.constant 0 : i32
    %dma_start3A_80 = arith.constant 0 : i32
    %dma_start3A_81 = tpu.memref_slice %arg2[%dma_start3A_79, %dma_start3A_80] : memref<2600000x16xf32, #tpu.memory_space<hbm>> -> memref<2600000x16xf32, #tpu.memory_space<hbm>>
    tpu.enqueue_indirect_dma source(%dma_start3A_81 : memref<2600000x16xf32, #tpu.memory_space<hbm>>) target(%dma_start3A_75 : memref<104x16xf32, #tpu.memory_space<vmem>>) offsets(%dma_start3A_78 : memref<104xi32, #tpu.memory_space<vmem>>) semaphore(%arg7 : memref<!tpu.dma_semaphore, #tpu.memory_space<semaphore_mem>>)
    %dma_wait3A = arith.constant 0 : i32
    %dma_wait3A_82 = arith.constant 0 : i32
    %dma_wait3A_83 = arith.constant 0 : i32
    %dma_wait3A_84 = tpu.memref_slice %arg6[%dma_wait3A_82, %dma_wait3A_83] : memref<832x16xf32, #tpu.memory_space<vmem>> -> memref<104x16xf32, #tpu.memory_space<vmem>>
    %dma_wait3A_85 = arith.constant 0 : i32
    %dma_wait3A_86 = tpu.memref_slice %arg5[%dma_wait3A, %dma_wait3A_85] : memref<8x104xi32, #tpu.memory_space<vmem>> -> memref<1x104xi32, #tpu.memory_space<vmem>>
    %dma_wait3A_87 = tpu.memref_squeeze %dma_wait3A_86 : memref<1x104xi32, #tpu.memory_space<vmem>> -> memref<104xi32, #tpu.memory_space<vmem>>
    %dma_wait3A_88 = arith.constant 0 : i32
    %dma_wait3A_89 = arith.constant 0 : i32
    %dma_wait3A_90 = tpu.memref_slice %arg2[%dma_wait3A_88, %dma_wait3A_89] : memref<2600000x16xf32, #tpu.memory_space<hbm>> -> memref<2600000x16xf32, #tpu.memory_space<hbm>>
    tpu.wait_indirect_dma semaphore(%arg7 : memref<!tpu.dma_semaphore, #tpu.memory_space<semaphore_mem>>) src(%dma_wait3A_90 : memref<2600000x16xf32, #tpu.memory_space<hbm>>) dst(%dma_wait3A_84 : memref<104x16xf32, #tpu.memory_space<vmem>>)
    %dma_wait3A_91 = arith.constant 1 : i32
    %dma_wait3A_92 = arith.constant 104 : i32
    %dma_wait3A_93 = arith.constant 0 : i32
    %dma_wait3A_94 = tpu.memref_slice %arg6[%dma_wait3A_92, %dma_wait3A_93] : memref<832x16xf32, #tpu.memory_space<vmem>> -> memref<104x16xf32, #tpu.memory_space<vmem>>
    %dma_wait3A_95 = arith.constant 0 : i32
    %dma_wait3A_96 = tpu.memref_slice %arg5[%dma_wait3A_91, %dma_wait3A_95] : memref<8x104xi32, #tpu.memory_space<vmem>> -> memref<1x104xi32, #tpu.memory_space<vmem>>
    %dma_wait3A_97 = tpu.memref_squeeze %dma_wait3A_96 : memref<1x104xi32, #tpu.memory_space<vmem>> -> memref<104xi32, #tpu.memory_space<vmem>>
    %dma_wait3A_98 = arith.constant 0 : i32
    %dma_wait3A_99 = arith.constant 0 : i32
    %dma_wait3A_100 = tpu.memref_slice %arg2[%dma_wait3A_98, %dma_wait3A_99] : memref<2600000x16xf32, #tpu.memory_space<hbm>> -> memref<2600000x16xf32, #tpu.memory_space<hbm>>
    tpu.wait_indirect_dma semaphore(%arg7 : memref<!tpu.dma_semaphore, #tpu.memory_space<semaphore_mem>>) src(%dma_wait3A_100 : memref<2600000x16xf32, #tpu.memory_space<hbm>>) dst(%dma_wait3A_94 : memref<104x16xf32, #tpu.memory_space<vmem>>)
    %dma_wait3A_101 = arith.constant 2 : i32
    %dma_wait3A_102 = arith.constant 208 : i32
    %dma_wait3A_103 = arith.constant 0 : i32
    %dma_wait3A_104 = tpu.memref_slice %arg6[%dma_wait3A_102, %dma_wait3A_103] : memref<832x16xf32, #tpu.memory_space<vmem>> -> memref<104x16xf32, #tpu.memory_space<vmem>>
    %dma_wait3A_105 = arith.constant 0 : i32
    %dma_wait3A_106 = tpu.memref_slice %arg5[%dma_wait3A_101, %dma_wait3A_105] : memref<8x104xi32, #tpu.memory_space<vmem>> -> memref<1x104xi32, #tpu.memory_space<vmem>>
    %dma_wait3A_107 = tpu.memref_squeeze %dma_wait3A_106 : memref<1x104xi32, #tpu.memory_space<vmem>> -> memref<104xi32, #tpu.memory_space<vmem>>
    %dma_wait3A_108 = arith.constant 0 : i32
    %dma_wait3A_109 = arith.constant 0 : i32
    %dma_wait3A_110 = tpu.memref_slice %arg2[%dma_wait3A_108, %dma_wait3A_109] : memref<2600000x16xf32, #tpu.memory_space<hbm>> -> memref<2600000x16xf32, #tpu.memory_space<hbm>>
    tpu.wait_indirect_dma semaphore(%arg7 : memref<!tpu.dma_semaphore, #tpu.memory_space<semaphore_mem>>) src(%dma_wait3A_110 : memref<2600000x16xf32, #tpu.memory_space<hbm>>) dst(%dma_wait3A_104 : memref<104x16xf32, #tpu.memory_space<vmem>>)
    %dma_wait3A_111 = arith.constant 3 : i32
    %dma_wait3A_112 = arith.constant 312 : i32
    %dma_wait3A_113 = arith.constant 0 : i32
    %dma_wait3A_114 = tpu.memref_slice %arg6[%dma_wait3A_112, %dma_wait3A_113] : memref<832x16xf32, #tpu.memory_space<vmem>> -> memref<104x16xf32, #tpu.memory_space<vmem>>
    %dma_wait3A_115 = arith.constant 0 : i32
    %dma_wait3A_116 = tpu.memref_slice %arg5[%dma_wait3A_111, %dma_wait3A_115] : memref<8x104xi32, #tpu.memory_space<vmem>> -> memref<1x104xi32, #tpu.memory_space<vmem>>
    %dma_wait3A_117 = tpu.memref_squeeze %dma_wait3A_116 : memref<1x104xi32, #tpu.memory_space<vmem>> -> memref<104xi32, #tpu.memory_space<vmem>>
    %dma_wait3A_118 = arith.constant 0 : i32
    %dma_wait3A_119 = arith.constant 0 : i32
    %dma_wait3A_120 = tpu.memref_slice %arg2[%dma_wait3A_118, %dma_wait3A_119] : memref<2600000x16xf32, #tpu.memory_space<hbm>> -> memref<2600000x16xf32, #tpu.memory_space<hbm>>
    tpu.wait_indirect_dma semaphore(%arg7 : memref<!tpu.dma_semaphore, #tpu.memory_space<semaphore_mem>>) src(%dma_wait3A_120 : memref<2600000x16xf32, #tpu.memory_space<hbm>>) dst(%dma_wait3A_114 : memref<104x16xf32, #tpu.memory_space<vmem>>)
    %dma_wait3A_121 = arith.constant 4 : i32
    %dma_wait3A_122 = arith.constant 416 : i32
    %dma_wait3A_123 = arith.constant 0 : i32
    %dma_wait3A_124 = tpu.memref_slice %arg6[%dma_wait3A_122, %dma_wait3A_123] : memref<832x16xf32, #tpu.memory_space<vmem>> -> memref<104x16xf32, #tpu.memory_space<vmem>>
    %dma_wait3A_125 = arith.constant 0 : i32
    %dma_wait3A_126 = tpu.memref_slice %arg5[%dma_wait3A_121, %dma_wait3A_125] : memref<8x104xi32, #tpu.memory_space<vmem>> -> memref<1x104xi32, #tpu.memory_space<vmem>>
    %dma_wait3A_127 = tpu.memref_squeeze %dma_wait3A_126 : memref<1x104xi32, #tpu.memory_space<vmem>> -> memref<104xi32, #tpu.memory_space<vmem>>
    %dma_wait3A_128 = arith.constant 0 : i32
    %dma_wait3A_129 = arith.constant 0 : i32
    %dma_wait3A_130 = tpu.memref_slice %arg2[%dma_wait3A_128, %dma_wait3A_129] : memref<2600000x16xf32, #tpu.memory_space<hbm>> -> memref<2600000x16xf32, #tpu.memory_space<hbm>>
    tpu.wait_indirect_dma semaphore(%arg7 : memref<!tpu.dma_semaphore, #tpu.memory_space<semaphore_mem>>) src(%dma_wait3A_130 : memref<2600000x16xf32, #tpu.memory_space<hbm>>) dst(%dma_wait3A_124 : memref<104x16xf32, #tpu.memory_space<vmem>>)
    %dma_wait3A_131 = arith.constant 5 : i32
    %dma_wait3A_132 = arith.constant 520 : i32
    %dma_wait3A_133 = arith.constant 0 : i32
    %dma_wait3A_134 = tpu.memref_slice %arg6[%dma_wait3A_132, %dma_wait3A_133] : memref<832x16xf32, #tpu.memory_space<vmem>> -> memref<104x16xf32, #tpu.memory_space<vmem>>
    %dma_wait3A_135 = arith.constant 0 : i32
    %dma_wait3A_136 = tpu.memref_slice %arg5[%dma_wait3A_131, %dma_wait3A_135] : memref<8x104xi32, #tpu.memory_space<vmem>> -> memref<1x104xi32, #tpu.memory_space<vmem>>
    %dma_wait3A_137 = tpu.memref_squeeze %dma_wait3A_136 : memref<1x104xi32, #tpu.memory_space<vmem>> -> memref<104xi32, #tpu.memory_space<vmem>>
    %dma_wait3A_138 = arith.constant 0 : i32
    %dma_wait3A_139 = arith.constant 0 : i32
    %dma_wait3A_140 = tpu.memref_slice %arg2[%dma_wait3A_138, %dma_wait3A_139] : memref<2600000x16xf32, #tpu.memory_space<hbm>> -> memref<2600000x16xf32, #tpu.memory_space<hbm>>
    tpu.wait_indirect_dma semaphore(%arg7 : memref<!tpu.dma_semaphore, #tpu.memory_space<semaphore_mem>>) src(%dma_wait3A_140 : memref<2600000x16xf32, #tpu.memory_space<hbm>>) dst(%dma_wait3A_134 : memref<104x16xf32, #tpu.memory_space<vmem>>)
    %dma_wait3A_141 = arith.constant 6 : i32
    %dma_wait3A_142 = arith.constant 624 : i32
    %dma_wait3A_143 = arith.constant 0 : i32
    %dma_wait3A_144 = tpu.memref_slice %arg6[%dma_wait3A_142, %dma_wait3A_143] : memref<832x16xf32, #tpu.memory_space<vmem>> -> memref<104x16xf32, #tpu.memory_space<vmem>>
    %dma_wait3A_145 = arith.constant 0 : i32
    %dma_wait3A_146 = tpu.memref_slice %arg5[%dma_wait3A_141, %dma_wait3A_145] : memref<8x104xi32, #tpu.memory_space<vmem>> -> memref<1x104xi32, #tpu.memory_space<vmem>>
    %dma_wait3A_147 = tpu.memref_squeeze %dma_wait3A_146 : memref<1x104xi32, #tpu.memory_space<vmem>> -> memref<104xi32, #tpu.memory_space<vmem>>
    %dma_wait3A_148 = arith.constant 0 : i32
    %dma_wait3A_149 = arith.constant 0 : i32
    %dma_wait3A_150 = tpu.memref_slice %arg2[%dma_wait3A_148, %dma_wait3A_149] : memref<2600000x16xf32, #tpu.memory_space<hbm>> -> memref<2600000x16xf32, #tpu.memory_space<hbm>>
    tpu.wait_indirect_dma semaphore(%arg7 : memref<!tpu.dma_semaphore, #tpu.memory_space<semaphore_mem>>) src(%dma_wait3A_150 : memref<2600000x16xf32, #tpu.memory_space<hbm>>) dst(%dma_wait3A_144 : memref<104x16xf32, #tpu.memory_space<vmem>>)
    %dma_wait3A_151 = arith.constant 7 : i32
    %dma_wait3A_152 = arith.constant 728 : i32
    %dma_wait3A_153 = arith.constant 0 : i32
    %dma_wait3A_154 = tpu.memref_slice %arg6[%dma_wait3A_152, %dma_wait3A_153] : memref<832x16xf32, #tpu.memory_space<vmem>> -> memref<104x16xf32, #tpu.memory_space<vmem>>
    %dma_wait3A_155 = arith.constant 0 : i32
    %dma_wait3A_156 = tpu.memref_slice %arg5[%dma_wait3A_151, %dma_wait3A_155] : memref<8x104xi32, #tpu.memory_space<vmem>> -> memref<1x104xi32, #tpu.memory_space<vmem>>
    %dma_wait3A_157 = tpu.memref_squeeze %dma_wait3A_156 : memref<1x104xi32, #tpu.memory_space<vmem>> -> memref<104xi32, #tpu.memory_space<vmem>>
    %dma_wait3A_158 = arith.constant 0 : i32
    %dma_wait3A_159 = arith.constant 0 : i32
    %dma_wait3A_160 = tpu.memref_slice %arg2[%dma_wait3A_158, %dma_wait3A_159] : memref<2600000x16xf32, #tpu.memory_space<hbm>> -> memref<2600000x16xf32, #tpu.memory_space<hbm>>
    tpu.wait_indirect_dma semaphore(%arg7 : memref<!tpu.dma_semaphore, #tpu.memory_space<semaphore_mem>>) src(%dma_wait3A_160 : memref<2600000x16xf32, #tpu.memory_space<hbm>>) dst(%dma_wait3A_154 : memref<104x16xf32, #tpu.memory_space<vmem>>)
    "tpu.region"() ({
      %run_scoped3A = tpu.sem_alloc : memref<!tpu.dma_semaphore, #tpu.memory_space<semaphore_mem>>
      %dma_start3A_161 = arith.constant 0 : i32
      %dma_start3A_162 = tpu.memref_slice %arg4[%mul3A_2, %dma_start3A_161] : memref<26624x16xf32, #tpu.memory_space<hbm>> -> memref<832x16xf32, #tpu.memory_space<hbm>>
      %dma_start3A_163 = arith.constant 0 : i32
      %dma_start3A_164 = tpu.memref_slice %arg4[%mul3A_2, %dma_start3A_163] : memref<26624x16xf32, #tpu.memory_space<hbm>> -> memref<832x16xf32, #tpu.memory_space<hbm>>
      tpu.enqueue_dma source(%arg6 : memref<832x16xf32, #tpu.memory_space<vmem>>) target(%dma_start3A_164 : memref<832x16xf32, #tpu.memory_space<hbm>>) target_semaphore(%run_scoped3A : memref<!tpu.dma_semaphore, #tpu.memory_space<semaphore_mem>>)
      %dma_wait3A_165 = arith.constant 0 : i32
      %dma_wait3A_166 = tpu.memref_slice %arg4[%mul3A_2, %dma_wait3A_165] : memref<26624x16xf32, #tpu.memory_space<hbm>> -> memref<832x16xf32, #tpu.memory_space<hbm>>
      %dma_wait3A_167 = arith.constant 0 : i32
      %dma_wait3A_168 = tpu.memref_slice %arg4[%mul3A_2, %dma_wait3A_167] : memref<26624x16xf32, #tpu.memory_space<hbm>> -> memref<832x16xf32, #tpu.memory_space<hbm>>
      tpu.wait_dma2 semaphore(%run_scoped3A : memref<!tpu.dma_semaphore, #tpu.memory_space<semaphore_mem>>) src(%arg6 : memref<832x16xf32, #tpu.memory_space<vmem>>) dst(%dma_wait3A_168 : memref<832x16xf32, #tpu.memory_space<hbm>>)
      tpu.yield
    }) : () -> ()
    return
  }
}

module attributes {stable_mosaic.version = 14 : i64} {
  func.func @_bot_body(%arg0: memref<1024x13xf32, #tpu.memory_space<vmem>>, %arg1: memref<13x512xf32, #tpu.memory_space<vmem>>, %arg2: memref<1x512xf32, #tpu.memory_space<vmem>>, %arg3: memref<1x512xf32, #tpu.memory_space<vmem>>, %arg4: memref<512x256xf32, #tpu.memory_space<vmem>>, %arg5: memref<1x256xf32, #tpu.memory_space<vmem>>, %arg6: memref<1x256xf32, #tpu.memory_space<vmem>>, %arg7: memref<256x16xf32, #tpu.memory_space<vmem>>, %arg8: memref<1x16xf32, #tpu.memory_space<vmem>>, %arg9: memref<1x16xf32, #tpu.memory_space<vmem>>, %arg10: memref<1024x16xf32, #tpu.memory_space<vmem>>) attributes {dimension_semantics = [], scalar_prefetch = 0 : i64, scratch_operands = 0 : i64, tpu.core_type = #tpu.core_type<tc>} {
    %get3A = arith.constant 0 : index
    %get3A_0 = arith.constant 0 : index
    %get3A_1 = vector.load %arg0[%get3A, %get3A_0] : memref<1024x13xf32, #tpu.memory_space<vmem>>, vector<1024x13xf32>
    %get3A_2 = arith.constant 0 : index
    %get3A_3 = arith.constant 0 : index
    %get3A_4 = vector.load %arg1[%get3A_2, %get3A_3] : memref<13x512xf32, #tpu.memory_space<vmem>>, vector<13x512xf32>
    %dot_general3A = arith.constant dense<0.000000e+00> : vector<1024x512xf32>
    %dot_general3A_5 = tpu.matmul %get3A_1, %get3A_4, %dot_general3A {dimension_numbers = #tpu.dot_dimension_numbers<[1], [0], [0], [1], [0, 0, 1, 1], [], []>, transpose_lhs_hint = false} : vector<1024x13xf32>, vector<13x512xf32>, vector<1024x512xf32> -> vector<1024x512xf32>
    %get3A_6 = arith.constant 0 : index
    %get3A_7 = arith.constant 0 : index
    %get3A_8 = vector.load %arg2[%get3A_6, %get3A_7] : memref<1x512xf32, #tpu.memory_space<vmem>>, vector<1x512xf32>
    %get3A_9 = arith.constant 0 : index
    %get3A_10 = arith.constant 0 : index
    %get3A_11 = vector.load %arg3[%get3A_9, %get3A_10] : memref<1x512xf32, #tpu.memory_space<vmem>>, vector<1x512xf32>
    %reduce_sum3A = arith.constant dense<0.000000e+00> : vector<512xf32>
    %reduce_sum3A_12 = vector.multi_reduction <add>, %dot_general3A_5, %reduce_sum3A [0] : vector<1024x512xf32> to vector<512xf32>
    %broadcast_in_dim3A = vector.shape_cast %reduce_sum3A_12 : vector<512xf32> to vector<1x512xf32>
    %div3A = arith.constant 1.024000e+03 : f32
    %div3A_13 = vector.broadcast %div3A : f32 to vector<1x512xf32>
    %div3A_14 = arith.divf %broadcast_in_dim3A, %div3A_13 : vector<1x512xf32>
    %sub3A = vector.broadcast %div3A_14 : vector<1x512xf32> to vector<1024x512xf32>
    %sub3A_15 = arith.subf %dot_general3A_5, %sub3A : vector<1024x512xf32>
    %integer_pow3A = arith.mulf %sub3A_15, %sub3A_15 : vector<1024x512xf32>
    %reduce_sum3A_16 = arith.constant dense<0.000000e+00> : vector<512xf32>
    %reduce_sum3A_17 = vector.multi_reduction <add>, %integer_pow3A, %reduce_sum3A_16 [0] : vector<1024x512xf32> to vector<512xf32>
    %broadcast_in_dim3A_18 = vector.shape_cast %reduce_sum3A_17 : vector<512xf32> to vector<1x512xf32>
    %div3A_19 = arith.constant 1.024000e+03 : f32
    %div3A_20 = vector.broadcast %div3A_19 : f32 to vector<1x512xf32>
    %div3A_21 = arith.divf %broadcast_in_dim3A_18, %div3A_20 : vector<1x512xf32>
    %sub3A_22 = vector.broadcast %div3A_14 : vector<1x512xf32> to vector<1024x512xf32>
    %sub3A_23 = arith.subf %dot_general3A_5, %sub3A_22 : vector<1024x512xf32>
    %add3A = arith.constant 9.99999974E-6 : f32
    %add3A_24 = vector.broadcast %add3A : f32 to vector<1x512xf32>
    %add3A_25 = arith.addf %div3A_21, %add3A_24 : vector<1x512xf32>
    %rsqrt3A = math.rsqrt %add3A_25 : vector<1x512xf32>
    %mul3A = vector.broadcast %rsqrt3A : vector<1x512xf32> to vector<1024x512xf32>
    %mul3A_26 = arith.mulf %sub3A_23, %mul3A : vector<1024x512xf32>
    %mul3A_27 = vector.broadcast %get3A_8 : vector<1x512xf32> to vector<1024x512xf32>
    %mul3A_28 = arith.mulf %mul3A_26, %mul3A_27 : vector<1024x512xf32>
    %add3A_29 = vector.broadcast %get3A_11 : vector<1x512xf32> to vector<1024x512xf32>
    %add3A_30 = arith.addf %mul3A_28, %add3A_29 : vector<1024x512xf32>
    %max3A = arith.constant 0.000000e+00 : f32
    %max3A_31 = vector.broadcast %max3A : f32 to vector<1024x512xf32>
    %max3A_32 = arith.maximumf %add3A_30, %max3A_31 : vector<1024x512xf32>
    %get3A_33 = arith.constant 0 : index
    %get3A_34 = arith.constant 0 : index
    %get3A_35 = vector.load %arg4[%get3A_33, %get3A_34] : memref<512x256xf32, #tpu.memory_space<vmem>>, vector<512x256xf32>
    %dot_general3A_36 = arith.constant dense<0.000000e+00> : vector<1024x256xf32>
    %dot_general3A_37 = tpu.matmul %max3A_32, %get3A_35, %dot_general3A_36 {dimension_numbers = #tpu.dot_dimension_numbers<[1], [0], [0], [1], [0, 0, 1, 1], [], []>, transpose_lhs_hint = false} : vector<1024x512xf32>, vector<512x256xf32>, vector<1024x256xf32> -> vector<1024x256xf32>
    %get3A_38 = arith.constant 0 : index
    %get3A_39 = arith.constant 0 : index
    %get3A_40 = vector.load %arg5[%get3A_38, %get3A_39] : memref<1x256xf32, #tpu.memory_space<vmem>>, vector<1x256xf32>
    %get3A_41 = arith.constant 0 : index
    %get3A_42 = arith.constant 0 : index
    %get3A_43 = vector.load %arg6[%get3A_41, %get3A_42] : memref<1x256xf32, #tpu.memory_space<vmem>>, vector<1x256xf32>
    %reduce_sum3A_44 = arith.constant dense<0.000000e+00> : vector<256xf32>
    %reduce_sum3A_45 = vector.multi_reduction <add>, %dot_general3A_37, %reduce_sum3A_44 [0] : vector<1024x256xf32> to vector<256xf32>
    %broadcast_in_dim3A_46 = vector.shape_cast %reduce_sum3A_45 : vector<256xf32> to vector<1x256xf32>
    %div3A_47 = arith.constant 1.024000e+03 : f32
    %div3A_48 = vector.broadcast %div3A_47 : f32 to vector<1x256xf32>
    %div3A_49 = arith.divf %broadcast_in_dim3A_46, %div3A_48 : vector<1x256xf32>
    %sub3A_50 = vector.broadcast %div3A_49 : vector<1x256xf32> to vector<1024x256xf32>
    %sub3A_51 = arith.subf %dot_general3A_37, %sub3A_50 : vector<1024x256xf32>
    %integer_pow3A_52 = arith.mulf %sub3A_51, %sub3A_51 : vector<1024x256xf32>
    %reduce_sum3A_53 = arith.constant dense<0.000000e+00> : vector<256xf32>
    %reduce_sum3A_54 = vector.multi_reduction <add>, %integer_pow3A_52, %reduce_sum3A_53 [0] : vector<1024x256xf32> to vector<256xf32>
    %broadcast_in_dim3A_55 = vector.shape_cast %reduce_sum3A_54 : vector<256xf32> to vector<1x256xf32>
    %div3A_56 = arith.constant 1.024000e+03 : f32
    %div3A_57 = vector.broadcast %div3A_56 : f32 to vector<1x256xf32>
    %div3A_58 = arith.divf %broadcast_in_dim3A_55, %div3A_57 : vector<1x256xf32>
    %sub3A_59 = vector.broadcast %div3A_49 : vector<1x256xf32> to vector<1024x256xf32>
    %sub3A_60 = arith.subf %dot_general3A_37, %sub3A_59 : vector<1024x256xf32>
    %add3A_61 = arith.constant 9.99999974E-6 : f32
    %add3A_62 = vector.broadcast %add3A_61 : f32 to vector<1x256xf32>
    %add3A_63 = arith.addf %div3A_58, %add3A_62 : vector<1x256xf32>
    %rsqrt3A_64 = math.rsqrt %add3A_63 : vector<1x256xf32>
    %mul3A_65 = vector.broadcast %rsqrt3A_64 : vector<1x256xf32> to vector<1024x256xf32>
    %mul3A_66 = arith.mulf %sub3A_60, %mul3A_65 : vector<1024x256xf32>
    %mul3A_67 = vector.broadcast %get3A_40 : vector<1x256xf32> to vector<1024x256xf32>
    %mul3A_68 = arith.mulf %mul3A_66, %mul3A_67 : vector<1024x256xf32>
    %add3A_69 = vector.broadcast %get3A_43 : vector<1x256xf32> to vector<1024x256xf32>
    %add3A_70 = arith.addf %mul3A_68, %add3A_69 : vector<1024x256xf32>
    %max3A_71 = arith.constant 0.000000e+00 : f32
    %max3A_72 = vector.broadcast %max3A_71 : f32 to vector<1024x256xf32>
    %max3A_73 = arith.maximumf %add3A_70, %max3A_72 : vector<1024x256xf32>
    %get3A_74 = arith.constant 0 : index
    %get3A_75 = arith.constant 0 : index
    %get3A_76 = vector.load %arg7[%get3A_74, %get3A_75] : memref<256x16xf32, #tpu.memory_space<vmem>>, vector<256x16xf32>
    %dot_general3A_77 = arith.constant dense<0.000000e+00> : vector<1024x16xf32>
    %dot_general3A_78 = tpu.matmul %max3A_73, %get3A_76, %dot_general3A_77 {dimension_numbers = #tpu.dot_dimension_numbers<[1], [0], [0], [1], [0, 0, 1, 1], [], []>, transpose_lhs_hint = false} : vector<1024x256xf32>, vector<256x16xf32>, vector<1024x16xf32> -> vector<1024x16xf32>
    %get3A_79 = arith.constant 0 : index
    %get3A_80 = arith.constant 0 : index
    %get3A_81 = vector.load %arg8[%get3A_79, %get3A_80] : memref<1x16xf32, #tpu.memory_space<vmem>>, vector<1x16xf32>
    %get3A_82 = arith.constant 0 : index
    %get3A_83 = arith.constant 0 : index
    %get3A_84 = vector.load %arg9[%get3A_82, %get3A_83] : memref<1x16xf32, #tpu.memory_space<vmem>>, vector<1x16xf32>
    %reduce_sum3A_85 = arith.constant dense<0.000000e+00> : vector<16xf32>
    %reduce_sum3A_86 = vector.multi_reduction <add>, %dot_general3A_78, %reduce_sum3A_85 [0] : vector<1024x16xf32> to vector<16xf32>
    %broadcast_in_dim3A_87 = vector.shape_cast %reduce_sum3A_86 : vector<16xf32> to vector<1x16xf32>
    %div3A_88 = arith.constant 1.024000e+03 : f32
    %div3A_89 = vector.broadcast %div3A_88 : f32 to vector<1x16xf32>
    %div3A_90 = arith.divf %broadcast_in_dim3A_87, %div3A_89 : vector<1x16xf32>
    %sub3A_91 = vector.broadcast %div3A_90 : vector<1x16xf32> to vector<1024x16xf32>
    %sub3A_92 = arith.subf %dot_general3A_78, %sub3A_91 : vector<1024x16xf32>
    %integer_pow3A_93 = arith.mulf %sub3A_92, %sub3A_92 : vector<1024x16xf32>
    %reduce_sum3A_94 = arith.constant dense<0.000000e+00> : vector<16xf32>
    %reduce_sum3A_95 = vector.multi_reduction <add>, %integer_pow3A_93, %reduce_sum3A_94 [0] : vector<1024x16xf32> to vector<16xf32>
    %broadcast_in_dim3A_96 = vector.shape_cast %reduce_sum3A_95 : vector<16xf32> to vector<1x16xf32>
    %div3A_97 = arith.constant 1.024000e+03 : f32
    %div3A_98 = vector.broadcast %div3A_97 : f32 to vector<1x16xf32>
    %div3A_99 = arith.divf %broadcast_in_dim3A_96, %div3A_98 : vector<1x16xf32>
    %sub3A_100 = vector.broadcast %div3A_90 : vector<1x16xf32> to vector<1024x16xf32>
    %sub3A_101 = arith.subf %dot_general3A_78, %sub3A_100 : vector<1024x16xf32>
    %add3A_102 = arith.constant 9.99999974E-6 : f32
    %add3A_103 = vector.broadcast %add3A_102 : f32 to vector<1x16xf32>
    %add3A_104 = arith.addf %div3A_99, %add3A_103 : vector<1x16xf32>
    %rsqrt3A_105 = math.rsqrt %add3A_104 : vector<1x16xf32>
    %mul3A_106 = vector.broadcast %rsqrt3A_105 : vector<1x16xf32> to vector<1024x16xf32>
    %mul3A_107 = arith.mulf %sub3A_101, %mul3A_106 : vector<1024x16xf32>
    %mul3A_108 = vector.broadcast %get3A_81 : vector<1x16xf32> to vector<1024x16xf32>
    %mul3A_109 = arith.mulf %mul3A_107, %mul3A_108 : vector<1024x16xf32>
    %add3A_110 = vector.broadcast %get3A_84 : vector<1x16xf32> to vector<1024x16xf32>
    %add3A_111 = arith.addf %mul3A_109, %add3A_110 : vector<1024x16xf32>
    %max3A_112 = arith.constant 0.000000e+00 : f32
    %max3A_113 = vector.broadcast %max3A_112 : f32 to vector<1024x16xf32>
    %max3A_114 = arith.maximumf %add3A_111, %max3A_113 : vector<1024x16xf32>
    %swap3A = arith.constant 0 : index
    %swap3A_115 = arith.constant 0 : index
    %swap3A_116 = vector.load %arg10[%swap3A, %swap3A_115] : memref<1024x16xf32, #tpu.memory_space<vmem>>, vector<1024x16xf32>
    tpu.vector_store %arg10[%swap3A, %swap3A_115], %max3A_114 {strides = array<i32>} : memref<1024x16xf32, #tpu.memory_space<vmem>>, vector<1024x16xf32>,
    return
  }
}

module attributes {stable_mosaic.version = 14 : i64} {
  func.func @_top_body(%arg0: i32, %arg1: memref<1024x16xf32, #tpu.memory_space<vmem>>, %arg2: memref<1024x416xf32, #tpu.memory_space<vmem>>, %arg3: memref<16x256xf32, #tpu.memory_space<vmem>>, %arg4: memref<1x448x2048xbf16, #tpu.memory_space<vmem>>, %arg5: memref<1x256xf32, #tpu.memory_space<vmem>>, %arg6: memref<1x256xf32, #tpu.memory_space<vmem>>, %arg7: memref<256x128xf32, #tpu.memory_space<vmem>>, %arg8: memref<1x128xf32, #tpu.memory_space<vmem>>, %arg9: memref<1x128xf32, #tpu.memory_space<vmem>>, %arg10: memref<128x1xf32, #tpu.memory_space<vmem>>, %arg11: memref<1x1xf32, #tpu.memory_space<vmem>>, %arg12: memref<1024x1xf32, #tpu.memory_space<vmem>>, %arg13: memref<1024x448xf32, #tpu.memory_space<vmem>>, %arg14: memref<1024x448xbf16, #tpu.memory_space<vmem>>, %arg15: memref<1024x256xf32, #tpu.memory_space<vmem>>) attributes {dimension_semantics = [#tpu.dimension_semantics<arbitrary>], iteration_bounds = array<i64: 54>, scalar_prefetch = 0 : i64, scratch_operands = 3 : i64, tpu.core_type = #tpu.core_type<tc>, window_params = [{pipeline_mode = #tpu.pipeline_mode<synchronous>, transform_indices = @transform_0, window_bounds = array<i64: 1024, 16>}, {pipeline_mode = #tpu.pipeline_mode<synchronous>, transform_indices = @transform_1, window_bounds = array<i64: 1024, 416>}, {pipeline_mode = #tpu.pipeline_mode<synchronous>, transform_indices = @transform_2, window_bounds = array<i64: 16, 256>}, {transform_indices = @transform_3, window_bounds = array<i64: 1, 448, 2048>}, {pipeline_mode = #tpu.pipeline_mode<synchronous>, transform_indices = @transform_4, window_bounds = array<i64: 1, 256>}, {pipeline_mode = #tpu.pipeline_mode<synchronous>, transform_indices = @transform_5, window_bounds = array<i64: 1, 256>}, {pipeline_mode = #tpu.pipeline_mode<synchronous>, transform_indices = @transform_6, window_bounds = array<i64: 256, 128>}, {pipeline_mode = #tpu.pipeline_mode<synchronous>, transform_indices = @transform_7, window_bounds = array<i64: 1, 128>}, {pipeline_mode = #tpu.pipeline_mode<synchronous>, transform_indices = @transform_8, window_bounds = array<i64: 1, 128>}, {pipeline_mode = #tpu.pipeline_mode<synchronous>, transform_indices = @transform_9, window_bounds = array<i64: 128, 1>}, {pipeline_mode = #tpu.pipeline_mode<synchronous>, transform_indices = @transform_10, window_bounds = array<i64: 1, 1>}, {pipeline_mode = #tpu.pipeline_mode<synchronous>, transform_indices = @transform_11, window_bounds = array<i64: 1024, 1>}]} {
    %eq3A = arith.constant 0 : i32
    %eq3A_0 = arith.cmpi eq, %arg0, %eq3A : i32
    %convert_element_type3A = arith.extui %eq3A_0 : i1 to i32
    %cond3A = arith.constant 0 : i32
    %cond3A_1 = arith.cmpi ne, %convert_element_type3A, %cond3A : i32
    scf.if %cond3A_1 {
      %get3A_71 = arith.constant 0 : index
      %get3A_72 = arith.constant 0 : index
      %get3A_73 = vector.load %arg1[%get3A_71, %get3A_72] : memref<1024x16xf32, #tpu.memory_space<vmem>>, vector<1024x16xf32>
      %get3A_74 = arith.constant 0 : index
      %get3A_75 = arith.constant 0 : index
      %get3A_76 = vector.load %arg2[%get3A_74, %get3A_75] : memref<1024x416xf32, #tpu.memory_space<vmem>>, vector<1024x416xf32>
      %concatenate3A = tpu.concatenate %get3A_73, %get3A_76 in 1 : vector<1024x16xf32>, vector<1024x416xf32> -> vector<1024x432xf32>
      %broadcast_in_dim3A_77 = arith.constant 0.000000e+00 : f32
      %broadcast_in_dim3A_78 = vector.broadcast %broadcast_in_dim3A_77 : f32 to vector<1024x448xf32>
      %swap3A_79 = arith.constant 0 : index
      %swap3A_80 = arith.constant 0 : index
      %swap3A_81 = vector.load %arg13[%swap3A_79, %swap3A_80] : memref<1024x448xf32, #tpu.memory_space<vmem>>, vector<1024x448xf32>
      tpu.vector_store %arg13[%swap3A_79, %swap3A_80], %broadcast_in_dim3A_78 {strides = array<i32>} : memref<1024x448xf32, #tpu.memory_space<vmem>>, vector<1024x448xf32>,
      %swap3A_82 = arith.constant 0 : index
      %swap3A_83 = arith.constant 0 : index
      %swap3A_84 = vector.load %arg13[%swap3A_82, %swap3A_83] : memref<1024x448xf32, #tpu.memory_space<vmem>>, vector<1024x432xf32>
      tpu.vector_store %arg13[%swap3A_82, %swap3A_83], %concatenate3A {strides = array<i32>} : memref<1024x448xf32, #tpu.memory_space<vmem>>, vector<1024x432xf32>,
      %get3A_85 = arith.constant 0 : index
      %get3A_86 = arith.constant 0 : index
      %get3A_87 = vector.load %arg13[%get3A_85, %get3A_86] : memref<1024x448xf32, #tpu.memory_space<vmem>>, vector<1024x448xf32>
      %convert_element_type3A_88 = arith.truncf %get3A_87 : vector<1024x448xf32> to vector<1024x448xbf16>
      %swap3A_89 = arith.constant 0 : index
      %swap3A_90 = arith.constant 0 : index
      %swap3A_91 = vector.load %arg14[%swap3A_89, %swap3A_90] : memref<1024x448xbf16, #tpu.memory_space<vmem>>, vector<1024x448xbf16>
      tpu.vector_store %arg14[%swap3A_89, %swap3A_90], %convert_element_type3A_88 {strides = array<i32>} : memref<1024x448xbf16, #tpu.memory_space<vmem>>, vector<1024x448xbf16>,
      %get3A_92 = arith.constant 0 : index
      %get3A_93 = arith.constant 0 : index
      %get3A_94 = vector.load %arg1[%get3A_92, %get3A_93] : memref<1024x16xf32, #tpu.memory_space<vmem>>, vector<1024x16xf32>
      %get3A_95 = arith.constant 0 : index
      %get3A_96 = arith.constant 0 : index
      %get3A_97 = vector.load %arg3[%get3A_95, %get3A_96] : memref<16x256xf32, #tpu.memory_space<vmem>>, vector<16x256xf32>
      %dot_general3A_98 = arith.constant dense<0.000000e+00> : vector<1024x256xf32>
      %dot_general3A_99 = tpu.matmul %get3A_94, %get3A_97, %dot_general3A_98 {dimension_numbers = #tpu.dot_dimension_numbers<[1], [0], [0], [1], [0, 0, 1, 1], [], []>, transpose_lhs_hint = false} : vector<1024x16xf32>, vector<16x256xf32>, vector<1024x256xf32> -> vector<1024x256xf32>
      %swap3A_100 = arith.constant 0 : index
      %swap3A_101 = arith.constant 0 : index
      %swap3A_102 = vector.load %arg15[%swap3A_100, %swap3A_101] : memref<1024x256xf32, #tpu.memory_space<vmem>>, vector<1024x256xf32>
      tpu.vector_store %arg15[%swap3A_100, %swap3A_101], %dot_general3A_99 {strides = array<i32>} : memref<1024x256xf32, #tpu.memory_space<vmem>>, vector<1024x256xf32>,
    } else {
    }
    %iota3A = tpu.iota {dimensions = array<i32: 0>} : vector<448x128xi32>
    %iota3A_2 = tpu.iota {dimensions = array<i32: 1>} : vector<448x128xi32>
    %mul3A = arith.constant 8 : i32
    %mul3A_3 = arith.muli %mul3A, %arg0 : i32
    %sub3A = vector.broadcast %mul3A_3 : i32 to vector<448x128xi32>
    %sub3A_4 = arith.subi %iota3A, %sub3A : vector<448x128xi32>
    %eq3A_5 = arith.cmpi eq, %sub3A_4, %iota3A_2 : vector<448x128xi32>
    %lt3A = arith.constant 8 : i32
    %lt3A_6 = vector.broadcast %lt3A : i32 to vector<448x128xi32>
    %lt3A_7 = arith.cmpi slt, %iota3A_2, %lt3A_6 : vector<448x128xi32>
    %and3A = arith.andi %eq3A_5, %lt3A_7 : vector<448x128xi1>
    %jit3A = arith.constant 1.000000e+00 : f32
    %jit3A_8 = arith.constant 0.000000e+00 : f32
    %broadcast_in_dim3A = vector.broadcast %jit3A : f32 to vector<448x128xf32>
    %broadcast_in_dim3A_9 = vector.broadcast %jit3A_8 : f32 to vector<448x128xf32>
    %select_n3A = arith.select %and3A, %broadcast_in_dim3A, %broadcast_in_dim3A_9 : vector<448x128xi1>, vector<448x128xf32>
    %get3A = arith.constant 0 : index
    %get3A_10 = arith.constant 0 : index
    %get3A_11 = vector.load %arg13[%get3A, %get3A_10] : memref<1024x448xf32, #tpu.memory_space<vmem>>, vector<1024x448xf32>
    %dot_general3A = arith.constant dense<0.000000e+00> : vector<1024x128xf32>
    %dot_general3A_12 = tpu.matmul %get3A_11, %select_n3A, %dot_general3A {dimension_numbers = #tpu.dot_dimension_numbers<[1], [0], [0], [1], [0, 0, 1, 1], [], []>, transpose_lhs_hint = false} : vector<1024x448xf32>, vector<448x128xf32>, vector<1024x128xf32> -> vector<1024x128xf32>
    %get3A_13 = arith.constant 0 : index
    %get3A_14 = arith.constant 0 : index
    %get3A_15 = vector.load %arg14[%get3A_13, %get3A_14] : memref<1024x448xbf16, #tpu.memory_space<vmem>>, vector<1024x448xbf16>
    %get3A_16 = arith.constant 0 : index
    %get3A_17 = arith.constant 0 : index
    %get3A_18 = arith.constant 0 : index
    %get3A_19 = vector.load %arg4[%get3A_16, %get3A_17, %get3A_18] : memref<1x448x2048xbf16, #tpu.memory_space<vmem>>, vector<1x448x2048xbf16>
    %get3A_20 = vector.shape_cast %get3A_19 : vector<1x448x2048xbf16> to vector<448x2048xbf16>
    %dot_general3A_21 = arith.constant dense<0.000000e+00> : vector<1024x2048xf32>
    %dot_general3A_22 = tpu.matmul %get3A_15, %get3A_20, %dot_general3A_21 {dimension_numbers = #tpu.dot_dimension_numbers<[1], [0], [0], [1], [0, 0, 1, 1], [], []>, transpose_lhs_hint = false} : vector<1024x448xbf16>, vector<448x2048xbf16>, vector<1024x2048xf32> -> vector<1024x2048xf32>
    %slice3A = vector.extract_strided_slice %dot_general3A_12 {offsets = [0, 0], sizes = [1024, 1], strides = [1, 1]} : vector<1024x128xf32> to vector<1024x1xf32>
    %slice3A_23 = vector.extract_strided_slice %dot_general3A_22 {offsets = [0, 0], sizes = [1024, 256], strides = [1, 1]} : vector<1024x2048xf32> to vector<1024x256xf32>
    %mul3A_24 = vector.broadcast %slice3A : vector<1024x1xf32> to vector<1024x256xf32>
    %mul3A_25 = arith.mulf %mul3A_24, %slice3A_23 : vector<1024x256xf32>
    %slice3A_26 = vector.extract_strided_slice %dot_general3A_12 {offsets = [0, 1], sizes = [1024, 1], strides = [1, 1]} : vector<1024x128xf32> to vector<1024x1xf32>
    %slice3A_27 = vector.extract_strided_slice %dot_general3A_22 {offsets = [0, 256], sizes = [1024, 256], strides = [1, 1]} : vector<1024x2048xf32> to vector<1024x256xf32>
    %mul3A_28 = vector.broadcast %slice3A_26 : vector<1024x1xf32> to vector<1024x256xf32>
    %mul3A_29 = arith.mulf %mul3A_28, %slice3A_27 : vector<1024x256xf32>
    %add3A = arith.addf %mul3A_25, %mul3A_29 : vector<1024x256xf32>
    %slice3A_30 = vector.extract_strided_slice %dot_general3A_12 {offsets = [0, 2], sizes = [1024, 1], strides = [1, 1]} : vector<1024x128xf32> to vector<1024x1xf32>
    %slice3A_31 = vector.extract_strided_slice %dot_general3A_22 {offsets = [0, 512], sizes = [1024, 256], strides = [1, 1]} : vector<1024x2048xf32> to vector<1024x256xf32>
    %mul3A_32 = vector.broadcast %slice3A_30 : vector<1024x1xf32> to vector<1024x256xf32>
    %mul3A_33 = arith.mulf %mul3A_32, %slice3A_31 : vector<1024x256xf32>
    %add3A_34 = arith.addf %add3A, %mul3A_33 : vector<1024x256xf32>
    %slice3A_35 = vector.extract_strided_slice %dot_general3A_12 {offsets = [0, 3], sizes = [1024, 1], strides = [1, 1]} : vector<1024x128xf32> to vector<1024x1xf32>
    %slice3A_36 = vector.extract_strided_slice %dot_general3A_22 {offsets = [0, 768], sizes = [1024, 256], strides = [1, 1]} : vector<1024x2048xf32> to vector<1024x256xf32>
    %mul3A_37 = vector.broadcast %slice3A_35 : vector<1024x1xf32> to vector<1024x256xf32>
    %mul3A_38 = arith.mulf %mul3A_37, %slice3A_36 : vector<1024x256xf32>
    %add3A_39 = arith.addf %add3A_34, %mul3A_38 : vector<1024x256xf32>
    %slice3A_40 = vector.extract_strided_slice %dot_general3A_12 {offsets = [0, 4], sizes = [1024, 1], strides = [1, 1]} : vector<1024x128xf32> to vector<1024x1xf32>
    %slice3A_41 = vector.extract_strided_slice %dot_general3A_22 {offsets = [0, 1024], sizes = [1024, 256], strides = [1, 1]} : vector<1024x2048xf32> to vector<1024x256xf32>
    %mul3A_42 = vector.broadcast %slice3A_40 : vector<1024x1xf32> to vector<1024x256xf32>
    %mul3A_43 = arith.mulf %mul3A_42, %slice3A_41 : vector<1024x256xf32>
    %add3A_44 = arith.addf %add3A_39, %mul3A_43 : vector<1024x256xf32>
    %slice3A_45 = vector.extract_strided_slice %dot_general3A_12 {offsets = [0, 5], sizes = [1024, 1], strides = [1, 1]} : vector<1024x128xf32> to vector<1024x1xf32>
    %slice3A_46 = vector.extract_strided_slice %dot_general3A_22 {offsets = [0, 1280], sizes = [1024, 256], strides = [1, 1]} : vector<1024x2048xf32> to vector<1024x256xf32>
    %mul3A_47 = vector.broadcast %slice3A_45 : vector<1024x1xf32> to vector<1024x256xf32>
    %mul3A_48 = arith.mulf %mul3A_47, %slice3A_46 : vector<1024x256xf32>
    %add3A_49 = arith.addf %add3A_44, %mul3A_48 : vector<1024x256xf32>
    %slice3A_50 = vector.extract_strided_slice %dot_general3A_12 {offsets = [0, 6], sizes = [1024, 1], strides = [1, 1]} : vector<1024x128xf32> to vector<1024x1xf32>
    %slice3A_51 = vector.extract_strided_slice %dot_general3A_22 {offsets = [0, 1536], sizes = [1024, 256], strides = [1, 1]} : vector<1024x2048xf32> to vector<1024x256xf32>
    %mul3A_52 = vector.broadcast %slice3A_50 : vector<1024x1xf32> to vector<1024x256xf32>
    %mul3A_53 = arith.mulf %mul3A_52, %slice3A_51 : vector<1024x256xf32>
    %add3A_54 = arith.addf %add3A_49, %mul3A_53 : vector<1024x256xf32>
    %slice3A_55 = vector.extract_strided_slice %dot_general3A_12 {offsets = [0, 7], sizes = [1024, 1], strides = [1, 1]} : vector<1024x128xf32> to vector<1024x1xf32>
    %slice3A_56 = vector.extract_strided_slice %dot_general3A_22 {offsets = [0, 1792], sizes = [1024, 256], strides = [1, 1]} : vector<1024x2048xf32> to vector<1024x256xf32>
    %mul3A_57 = vector.broadcast %slice3A_55 : vector<1024x1xf32> to vector<1024x256xf32>
    %mul3A_58 = arith.mulf %mul3A_57, %slice3A_56 : vector<1024x256xf32>
    %add3A_59 = arith.addf %add3A_54, %mul3A_58 : vector<1024x256xf32>
    %get3A_60 = arith.constant 0 : index
    %get3A_61 = arith.constant 0 : index
    %get3A_62 = vector.load %arg15[%get3A_60, %get3A_61] : memref<1024x256xf32, #tpu.memory_space<vmem>>, vector<1024x256xf32>
    %add3A_63 = arith.addf %get3A_62, %add3A_59 : vector<1024x256xf32>
    %swap3A = arith.constant 0 : index
    %swap3A_64 = arith.constant 0 : index
    %swap3A_65 = vector.load %arg15[%swap3A, %swap3A_64] : memref<1024x256xf32, #tpu.memory_space<vmem>>, vector<1024x256xf32>
    tpu.vector_store %arg15[%swap3A, %swap3A_64], %add3A_63 {strides = array<i32>} : memref<1024x256xf32, #tpu.memory_space<vmem>>, vector<1024x256xf32>,
    %eq3A_66 = arith.constant 53 : i32
    %eq3A_67 = arith.cmpi eq, %arg0, %eq3A_66 : i32
    %convert_element_type3A_68 = arith.extui %eq3A_67 : i1 to i32
    %cond3A_69 = arith.constant 0 : i32
    %cond3A_70 = arith.cmpi ne, %convert_element_type3A_68, %cond3A_69 : i32
    scf.if %cond3A_70 {
      %get3A_71 = arith.constant 0 : index
      %get3A_72 = arith.constant 0 : index
      %get3A_73 = vector.load %arg15[%get3A_71, %get3A_72] : memref<1024x256xf32, #tpu.memory_space<vmem>>, vector<1024x256xf32>
      %get3A_74 = arith.constant 0 : index
      %get3A_75 = arith.constant 0 : index
      %get3A_76 = vector.load %arg5[%get3A_74, %get3A_75] : memref<1x256xf32, #tpu.memory_space<vmem>>, vector<1x256xf32>
      %get3A_77 = arith.constant 0 : index
      %get3A_78 = arith.constant 0 : index
      %get3A_79 = vector.load %arg6[%get3A_77, %get3A_78] : memref<1x256xf32, #tpu.memory_space<vmem>>, vector<1x256xf32>
      %reduce_sum3A = arith.constant dense<0.000000e+00> : vector<256xf32>
      %reduce_sum3A_80 = vector.multi_reduction <add>, %get3A_73, %reduce_sum3A [0] : vector<1024x256xf32> to vector<256xf32>
      %broadcast_in_dim3A_81 = vector.shape_cast %reduce_sum3A_80 : vector<256xf32> to vector<1x256xf32>
      %div3A = arith.constant 1.024000e+03 : f32
      %div3A_82 = vector.broadcast %div3A : f32 to vector<1x256xf32>
      %div3A_83 = arith.divf %broadcast_in_dim3A_81, %div3A_82 : vector<1x256xf32>
      %sub3A_84 = vector.broadcast %div3A_83 : vector<1x256xf32> to vector<1024x256xf32>
      %sub3A_85 = arith.subf %get3A_73, %sub3A_84 : vector<1024x256xf32>
      %integer_pow3A = arith.mulf %sub3A_85, %sub3A_85 : vector<1024x256xf32>
      %reduce_sum3A_86 = arith.constant dense<0.000000e+00> : vector<256xf32>
      %reduce_sum3A_87 = vector.multi_reduction <add>, %integer_pow3A, %reduce_sum3A_86 [0] : vector<1024x256xf32> to vector<256xf32>
      %broadcast_in_dim3A_88 = vector.shape_cast %reduce_sum3A_87 : vector<256xf32> to vector<1x256xf32>
      %div3A_89 = arith.constant 1.024000e+03 : f32
      %div3A_90 = vector.broadcast %div3A_89 : f32 to vector<1x256xf32>
      %div3A_91 = arith.divf %broadcast_in_dim3A_88, %div3A_90 : vector<1x256xf32>
      %sub3A_92 = vector.broadcast %div3A_83 : vector<1x256xf32> to vector<1024x256xf32>
      %sub3A_93 = arith.subf %get3A_73, %sub3A_92 : vector<1024x256xf32>
      %add3A_94 = arith.constant 9.99999974E-6 : f32
      %add3A_95 = vector.broadcast %add3A_94 : f32 to vector<1x256xf32>
      %add3A_96 = arith.addf %div3A_91, %add3A_95 : vector<1x256xf32>
      %rsqrt3A = math.rsqrt %add3A_96 : vector<1x256xf32>
      %mul3A_97 = vector.broadcast %rsqrt3A : vector<1x256xf32> to vector<1024x256xf32>
      %mul3A_98 = arith.mulf %sub3A_93, %mul3A_97 : vector<1024x256xf32>
      %mul3A_99 = vector.broadcast %get3A_76 : vector<1x256xf32> to vector<1024x256xf32>
      %mul3A_100 = arith.mulf %mul3A_98, %mul3A_99 : vector<1024x256xf32>
      %add3A_101 = vector.broadcast %get3A_79 : vector<1x256xf32> to vector<1024x256xf32>
      %add3A_102 = arith.addf %mul3A_100, %add3A_101 : vector<1024x256xf32>
      %max3A = arith.constant 0.000000e+00 : f32
      %max3A_103 = vector.broadcast %max3A : f32 to vector<1024x256xf32>
      %max3A_104 = arith.maximumf %add3A_102, %max3A_103 : vector<1024x256xf32>
      %get3A_105 = arith.constant 0 : index
      %get3A_106 = arith.constant 0 : index
      %get3A_107 = vector.load %arg7[%get3A_105, %get3A_106] : memref<256x128xf32, #tpu.memory_space<vmem>>, vector<256x128xf32>
      %dot_general3A_108 = arith.constant dense<0.000000e+00> : vector<1024x128xf32>
      %dot_general3A_109 = tpu.matmul %max3A_104, %get3A_107, %dot_general3A_108 {dimension_numbers = #tpu.dot_dimension_numbers<[1], [0], [0], [1], [0, 0, 1, 1], [], []>, transpose_lhs_hint = false} : vector<1024x256xf32>, vector<256x128xf32>, vector<1024x128xf32> -> vector<1024x128xf32>
      %get3A_110 = arith.constant 0 : index
      %get3A_111 = arith.constant 0 : index
      %get3A_112 = vector.load %arg8[%get3A_110, %get3A_111] : memref<1x128xf32, #tpu.memory_space<vmem>>, vector<1x128xf32>
      %get3A_113 = arith.constant 0 : index
      %get3A_114 = arith.constant 0 : index
      %get3A_115 = vector.load %arg9[%get3A_113, %get3A_114] : memref<1x128xf32, #tpu.memory_space<vmem>>, vector<1x128xf32>
      %reduce_sum3A_116 = arith.constant dense<0.000000e+00> : vector<128xf32>
      %reduce_sum3A_117 = vector.multi_reduction <add>, %dot_general3A_109, %reduce_sum3A_116 [0] : vector<1024x128xf32> to vector<128xf32>
      %broadcast_in_dim3A_118 = vector.shape_cast %reduce_sum3A_117 : vector<128xf32> to vector<1x128xf32>
      %div3A_119 = arith.constant 1.024000e+03 : f32
      %div3A_120 = vector.broadcast %div3A_119 : f32 to vector<1x128xf32>
      %div3A_121 = arith.divf %broadcast_in_dim3A_118, %div3A_120 : vector<1x128xf32>
      %sub3A_122 = vector.broadcast %div3A_121 : vector<1x128xf32> to vector<1024x128xf32>
      %sub3A_123 = arith.subf %dot_general3A_109, %sub3A_122 : vector<1024x128xf32>
      %integer_pow3A_124 = arith.mulf %sub3A_123, %sub3A_123 : vector<1024x128xf32>
      %reduce_sum3A_125 = arith.constant dense<0.000000e+00> : vector<128xf32>
      %reduce_sum3A_126 = vector.multi_reduction <add>, %integer_pow3A_124, %reduce_sum3A_125 [0] : vector<1024x128xf32> to vector<128xf32>
      %broadcast_in_dim3A_127 = vector.shape_cast %reduce_sum3A_126 : vector<128xf32> to vector<1x128xf32>
      %div3A_128 = arith.constant 1.024000e+03 : f32
      %div3A_129 = vector.broadcast %div3A_128 : f32 to vector<1x128xf32>
      %div3A_130 = arith.divf %broadcast_in_dim3A_127, %div3A_129 : vector<1x128xf32>
      %sub3A_131 = vector.broadcast %div3A_121 : vector<1x128xf32> to vector<1024x128xf32>
      %sub3A_132 = arith.subf %dot_general3A_109, %sub3A_131 : vector<1024x128xf32>
      %add3A_133 = arith.constant 9.99999974E-6 : f32
      %add3A_134 = vector.broadcast %add3A_133 : f32 to vector<1x128xf32>
      %add3A_135 = arith.addf %div3A_130, %add3A_134 : vector<1x128xf32>
      %rsqrt3A_136 = math.rsqrt %add3A_135 : vector<1x128xf32>
      %mul3A_137 = vector.broadcast %rsqrt3A_136 : vector<1x128xf32> to vector<1024x128xf32>
      %mul3A_138 = arith.mulf %sub3A_132, %mul3A_137 : vector<1024x128xf32>
      %mul3A_139 = vector.broadcast %get3A_112 : vector<1x128xf32> to vector<1024x128xf32>
      %mul3A_140 = arith.mulf %mul3A_138, %mul3A_139 : vector<1024x128xf32>
      %add3A_141 = vector.broadcast %get3A_115 : vector<1x128xf32> to vector<1024x128xf32>
      %add3A_142 = arith.addf %mul3A_140, %add3A_141 : vector<1024x128xf32>
      %max3A_143 = arith.constant 0.000000e+00 : f32
      %max3A_144 = vector.broadcast %max3A_143 : f32 to vector<1024x128xf32>
      %max3A_145 = arith.maximumf %add3A_142, %max3A_144 : vector<1024x128xf32>
      %get3A_146 = arith.constant 0 : index
      %get3A_147 = arith.constant 0 : index
      %get3A_148 = vector.load %arg10[%get3A_146, %get3A_147] : memref<128x1xf32, #tpu.memory_space<vmem>>, vector<128x1xf32>
      %dot_general3A_149 = arith.constant dense<0.000000e+00> : vector<1024x1xf32>
      %dot_general3A_150 = tpu.matmul %max3A_145, %get3A_148, %dot_general3A_149 {dimension_numbers = #tpu.dot_dimension_numbers<[1], [0], [0], [1], [0, 0, 1, 1], [], []>, transpose_lhs_hint = false} : vector<1024x128xf32>, vector<128x1xf32>, vector<1024x1xf32> -> vector<1024x1xf32>
      %get3A_151 = arith.constant 0 : index
      %get3A_152 = arith.constant 0 : index
      %get3A_153 = vector.load %arg11[%get3A_151, %get3A_152] : memref<1x1xf32, #tpu.memory_space<vmem>>, vector<1x1xf32>
      %add3A_154 = vector.broadcast %get3A_153 : vector<1x1xf32> to vector<1024x1xf32>
      %add3A_155 = arith.addf %dot_general3A_150, %add3A_154 : vector<1024x1xf32>
      %swap3A_156 = arith.constant 0 : index
      %swap3A_157 = arith.constant 0 : index
      %swap3A_158 = vector.load %arg12[%swap3A_156, %swap3A_157] : memref<1024x1xf32, #tpu.memory_space<vmem>>, vector<1024x1xf32>
      tpu.vector_store %arg12[%swap3A_156, %swap3A_157], %add3A_155 {strides = array<i32>} : memref<1024x1xf32, #tpu.memory_space<vmem>>, vector<1024x1xf32>,
    } else {
    }
    return
  }
  func.func @transform_0(%arg0: i32) -> (i32, i32) {
    %c0_i32 = arith.constant 0 : i32
    %c0_i32_0 = arith.constant 0 : i32
    %c0_i32_1 = arith.constant 0 : i32
    return %c0_i32, %c0_i32_0 : i32, i32
  }
  func.func @transform_1(%arg0: i32) -> (i32, i32) {
    %c0_i32 = arith.constant 0 : i32
    %c0_i32_0 = arith.constant 0 : i32
    %c0_i32_1 = arith.constant 0 : i32
    return %c0_i32, %c0_i32_0 : i32, i32
  }
  func.func @transform_2(%arg0: i32) -> (i32, i32) {
    %c0_i32 = arith.constant 0 : i32
    %c0_i32_0 = arith.constant 0 : i32
    %c0_i32_1 = arith.constant 0 : i32
    return %c0_i32, %c0_i32_0 : i32, i32
  }
  func.func @transform_3(%arg0: i32) -> (i32, i32, i32) {
    %c0_i32 = arith.constant 0 : i32
    %c0_i32_0 = arith.constant 0 : i32
    %c0_i32_1 = arith.constant 0 : i32
    return %arg0, %c0_i32, %c0_i32_0 : i32, i32, i32
  }
  func.func @transform_4(%arg0: i32) -> (i32, i32) {
    %c0_i32 = arith.constant 0 : i32
    %c0_i32_0 = arith.constant 0 : i32
    %c0_i32_1 = arith.constant 0 : i32
    return %c0_i32, %c0_i32_0 : i32, i32
  }
  func.func @transform_5(%arg0: i32) -> (i32, i32) {
    %c0_i32 = arith.constant 0 : i32
    %c0_i32_0 = arith.constant 0 : i32
    %c0_i32_1 = arith.constant 0 : i32
    return %c0_i32, %c0_i32_0 : i32, i32
  }
  func.func @transform_6(%arg0: i32) -> (i32, i32) {
    %c0_i32 = arith.constant 0 : i32
    %c0_i32_0 = arith.constant 0 : i32
    %c0_i32_1 = arith.constant 0 : i32
    return %c0_i32, %c0_i32_0 : i32, i32
  }
  func.func @transform_7(%arg0: i32) -> (i32, i32) {
    %c0_i32 = arith.constant 0 : i32
    %c0_i32_0 = arith.constant 0 : i32
    %c0_i32_1 = arith.constant 0 : i32
    return %c0_i32, %c0_i32_0 : i32, i32
  }
  func.func @transform_8(%arg0: i32) -> (i32, i32) {
    %c0_i32 = arith.constant 0 : i32
    %c0_i32_0 = arith.constant 0 : i32
    %c0_i32_1 = arith.constant 0 : i32
    return %c0_i32, %c0_i32_0 : i32, i32
  }
  func.func @transform_9(%arg0: i32) -> (i32, i32) {
    %c0_i32 = arith.constant 0 : i32
    %c0_i32_0 = arith.constant 0 : i32
    %c0_i32_1 = arith.constant 0 : i32
    return %c0_i32, %c0_i32_0 : i32, i32
  }
  func.func @transform_10(%arg0: i32) -> (i32, i32) {
    %c0_i32 = arith.constant 0 : i32
    %c0_i32_0 = arith.constant 0 : i32
    %c0_i32_1 = arith.constant 0 : i32
    return %c0_i32, %c0_i32_0 : i32, i32
  }
  func.func @transform_11(%arg0: i32) -> (i32, i32) {
    %c0_i32 = arith.constant 0 : i32
    %c0_i32_0 = arith.constant 0 : i32
    %c0_i32_1 = arith.constant 0 : i32
    return %c0_i32, %c0_i32_0 : i32, i32
  }
}

</mosaic_0001>

<sc_bundles>
// kernel: gather_offload_async_start
scs
__scs_entry_jumppad:
0x0: {  	(pc) =	sbr.rel $0x88, $3  }
0x1: {  	(tag) =	ssettag $0x0;
	lr =	simm.s32 $0x1  }
0x2: {  	[smem:$0x3F8D] =	sst lr;
	_ =	strace $0xD0000000  }
0x3: {  	_ = 	snop  }
0x4: {  	_ = 	snop  }
0x5: {  	_ = 	snop  }
0x6: {  	_ = 	snop  }
0x7: {  	_ = 	snop  }
__scs_overlays_trampoline_lowered:
0x8: {  	[smem:$0x3F9C] =	sst s0  }
0x9: {  	[smem:$0x3F9D] =	sst s1  }
0xa: {  	[smem:$0x3F9E] =	sst s2  }
0xb: {  	[smem:$0x3F9F] =	sst s3  }
0xc: {  	[smem:$0x3FA0] =	sst s4  }
0xd: {  	[smem:$0x3FA1] =	sst s5  }
0xe: {  	[smem:$0x3FA2] =	sst s6  }
0xf: {  	[smem:$0x3FA3] =	sst s7  }
0x10: {  	[smem:$0x3FA4] =	sst s8  }
0x11: {  	[smem:$0x3FA5] =	sst s9;
	s0 =	simm.s32 @!p0 $0x0  }
0x12: {  	s1 =	sld [smem:$0x3F8B];
	s0 =	simm.s32 @p0 $0x1  }
0x13: {  	[smem:$0x3FA6] =	sst s0;
	s0 =	simm.s32 @!p1 $0x0  }
0x14: {  	s2 =	sld [smem:$0x3F8A];
	s0 =	simm.s32 @p1 $0x1  }
0x15: {  	[smem:$0x3FA7] =	sst s0;
	s0 =	simm.s32 @!p2 $0x0  }
0x16: {  	s3 =	sld [smem:$0x3FDB];
	s0 =	simm.s32 @p2 $0x1  }
0x17: {  	s4 =	simm.s32 $0x1BF5;
	[smem:$0x3FA9] =	sst s0  }
0x18: {  	s0 =	sld [smem:$0x3F8C];
	_ =	swait.ge [sflag:s4], $0x0  }
0x19: {  	s7 =	sld [smem:$0x3F8D]  }
0x1a: {  	s8 =	sadd.s32 $0xFFFFE003, lr  }
0x1b: {  	s9 =	sadd.s32 $0xFFFFFEF7, lr;
	s5 =	simm.s32 $0xFFFFFFFF;
	p2 =	slt.u32 s8, $0xFFFFF086  }
0x1c: {  	p1 =	slt.u32 s9, $0xF7A;
	s5 =	simm.s32 @!p2 $0x0  }
0x1d: {  	s5 =	simm.s32 @p1 $0x1;
	p0 =	seq.s32 s7, s2  }
0x1e: {  	s7 =	smul.u32 @!p0 $0xF7A, s2;
	p2 =	seq.s32 @!p0 s5, $0x0  }
0x1f: {  	s9 =	smul.u32 $0xF7A, s1;
	s8 =	simm.s32 @!p0 $0x1BF5;
	p2 =	por !p2, p0  }
0x20: {  	[sflag:s8] =	ssyncset.s32 @!p0 $0xFFFFF086;
	s6 =	sadd.s32 @!p0 s3, s7;
	s7 =	simm.s32 @!p0 $0x108  }
0x21: {  	s3 =	sadd.s32 s3, s9;
	s6 =	sadd.s32 @!p0 $0x88, s6;
	s7 =	simm.s32 @p2 $0x1082  }
0x22: {  	[simem:s7], [sflag:s8] =	dma.local @!p0 [hbm:s6], $0xF7A  }
0x23: {  	s9 =	sor.u32 $0xD0000000, s2;
	s6 =	simm.s32 $0x108;
	_ =	swait.ge @!p0 [sflag:s8], $0x0  }
0x24: {  	s3 =	sadd.s32 $0x88, s3;
	s6 =	simm.s32 @!p1 $0x1082;
	[sflag:s4] =	ssyncset.s32 $0xFFFFF086  }
0x25: {  	[simem:s6], [sflag:s4] =	dma.local [hbm:s3], $0xF7A  }
0x26: {  	[smem:$0x3F8D] =	sst s1;
	(tag) =	ssettag s2;
	_ =	strace s9  }
0x27: {  	s1 =	sld [smem:$0x3F9D]  }
0x28: {  	s2 =	sld [smem:$0x3F9E]  }
0x29: {  	s4 =	sld [smem:$0x3FA0]  }
0x2a: {  	p0 =	seq.s32 s5, $0x0;
	s5 =	sld [smem:$0x3FA1]  }
0x2b: {  	s6 =	sld [smem:$0x3FA2]  }
0x2c: {  	s7 =	sld [smem:$0x3FA3]  }
0x2d: {  	s3 =	simm.s32 $0x108;
	s8 =	sld [smem:$0x3FA4]  }
0x2e: {  	s3 =	simm.s32 @!p0 $0x1082;
	s9 =	sld [smem:$0x3FA5]  }
0x2f: {  	lr =	sadd.s32 s0, s3;
	s0 =	sld [smem:$0x3F9C]  }
0x30: {  	s3 =	sld [smem:$0x3F9F]  }
0x31: {  	[smem:$0x3FA8] =	sst s10  }
0x32: {  	s10 =	sld [smem:$0x3FA6];
	_ =	sdelay $0x3  }
0x33: {  	p0 =	seq.s32 s10, $0x1;
	s10 =	sld [smem:$0x3FA8];
	_ =	sdelay $0x3  }
0x34: {  	[smem:$0x3FA8] =	sst s10  }
0x35: {  	s10 =	sld [smem:$0x3FA7];
	_ =	sdelay $0x3  }
0x36: {  	p1 =	seq.s32 s10, $0x1;
	s10 =	sld [smem:$0x3FA8];
	_ =	sdelay $0x3  }
0x37: {  	[smem:$0x3FA8] =	sst s10  }
0x38: {  	s10 =	sld [smem:$0x3FA9]  }
0x39: {  	_ = 	snop;
	(pc) =	sbr.ind lr, $3  }
0x3a: {  	_ = 	snop  }
0x3b: {  	_ = 	snop  }
0x3c: {  	p2 =	seq.s32 s10, $0x1;
	s10 =	sld [smem:$0x3FA8]  }
0x3d: {  	_ =	shalt  }
0x3e: {  	_ =	shalt  }
0x3f: {  	_ =	shalt  }
0x40: {  	_ =	shalt  }
0x41: {  	_ =	shalt  }
0x42: {  	_ =	shalt  }
0x43: {  	_ =	shalt  }
0x44: {  	_ =	shalt  }
0x45: {  	_ =	shalt  }
0x46: {  	_ =	shalt  }
0x47: {  	_ =	shalt  }
0x48: {  	_ =	shalt  }
0x49: {  	_ =	shalt  }
0x4a: {  	_ =	shalt  }
0x4b: {  	_ =	shalt  }
0x4c: {  	_ =	shalt  }
0x4d: {  	_ =	shalt  }
0x4e: {  	_ =	shalt  }
0x4f: {  	_ =	shalt  }
0x50: {  	_ =	shalt  }
0x51: {  	_ =	shalt  }
0x52: {  	_ =	shalt  }
0x53: {  	_ =	shalt  }
0x54: {  	_ =	shalt  }
0x55: {  	_ =	shalt  }
0x56: {  	_ =	shalt  }
0x57: {  	_ =	shalt  }
0x58: {  	_ =	shalt  }
0x59: {  	_ =	shalt  }
0x5a: {  	_ =	shalt  }
0x5b: {  	_ =	shalt  }
0x5c: {  	_ =	shalt  }
0x5d: {  	_ =	shalt  }
0x5e: {  	_ =	shalt  }
0x5f: {  	_ =	shalt  }
0x60: {  	_ =	shalt  }
0x61: {  	_ =	shalt  }
0x62: {  	_ =	shalt  }
0x63: {  	_ =	shalt  }
0x64: {  	_ =	shalt  }
0x65: {  	_ =	shalt  }
0x66: {  	_ =	shalt  }
0x67: {  	_ =	shalt  }
0x68: {  	_ =	shalt  }
0x69: {  	_ =	shalt  }
0x6a: {  	_ =	shalt  }
0x6b: {  	_ =	shalt  }
0x6c: {  	_ =	shalt  }
0x6d: {  	_ =	shalt  }
0x6e: {  	_ =	shalt  }
0x6f: {  	_ =	shalt  }
0x70: {  	_ =	shalt  }
0x71: {  	_ =	shalt  }
0x72: {  	_ =	shalt  }
0x73: {  	_ =	shalt  }
0x74: {  	_ =	shalt  }
0x75: {  	_ =	shalt  }
0x76: {  	_ =	shalt  }
0x77: {  	_ =	shalt  }
0x78: {  	_ =	shalt  }
0x79: {  	_ =	shalt  }
0x7a: {  	_ =	shalt  }
0x7b: {  	_ =	shalt  }
0x7c: {  	_ =	shalt  }
0x7d: {  	_ =	shalt  }
0x7e: {  	_ =	shalt  }
0x7f: {  	_ =	shalt  }
0x80: {  	_ =	shalt  }
0x81: {  	_ =	shalt  }
0x82: {  	_ =	shalt  }
0x83: {  	_ =	shalt  }
0x84: {  	_ =	shalt  }
0x85: {  	_ =	shalt  }
0x86: {  	_ =	shalt  }
0x87: {  	_ =	shalt  }
.Lfunc_end0:
.L_simem_size_0:
called_computation_lowered:
.L_overlay_start_0:
0x88: {  	s2 =	sld [smem:$0x3FD9]  }
0x89: {  	s3 =	sld [smem:$0x3FFE];
	_ =	sdelay $0x1  }
0x8a: {  	s1 =	srdreg.scid  }
0x8b: {  	s0 =	sand.u32 $0x1, s1  }
0x8c: {  	s16 =	sshll.u32 s0, $0xA;
	s2 =	sadd.s32 s3, s2  }
0x8d: {  	s2 =	sadd.s32 s2, s16  }
0x8e: {  	[smem:$0x3FB4] =	sst s2  }
0x8f: {  	_ = 	snop  }
0x90: {  	(tm) =	ssettm $0x1  }
0x91: {  	s17 =	sld [smem:$0x3FFB];
	_ =	sdelay $0x3  }
0x92: {  	_ =	strace s17  }
0x93: {  	s2 =	sld [smem:$0x3FFC];
	_ =	sdelay $0x3  }
0x94: {  	_ =	strace s2  }
0x95: {  	s2 =	sld [smem:$0x3FFD];
	_ =	sdelay $0x3  }
0x96: {  	_ =	strace s2  }
0x97: {  	_ =	strace $0x8FFFFFFF  }
0x98: {  	s18 =	sld [smem:$0x3FDB];
	_ =	sdelay $0x1  }
0x99: {  	s19 =	simm.s32 $_scs_section_size  }
0x9a: {  	s4 =	simm.s32 $_size__tile_overlayer_lowered;
	s5 =	simm.s32 $_tile_overlayer_lowered  }
0x9b: {  	s22 =	simm.s32 $0x1BFF;
	s21 =	sshll.u32 s5, $0x1;
	s2 =	sadd.s32 s19, s18  }
0x9c: {  	s6 =	simm.s32 $0x0;
	s20 =	sshll.u32 s4, $0x1;
	s4 =	sadd.s32 s21, s2  }
0x9d: {  	[timem:s6], [sflag:s22] =	dma.local [hbm:s4], s20  }
0x9e: {  	_ =	swait.ge [sflag:s22], s20  }
0x9f: {  	s3 =	ssub.s32 $0x0, s20;
	[sflag:s22] =	ssyncset.done $0x0  }
0xa0: {  	[sflag:s22] =	ssyncadd.s32 s3;
	_ =	sdelay $0x1  }
0xa1: {  	s23 =	simm.s32 $0x1B8B  }
0xa2: {  	_ =	swait.ge [sflag:s23], $0x1  }
0xa3: {  	[sflag:s23] =	ssyncset.done $0x0  }
0xa4: {  	s25 =	simm.s32 $0x1B8E;
	s24 =	sld [smem:$0x3FFE];
	[sflag:s23] =	ssyncadd.s32 $0xFFFFFFFF  }
0xa5: {  	s26 =	simm.s32 $execute0_lowered;
	[smem:$0x3FD2] =	sst s25  }
0xa6: {  	s4 =	sshll.u32 s26, $0x1;
	_ =	strace $0x80000046;
	[dreg:$0x1] =	wrdreg $0xFFFFFFFF  }
0xa7: {  	s28 =	simm.s32 $_size_execute0_lowered;
	s2 =	sadd.s32 s2, s4;
	[dreg:$0x0] =	wrdreg $0x0  }
0xa8: {  	s4 =	sshll.u32 s28, $0x1;
	[dreg:$0x2] =	wrdreg s2  }
0xa9: {  	[dreg:$0x3] =	wrdreg s4  }
0xaa: {  	[dreg:$0x4] =	wrdreg $0xC0  }
0xab: {  	_ =	task [dreg:s6], $0x5FFFF  }
0xac: {  	[dreg:$0x1] =	wrdreg $0xFFFFFFFF  }
0xad: {  	[dreg:$0x0] =	wrdreg $0x60  }
0xae: {  	[dreg:$0x2] =	wrdreg s24  }
0xaf: {  	[dreg:$0x3] =	wrdreg $0x9  }
0xb0: {  	_ =	task.clear_ibuf [dreg:s6], $0x4FFFF;
	_ =	strace $0x90000046  }
0xb1: {  	s29 =	simm.s32 $0x9;
	_ =	strace $0x80000048  }
0xb2: {  	_ =	swait.ge [sflag:s29], $0x1  }
0xb3: {  	[sflag:s29] =	ssyncadd.s32 $0xFFFFFFFF  }
0xb4: {  	_ =	strace $0x90000048  }
0xb5: {  	_ =	sfence  }
0xb6: {  	s30 =	sld [smem:$0x0];
	_ =	sdelay $0x2  }
0xb7: {  	s31 =	sshll.u32 s1, $0xD;
	s1 =	sshrl.u32 s1, $0x2  }
0xb8: {  	s3 =	sand.u32 $0x4000, s31;
	s1 =	sadd.s32 s1, s30  }
0xb9: {  	s0 =	sor.u32 s3, s0;
	s1 =	sshll.u32 s1, $0x11  }
0xba: {  	s0 =	sor.u32 s1, s0  }
0xbb: {  	s0 =	sadd.s32 $0x8F2B, s0  }
0xbc: {  	[sflag:s0] =	ssyncadd.remote.s32 $0x1  }
0xbd: {  	_ =	sfence.sel $0xFFFF  }
0xbe: {  	[dreg:$0x0] =	wrdreg $0xFFFFFFFF;
	(pc) =	sbr.abs _section_cstart, $3  }
0xbf: {  	[dreg:$0x1] =	wrdreg $0xFFFFFFFF  }
0xc0: {  	_ =	task.clear_ibuf [dreg:s6], $0x2FFFF;
	_ =	strace $0x9FFFFFFF  }
0xc1: {  	(tm) =	ssettm $0x7FFFFFFF  }
tec
execute0_lowered:
.L_overlay_start_1:
0x0: {  	(tag) =	ssettag $0x1  }
0x1: {  	s7 =	rddreg [dreg:$0x0]  }
0x2: {  	s1 =	srdreg.scid;
	s0 =	rddreg [dreg:$0x1]  }
0x3: {  	_ =	strace $0x80000047;
	s5 =	simm.s32 $0x2;
	s9 =	simm.s32 $0x3  }
0x4: {  	s14 =	simm.s32 $0x0;
	s10 =	simm.s32 $0xFFFFFFFE;
	s2 =	sshll.u32 s1, $0x4  }
0x5: {  	p0 =	por $0x0, $0x0;
	s1 =	stileid.u32;
	s3 =	sand.u32 $0x10, s2  }
.Ltmp0:
0x6: {  	s12 =	simm.s32 $0x0;
	s4 =	sor.u32 s1, s3;
	(pc) =	sbr.rel .LBB2_1-.Ltmp0, $4  }
0x7: {  	vm0 =	vmmov $0xff;
	s11 =	simm.s32 $0x0;
	s3 =	simm.s32 $0x1;
	s4 =	smul.u32 $0x17A0, s4  }
0x8: {  	vm1 =	vcmask $0x3F20;
	v0 =	vimm.s32 $0x4;
	v1 =	vimm.s32 $0x0;
	s6 =	sadd.s32 $0x170000, s7;
	s2 =	sadd.s32 $0x176000, s7;
	[sflag:s3] =	ssyncpa.u1 $0x0  }
0x9: {  	v2 =	vimm.s32 $0x1;
	v3 =	vimm.s32 $0x2;
	v4 =	vimm.s32 $0x3;
	s7 =	sadd.s32 $0x2E3600, s7;
	[sflag:s5] =	ssyncpa.u1 $0x0;
	s8 =	sadd.s32 $0x17A0, s4  }
0xa: {  	v5 =	vimm.s32 $0x5;
	v6 =	vimm.s32 $0x6;
	v7 =	vimm.s32 $0x7;
	[sflag:s9] =	ssyncpa.u1 $0x0;
	s9 =	simm.s32 $0xFFFFFF60;
	s13 =	smov.u32 s4  }
.LBB2_12:
0xb: {  	[hbm:s18] =	stream.linear.scatter [tilespmem:s15], [sflag:$0x3], $0x400, $0x38;
	[tilespmem:$0x1B1B0] =	vst v63  }
.LBB2_13:
0xc: {  	p1 =	slt.u32 s11, $0x3  }
0xd: {  	s15 =	simm.s32 @!p1 $0x3  }
0xe: {  	_ =	swait.ge @!p1 [sflag:s15], $0x4800  }
0xf: {  	s11 =	sadd.s32 $0x1, s11;
	[sflag:s15] =	ssyncset.done @!p1 $0x0  }
0x10: {  	[sflag:s15] =	ssyncadd.s32 @!p1 $0xFFFFB800;
	p1 =	sne.s32 s11, $0x2D  }
.Ltmp1:
0x11: {  	_ = 	snop;
	(pc) =	sbr.rel @!p1 .LBB2_14-.Ltmp1, $4  }
0x12: {  	s16 =	sadd.s32 $0x90, s13  }
0x13: {  	s17 =	smov.u32 s4;
	s14 =	smov.u32 s12;
	p2 =	slt.s32 s16, s8  }
0x14: {  	s12 =	smov.u32 s13;
	s9 =	sadd.s32 $0x90, s9;
	s17 =	smov.u32 @p2 s16  }
0x15: {  	s10 =	sadd.s32 $0x1, s10;
	p0 =	por !p0, !p0;
	s13 =	smov.u32 s17  }
.LBB2_1:
0x16: {  	p1 =	sgt.u32 s11, $0x29  }
0x17: {  	s15 =	smul.u32 @!p1 $0xAB, s11;
	_ =	sdelay $0x1  }
0x18: {  	s15 =	sshrl.u32 @!p1 s15, $0x9  }
0x19: {  	s15 =	sand.u32 @!p1 $0x7F, s15  }
0x1a: {  	s15 =	smul.u32 @!p1 $0x3, s15;
	_ =	sdelay $0x1  }
0x1b: {  	s15 =	ssub.s32 @!p1 s11, s15  }
0x1c: {  	s15 =	sand.u32 @!p1 $0xFF, s15  }
0x1d: {  	s15 =	smul.u32 @!p1 $0x240, s15  }
0x1e: {  	s16 =	sshrl.u32 @!p1 s13, $0x3  }
0x1f: {  	s17 =	sand.u32 @!p1 $0x7, s13;
	s16 =	sadd.s32 @!p1 s6, s16;
	s15 =	sshrl.u32 @!p1 s15, $0x2  }
0x20: {  	[tilespmem:s15], [sflag:$0x1] =	stream.linear.gather @!p1 [hbm4b:s16+s17], $0x90, $0x38;
	[tilespmem:$0x1B1B0] =	vst v63  }
0x21: {  	s15 =	sadd.s32 $0xFFFFFFFF, s11  }
0x22: {  	p1 =	sgt.u32 s15, $0x29  }
.Ltmp2:
0x23: {  	_ = 	snop;
	(pc) =	sbr.rel @p1 .LBB2_6-.Ltmp2, $1  }
0x24: {  	_ =	sdelay $0x3  }
0x25: {  	s16 =	smul.u32 $0xAB, s15;
	_ =	sdelay $0x1  }
0x26: {  	s16 =	sshrl.u32 s16, $0x9  }
0x27: {  	s16 =	sand.u32 $0x7F, s16  }
0x28: {  	s16 =	smul.u32 $0x3, s16;
	_ =	sdelay $0x1  }
0x29: {  	s16 =	ssub.s32 s15, s16  }
0x2a: {  	s16 =	sand.u32 $0xFF, s16  }
0x2b: {  	_ =	swait.ge [sflag:s3], $0x90;
	s16 =	smul.u32 $0x240, s16  }
0x2c: {  	s31 =	sand.u32 $0x1, s15;
	[sflag:s3] =	ssyncset.done $0x0  }
0x2d: {  	p1 =	seq.s32 s31, $0x1;
	s15 =	simm.s32 $0x91B0;
	s16 =	sshrl.u32 s16, $0x2  }
0x2e: {  	s17 =	simm.s32 $0x0;
	[sflag:s3] =	ssyncadd.s32 $0xFFFFFF70;
	s15 =	simm.s32 @!p1 $0x1B0;
	v8 =	vmov s16  }
.LBB2_3:
0x2f: {  	s18 =	sshll.u32 s17, $0x4  }
0x30: {  	s18 =	sand.u32 $0x3FFFFFF0, s18  }
0x31: {  	s19 =	sadd.s32 s18, s16  }
0x32: {  	v9 =	vld.msk [tilespmem:s19+$0x0 ss:$0x1], $0xffff;
	_ =	sdelay $0x4  }
0x33: {  	vm2 =	vgt.s32 v9, $0x0  }
0x34: {  	v9 =	vnsel vm2, $0x0, v9  }
0x35: {  	v9 =	vmin.u32 v9, $0x16D58  }
0x36: {  	v10 =	vshll.u32 v9, $0x4;
	v11 =	vshll.u32 v9, $0x3  }
0x37: {  	s31 =	sshll.u32 s17, $0xE;
	v12 =	vand.u32 $0x1, v9;
	v9 =	vand.u32 $0x1FFF80, v10;
	v10 =	vand.u32 $0x30, v11  }
0x38: {  	p1 =	por $0x1, $0x1;
	s19 =	simm.s32 $0x0;
	[tilespmem:v8+s18+$0x0 ss:$0x1] =	vst.idx.msk $0xffff, v12;
	s18 =	sshra.s32 s31, $0x2;
	v9 =	vor.u32 v10, v9  }
.LBB2_4:
0x39: {  	_ = 	snop  }
0x3a: {  	s19 =	sshra.s32 s19, $0x2  }
0x3b: {  	p2 =	por p1, p1;
	s19 =	sadd.s32 s19, s15  }
.Ltmp3:
0x3c: {  	s19 =	sadd.s32 s18, s19;
	(pc) =	sbr.rel @p2 .LBB2_4-.Ltmp3, $4  }
0x3d: {  	[tilespmem:s19], [sflag:$0x2] =	stream.indirect_vreg.gather [hbm:s2], $0x80, v9, vm0, $0x38;
	[tilespmem:$0x1B1B0] =	vst v63  }
0x3e: {  	s19 =	sadd.s32 $0x800, s19  }
0x3f: {  	[tilespmem:s19], [sflag:$0x2] =	stream.indirect_vreg.gather [hbm:s2], $0x80, v9, vm1, $0x38;
	[tilespmem:$0x1B1B0] =	vst v63  }
0x40: {  	p1 =	por $0x0, $0x0;
	v9 =	vadd.s32 $0x40, v9;
	s19 =	simm.s32 $0x1000  }
0x41: {  	s17 =	sadd.s32 $0x1, s17  }
0x42: {  	p1 =	sne.s32 s17, $0x9  }
.Ltmp4:
0x43: {  	_ = 	snop;
	(pc) =	sbr.rel @p1 .LBB2_3-.Ltmp4, $1  }
0x44: {  	_ =	sdelay $0x3  }
.LBB2_6:
0x45: {  	p1 =	slt.u32 s11, $0x2  }
0x46: {  	p2 =	seq.s32 @!p1 s11, $0x2C  }
0x47: {  	p1 =	por p1, p2  }
.Ltmp5:
0x48: {  	_ = 	snop;
	(pc) =	sbr.rel @p1 .LBB2_13-.Ltmp5, $1  }
0x49: {  	_ =	sdelay $0x3  }
0x4a: {  	s15 =	smulhi.u32 $0xAAAAAAAB, s10;
	s19 =	sadd.s32 $0xFFFFFFFE, s11  }
0x4b: {  	s16 =	simm.s32 $0x1;
	s25 =	sand.u32 $0x1, s11;
	s18 =	smulhi.u32 $0xAAAAAAAB, s19  }
0x4c: {  	s16 =	simm.s32 @!p0 $0x0;
	s28 =	smul.u32 $0x24000, s25  }
0x4d: {  	_ =	swait.ge [sflag:s5], $0x9000;
	s17 =	smul.u32 $0x12000, s16  }
0x4e: {  	[sflag:s5] =	ssyncset.done $0x0;
	s15 =	sshrl.u32 s15, $0x1;
	s21 =	smul.u32 $0x24000, s16  }
0x4f: {  	[sflag:s5] =	ssyncadd.s32 $0xFFFF7000;
	s23 =	smul.u32 $0xFFFFF940, s15;
	s24 =	sshrl.u32 s18, $0x1  }
0x50: {  	s29 =	sshrl.u32 s28, $0x2;
	s20 =	sshrl.u32 s17, $0x2;
	s22 =	smul.u32 $0x3, s24  }
0x51: {  	s26 =	sshrl.u32 s21, $0x2;
	s17 =	sshra.s32 s23, $0x2;
	s23 =	smul.u32 $0x12000, s25  }
0x52: {  	s31 =	sor.u32 $0x1B0, s29;
	s15 =	sadd.s32 $0x121B0, s20;
	s19 =	ssub.s32 s19, s22  }
0x53: {  	s18 =	sadd.s32 $0x165A0, s20;
	s19 =	smul.u32 $0x240, s19;
	s30 =	sshrl.u32 s23, $0x2  }
0x54: {  	s16 =	sadd.s32 s17, s9;
	s17 =	sor.u32 $0x1B0, s26;
	s21 =	sadd.s32 $0x121B0, s30  }
0x55: {  	v8 =	vmov s31;
	s20 =	sshrl.u32 s19, $0x2;
	s19 =	simm.s32 $0x0;
	v9 =	vmov s21;
	s21 =	simm.s32 $0x0  }
.LBB2_8:
0x56: {  	s22 =	sshll.u32 s21, $0x3  }
0x57: {  	s22 =	sand.u32 $0x3FFFFFF8, s22  }
0x58: {  	s22 =	sadd.s32 s22, s20  }
0x59: {  	v10 =	vld.msk [tilespmem:s22+$0x0 ss:$0x1], $0xff  }
0x5a: {  	s24 =	sshll.u32 s21, $0xB  }
0x5b: {  	s30 =	sand.u32 $0x3FFFF800, s24  }
0x5c: {  	v11 =	vld.idx.msk [tilespmem:v8+s30+$0x0 ss:$0x1], $0xffff  }
0x5d: {  	v14 =	vld.idx.msk [tilespmem:v8+s30+$0x80 ss:$0x1], $0xffff  }
0x5e: {  	v16 =	vshll.u32 v10, $0x4  }
0x5f: {  	v10 =	vperm.xlane v16, v2  }
0x60: {  	v12 =	vperm.xlane v16, v1  }
0x61: {  	v13 =	vsub.s32 $0x10, v10  }
0x62: {  	v10 =	vshrl.u32 v11, v12;
	v11 =	vshll.u32 v14, v13  }
0x63: {  	v10 =	vand.u32 $0xFFFF, v10;
	v11 =	vand.u32 $0xFFFF0000, v11  }
0x64: {  	s23 =	sshrl.u32 s24, $0x1;
	v10 =	vor.u32 v10, v11  }
0x65: {  	[tilespmem:v9+s23+$0x0 ss:$0x1] =	vst.idx.msk $0xffff, v10  }
0x66: {  	v10 =	vld.idx.msk [tilespmem:v8+s30+$0x100 ss:$0x1], $0xffff  }
0x67: {  	v11 =	vld.idx.msk [tilespmem:v8+s30+$0x180 ss:$0x1], $0xffff  }
0x68: {  	v17 =	vld.idx.msk [tilespmem:v8+s30+$0x10 ss:$0x1], $0xffff  }
0x69: {  	v18 =	vld.idx.msk [tilespmem:v8+s30+$0x90 ss:$0x1], $0xffff;
	v15 =	vperm.xlane v16, v4  }
0x6a: {  	v19 =	vld.idx.msk [tilespmem:v8+s30+$0x20 ss:$0x1], $0xffff;
	v14 =	vperm.xlane v16, v3  }
0x6b: {  	v20 =	vld.idx.msk [tilespmem:v8+s30+$0xA0 ss:$0x1], $0xffff;
	v15 =	vsub.s32 $0x10, v15  }
0x6c: {  	v10 =	vshrl.u32 v10, v14;
	v11 =	vshll.u32 v11, v15  }
0x6d: {  	v10 =	vand.u32 $0xFFFF, v10;
	v11 =	vand.u32 $0xFFFF0000, v11  }
0x6e: {  	v55 =	vshll.u32 v18, v13;
	v10 =	vor.u32 v10, v11;
	v11 =	vshrl.u32 v17, v12  }
0x6f: {  	[tilespmem:v9+s23+$0x80 ss:$0x1] =	vst.idx.msk $0xffff, v10;
	v10 =	vand.u32 $0xFFFF, v11;
	v11 =	vand.u32 $0xFFFF0000, v55  }
0x70: {  	v57 =	vshll.u32 v20, v13;
	v56 =	vld.idx.msk [tilespmem:v8+s30+$0x200 ss:$0x1], $0xffff;
	v10 =	vor.u32 v10, v11;
	v11 =	vshrl.u32 v19, v12  }
0x71: {  	v58 =	vld.idx.msk [tilespmem:v8+s30+$0x280 ss:$0x1], $0xffff;
	[tilespmem:v9+s23+$0x10 ss:$0x1] =	vst.idx.msk $0xffff, v10;
	v10 =	vand.u32 $0xFFFF, v11;
	v11 =	vand.u32 $0xFFFF0000, v57  }
0x72: {  	v59 =	vld.idx.msk [tilespmem:v8+s30+$0x110 ss:$0x1], $0xffff;
	v10 =	vor.u32 v10, v11  }
0x73: {  	v60 =	vld.idx.msk [tilespmem:v8+s30+$0x190 ss:$0x1], $0xffff;
	[tilespmem:v9+s23+$0x20 ss:$0x1] =	vst.idx.msk $0xffff, v10  }
0x74: {  	v11 =	vperm.xlane v16, v5;
	v21 =	vld.idx.msk [tilespmem:v8+s30+$0x120 ss:$0x1], $0xffff  }
0x75: {  	v10 =	vperm.xlane v16, v0;
	v22 =	vld.idx.msk [tilespmem:v8+s30+$0x1A0 ss:$0x1], $0xffff  }
0x76: {  	v11 =	vsub.s32 $0x10, v11  }
0x77: {  	v17 =	vshrl.u32 v56, v10;
	v19 =	vshll.u32 v58, v11  }
0x78: {  	v30 =	vld.idx.msk [tilespmem:v8+s30+$0x30 ss:$0x1], $0xffff;
	v17 =	vand.u32 $0xFFFF, v17;
	v19 =	vand.u32 $0xFFFF0000, v19;
	v18 =	vshrl.u32 v59, v14  }
0x79: {  	v31 =	vld.idx.msk [tilespmem:v8+s30+$0xB0 ss:$0x1], $0xffff;
	v17 =	vor.u32 v17, v19;
	v61 =	vshll.u32 v60, v15;
	v62 =	vand.u32 $0xFFFF, v18  }
0x7a: {  	v33 =	vld.idx.msk [tilespmem:v8+s30+$0x50 ss:$0x1], $0xffff;
	v63 =	vand.u32 $0xFFFF0000, v61;
	v21 =	vshrl.u32 v21, v14;
	v22 =	vshll.u32 v22, v15  }
0x7b: {  	v35 =	vld.idx.msk [tilespmem:v8+s30+$0xD0 ss:$0x1], $0xffff;
	[tilespmem:v9+s23+$0x100 ss:$0x1] =	vst.idx.msk $0xffff, v17;
	v17 =	vor.u32 v62, v63;
	v23 =	vand.u32 $0xFFFF, v21;
	v24 =	vand.u32 $0xFFFF0000, v22  }
0x7c: {  	v52 =	vld.idx.msk [tilespmem:v8+s30+$0x70 ss:$0x1], $0xffff;
	[tilespmem:v9+s23+$0x90 ss:$0x1] =	vst.idx.msk $0xffff, v17;
	v17 =	vor.u32 v23, v24  }
0x7d: {  	v27 =	vld.idx.msk [tilespmem:v8+s30+$0x210 ss:$0x1], $0xffff;
	[tilespmem:v9+s23+$0xA0 ss:$0x1] =	vst.idx.msk $0xffff, v17  }
0x7e: {  	v17 =	vld.idx.msk [tilespmem:v8+s30+$0x220 ss:$0x1], $0xffff  }
0x7f: {  	v29 =	vld.idx.msk [tilespmem:v8+s30+$0x2A0 ss:$0x1], $0xffff  }
0x80: {  	v28 =	vld.idx.msk [tilespmem:v8+s30+$0x290 ss:$0x1], $0xffff  }
0x81: {  	v23 =	vld.idx.msk [tilespmem:v8+s30+$0x40 ss:$0x1], $0xffff  }
0x82: {  	v36 =	vshrl.u32 v30, v12;
	v24 =	vld.idx.msk [tilespmem:v8+s30+$0xC0 ss:$0x1], $0xffff  }
0x83: {  	v53 =	vld.idx.msk [tilespmem:v8+s30+$0xF0 ss:$0x1], $0xffff;
	v45 =	vshrl.u32 v33, v12;
	v37 =	vshll.u32 v31, v13;
	v38 =	vand.u32 $0xFFFF, v36  }
0x84: {  	v30 =	vld.idx.msk [tilespmem:v8+s30+$0xE0 ss:$0x1], $0xffff;
	v39 =	vand.u32 $0xFFFF0000, v37;
	v17 =	vshrl.u32 v17, v10;
	v32 =	vshll.u32 v29, v11  }
0x85: {  	v25 =	vld.idx.msk [tilespmem:v8+s30+$0x300 ss:$0x1], $0xffff;
	v19 =	vshrl.u32 v27, v10;
	v17 =	vand.u32 $0xFFFF, v17;
	v34 =	vand.u32 $0xFFFF0000, v32  }
0x86: {  	v26 =	vld.idx.msk [tilespmem:v8+s30+$0x380 ss:$0x1], $0xffff;
	v18 =	vshll.u32 v28, v11;
	v40 =	vshrl.u32 v23, v12;
	v17 =	vor.u32 v17, v34  }
0x87: {  	v41 =	vshll.u32 v24, v13;
	v19 =	vand.u32 $0xFFFF, v19;
	[tilespmem:v9+s23+$0x120 ss:$0x1] =	vst.idx.msk $0xffff, v17;
	v17 =	vor.u32 v38, v39  }
0x88: {  	v18 =	vand.u32 $0xFFFF0000, v18;
	v42 =	vand.u32 $0xFFFF, v40;
	v43 =	vand.u32 $0xFFFF0000, v41;
	v29 =	vld.idx.msk [tilespmem:v8+s30+$0x60 ss:$0x1], $0xffff;
	[tilespmem:v9+s23+$0x30 ss:$0x1] =	vst.idx.msk $0xffff, v17  }
0x89: {  	v18 =	vor.u32 v19, v18;
	v19 =	vshll.u32 v35, v13;
	v17 =	vor.u32 v42, v43;
	v44 =	vld.idx.msk [tilespmem:v8+s30+$0x130 ss:$0x1], $0xffff  }
0x8a: {  	v47 =	vand.u32 $0xFFFF, v45;
	v48 =	vand.u32 $0xFFFF0000, v19;
	v46 =	vld.idx.msk [tilespmem:v8+s30+$0x1B0 ss:$0x1], $0xffff;
	[tilespmem:v9+s23+$0x40 ss:$0x1] =	vst.idx.msk $0xffff, v17  }
0x8b: {  	v17 =	vor.u32 v47, v48;
	v49 =	vld.idx.msk [tilespmem:v8+s30+$0x140 ss:$0x1], $0xffff  }
0x8c: {  	v50 =	vld.idx.msk [tilespmem:v8+s30+$0x1C0 ss:$0x1], $0xffff;
	[tilespmem:v9+s23+$0x50 ss:$0x1] =	vst.idx.msk $0xffff, v17  }
0x8d: {  	v17 =	vld.idx.msk [tilespmem:v8+s30+$0x150 ss:$0x1], $0xffff  }
0x8e: {  	[tilespmem:v9+s23+$0x110 ss:$0x1] =	vst.idx.msk $0xffff, v18;
	v51 =	vld.idx.msk [tilespmem:v8+s30+$0x1D0 ss:$0x1], $0xffff  }
0x8f: {  	v27 =	vld.idx.msk [tilespmem:v8+s30+$0x310 ss:$0x1], $0xffff;
	v22 =	vshrl.u32 v44, v14;
	v20 =	vshll.u32 v46, v15  }
0x90: {  	v28 =	vld.idx.msk [tilespmem:v8+s30+$0x390 ss:$0x1], $0xffff;
	v22 =	vand.u32 $0xFFFF, v22;
	v20 =	vand.u32 $0xFFFF0000, v20  }
0x91: {  	v21 =	vld.idx.msk [tilespmem:v8+s30+$0x320 ss:$0x1], $0xffff;
	v19 =	vshrl.u32 v49, v14;
	v18 =	vshll.u32 v50, v15;
	v20 =	vor.u32 v22, v20  }
0x92: {  	v23 =	vld.idx.msk [tilespmem:v8+s30+$0x3A0 ss:$0x1], $0xffff;
	v19 =	vand.u32 $0xFFFF, v19;
	v18 =	vand.u32 $0xFFFF0000, v18;
	[tilespmem:v9+s23+$0xB0 ss:$0x1] =	vst.idx.msk $0xffff, v20  }
0x93: {  	v17 =	vshrl.u32 v17, v14;
	v54 =	vshll.u32 v51, v15;
	v18 =	vor.u32 v19, v18;
	v31 =	vld.idx.msk [tilespmem:v8+s30+$0x230 ss:$0x1], $0xffff  }
0x94: {  	v17 =	vand.u32 $0xFFFF, v17;
	v56 =	vand.u32 $0xFFFF0000, v54;
	v55 =	vld.idx.msk [tilespmem:v8+s30+$0x2B0 ss:$0x1], $0xffff;
	[tilespmem:v9+s23+$0xC0 ss:$0x1] =	vst.idx.msk $0xffff, v18  }
0x95: {  	v59 =	vshll.u32 v30, v13;
	v58 =	vshrl.u32 v29, v12;
	v17 =	vor.u32 v17, v56;
	v57 =	vld.idx.msk [tilespmem:v8+s30+$0x240 ss:$0x1], $0xffff  }
0x96: {  	v62 =	vand.u32 $0xFFFF0000, v59;
	v61 =	vand.u32 $0xFFFF, v58;
	v60 =	vld.idx.msk [tilespmem:v8+s30+$0x2C0 ss:$0x1], $0xffff;
	[tilespmem:v9+s23+$0xD0 ss:$0x1] =	vst.idx.msk $0xffff, v17  }
0x97: {  	v35 =	vshrl.u32 v52, v12;
	v17 =	vor.u32 v61, v62;
	v63 =	vld.idx.msk [tilespmem:v8+s30+$0x250 ss:$0x1], $0xffff  }
0x98: {  	v20 =	vshll.u32 v53, v13;
	v18 =	vperm.xlane v16, v6;
	v36 =	vld.idx.msk [tilespmem:v8+s30+$0x2D0 ss:$0x1], $0xffff;
	[tilespmem:v9+s23+$0x60 ss:$0x1] =	vst.idx.msk $0xffff, v17  }
0x99: {  	v37 =	vand.u32 $0xFFFF, v35;
	v38 =	vand.u32 $0xFFFF0000, v20;
	v40 =	vld.idx.msk [tilespmem:v8+s30+$0x160 ss:$0x1], $0xffff  }
0x9a: {  	s26 =	sor.u32 $0x400, s24;
	v17 =	vor.u32 v37, v38;
	v34 =	vshrl.u32 v27, v18;
	v32 =	vld.idx.msk [tilespmem:v8+s30+$0x1E0 ss:$0x1], $0xffff;
	v39 =	vshrl.u32 v31, v10  }
0x9b: {  	[tilespmem:v9+s23+$0x70 ss:$0x1] =	vst.idx.msk $0xffff, v17;
	v37 =	vand.u32 $0xFFFF, v34;
	v34 =	vld.idx.msk [tilespmem:v8+s26+$0x90 ss:$0x1], $0xffff;
	v24 =	vshll.u32 v55, v11;
	v41 =	vand.u32 $0xFFFF, v39  }
0x9c: {  	v46 =	vld.idx.msk [tilespmem:v8+s30+$0x170 ss:$0x1], $0xffff;
	v42 =	vand.u32 $0xFFFF0000, v24;
	v44 =	vshrl.u32 v57, v10;
	v45 =	vshll.u32 v60, v11  }
0x9d: {  	v49 =	vld.idx.msk [tilespmem:v8+s30+$0x1F0 ss:$0x1], $0xffff;
	v43 =	vor.u32 v41, v42;
	v47 =	vand.u32 $0xFFFF, v44;
	v48 =	vand.u32 $0xFFFF0000, v45  }
0x9e: {  	v39 =	vld.idx.msk [tilespmem:v8+s26+$0x80 ss:$0x1], $0xffff;
	v50 =	vshrl.u32 v63, v10;
	v51 =	vshll.u32 v36, v11;
	v17 =	vor.u32 v47, v48  }
0x9f: {  	v36 =	vld.idx.msk [tilespmem:v8+s26+$0x0 ss:$0x1], $0xffff;
	v52 =	vand.u32 $0xFFFF, v50;
	v53 =	vand.u32 $0xFFFF0000, v51;
	v54 =	vshrl.u32 v40, v14  }
0xa0: {  	v41 =	vld.idx.msk [tilespmem:v8+s26+$0x10 ss:$0x1], $0xffff;
	v55 =	vshll.u32 v32, v15;
	[tilespmem:v9+s23+$0x140 ss:$0x1] =	vst.idx.msk $0xffff, v17;
	v17 =	vor.u32 v52, v53  }
0xa1: {  	v45 =	vld.idx.msk [tilespmem:v8+s26+$0x20 ss:$0x1], $0xffff;
	[tilespmem:v9+s23+$0x130 ss:$0x1] =	vst.idx.msk $0xffff, v43;
	v56 =	vand.u32 $0xFFFF, v54;
	v57 =	vand.u32 $0xFFFF0000, v55;
	v58 =	vshrl.u32 v46, v14  }
0xa2: {  	v47 =	vld.idx.msk [tilespmem:v8+s26+$0xA0 ss:$0x1], $0xffff;
	v30 =	vshll.u32 v49, v15;
	[tilespmem:v9+s23+$0x150 ss:$0x1] =	vst.idx.msk $0xffff, v17;
	v17 =	vor.u32 v56, v57  }
0xa3: {  	v33 =	vld.idx.msk [tilespmem:v8+s30+$0x330 ss:$0x1], $0xffff;
	v60 =	vand.u32 $0xFFFF, v58;
	v30 =	vand.u32 $0xFFFF0000, v30;
	[tilespmem:v9+s23+$0xE0 ss:$0x1] =	vst.idx.msk $0xffff, v17  }
0xa4: {  	v30 =	vor.u32 v60, v30;
	v61 =	vld.idx.msk [tilespmem:v8+s30+$0x260 ss:$0x1], $0xffff  }
0xa5: {  	v59 =	vperm.xlane v16, v7;
	v62 =	vld.idx.msk [tilespmem:v8+s30+$0x2E0 ss:$0x1], $0xffff;
	[tilespmem:v9+s23+$0xF0 ss:$0x1] =	vst.idx.msk $0xffff, v30  }
0xa6: {  	v25 =	vshrl.u32 v25, v18;
	v30 =	vld.idx.msk [tilespmem:v8+s30+$0x270 ss:$0x1], $0xffff  }
0xa7: {  	v25 =	vand.u32 $0xFFFF, v25;
	v17 =	vsub.s32 $0x10, v59;
	v63 =	vld.idx.msk [tilespmem:v8+s30+$0x2F0 ss:$0x1], $0xffff  }
0xa8: {  	v34 =	vshll.u32 v34, v13;
	v29 =	vld.idx.msk [tilespmem:v8+s30+$0x3B0 ss:$0x1], $0xffff;
	v49 =	vshll.u32 v39, v13;
	v26 =	vshll.u32 v26, v17  }
0xa9: {  	v24 =	vld.idx.msk [tilespmem:v8+s30+$0x340 ss:$0x1], $0xffff;
	v35 =	vshll.u32 v28, v17;
	v48 =	vshrl.u32 v36, v12;
	v28 =	vand.u32 $0xFFFF0000, v49  }
0xaa: {  	v22 =	vld.idx.msk [tilespmem:v8+s30+$0x3C0 ss:$0x1], $0xffff;
	v26 =	vand.u32 $0xFFFF0000, v26;
	v50 =	vand.u32 $0xFFFF, v48;
	v16 =	vshrl.u32 v61, v10  }
0xab: {  	v19 =	vld.idx.msk [tilespmem:v8+s30+$0x350 ss:$0x1], $0xffff;
	v25 =	vor.u32 v25, v26;
	v40 =	vshll.u32 v62, v11;
	v16 =	vand.u32 $0xFFFF, v16  }
0xac: {  	v20 =	vld.idx.msk [tilespmem:v8+s30+$0x3D0 ss:$0x1], $0xffff;
	v42 =	vand.u32 $0xFFFF0000, v40;
	v43 =	vshrl.u32 v30, v10;
	v44 =	vshll.u32 v63, v11  }
0xad: {  	v39 =	vld.idx.msk [tilespmem:v8+s26+$0x30 ss:$0x1], $0xffff;
	v16 =	vor.u32 v16, v42;
	v46 =	vand.u32 $0xFFFF, v43;
	v26 =	vand.u32 $0xFFFF0000, v44  }
0xae: {  	v54 =	vshll.u32 v47, v13;
	v47 =	vld.idx.msk [tilespmem:v8+s26+$0xC0 ss:$0x1], $0xffff;
	[tilespmem:v9+s23+$0x160 ss:$0x1] =	vst.idx.msk $0xffff, v16;
	v16 =	vor.u32 v46, v26  }
0xaf: {  	s24 =	sshrl.u32 s26, $0x1;
	v31 =	vshrl.u32 v41, v12;
	v42 =	vld.idx.msk [tilespmem:v8+s26+$0xB0 ss:$0x1], $0xffff;
	[tilespmem:v9+s23+$0x170 ss:$0x1] =	vst.idx.msk $0xffff, v16;
	v16 =	vor.u32 v50, v28  }
0xb0: {  	v21 =	vshrl.u32 v21, v18;
	v52 =	vand.u32 $0xFFFF0000, v34;
	v51 =	vand.u32 $0xFFFF, v31;
	v44 =	vld.idx.msk [tilespmem:v8+s26+$0x40 ss:$0x1], $0xffff;
	[tilespmem:v9+s24+$0x0 ss:$0x1] =	vst.idx.msk $0xffff, v16  }
0xb1: {  	v21 =	vand.u32 $0xFFFF, v21;
	v30 =	vshrl.u32 v45, v12;
	v16 =	vor.u32 v51, v52;
	v53 =	vld.idx.msk [tilespmem:v8+s26+$0x100 ss:$0x1], $0xffff  }
0xb2: {  	v23 =	vshll.u32 v23, v17;
	v57 =	vand.u32 $0xFFFF0000, v54;
	v56 =	vand.u32 $0xFFFF, v30;
	v55 =	vld.idx.msk [tilespmem:v8+s26+$0x180 ss:$0x1], $0xffff;
	[tilespmem:v9+s23+$0x210 ss:$0x1] =	vst.idx.msk $0xffff, v16  }
0xb3: {  	v38 =	vand.u32 $0xFFFF0000, v35;
	v23 =	vand.u32 $0xFFFF0000, v23;
	[tilespmem:v9+s23+$0x180 ss:$0x1] =	vst.idx.msk $0xffff, v25;
	v16 =	vor.u32 v56, v57;
	v58 =	vld.idx.msk [tilespmem:v8+s26+$0x110 ss:$0x1], $0xffff  }
0xb4: {  	v60 =	vor.u32 v21, v23;
	v25 =	vor.u32 v37, v38;
	v59 =	vld.idx.msk [tilespmem:v8+s26+$0x190 ss:$0x1], $0xffff;
	[tilespmem:v9+s23+$0x220 ss:$0x1] =	vst.idx.msk $0xffff, v16  }
0xb5: {  	[tilespmem:v9+s23+$0x1A0 ss:$0x1] =	vst.idx.msk $0xffff, v60;
	v61 =	vshrl.u32 v33, v18;
	v62 =	vshll.u32 v29, v17;
	v63 =	vld.idx.msk [tilespmem:v8+s26+$0x120 ss:$0x1], $0xffff  }
0xb6: {  	[tilespmem:v9+s23+$0x190 ss:$0x1] =	vst.idx.msk $0xffff, v25;
	v35 =	vand.u32 $0xFFFF, v61;
	v36 =	vand.u32 $0xFFFF0000, v62;
	v37 =	vld.idx.msk [tilespmem:v8+s26+$0x1A0 ss:$0x1], $0xffff  }
0xb7: {  	v25 =	vld.idx.msk [tilespmem:v8+s30+$0x360 ss:$0x1], $0xffff;
	v16 =	vor.u32 v35, v36;
	v38 =	vshrl.u32 v53, v14;
	v32 =	vshll.u32 v55, v15  }
0xb8: {  	v27 =	vld.idx.msk [tilespmem:v8+s30+$0x3E0 ss:$0x1], $0xffff;
	[tilespmem:v9+s23+$0x1B0 ss:$0x1] =	vst.idx.msk $0xffff, v16;
	v40 =	vand.u32 $0xFFFF, v38;
	v41 =	vand.u32 $0xFFFF0000, v32  }
0xb9: {  	v26 =	vld.idx.msk [tilespmem:v8+s30+$0x370 ss:$0x1], $0xffff;
	v43 =	vshrl.u32 v58, v14;
	v30 =	vshll.u32 v59, v15;
	v16 =	vor.u32 v40, v41  }
0xba: {  	v28 =	vld.idx.msk [tilespmem:v8+s30+$0x3F0 ss:$0x1], $0xffff;
	v45 =	vand.u32 $0xFFFF, v43;
	v46 =	vand.u32 $0xFFFF0000, v30;
	[tilespmem:v9+s23+$0x280 ss:$0x1] =	vst.idx.msk $0xffff, v16  }
0xbb: {  	v49 =	vshrl.u32 v63, v14;
	v23 =	vshll.u32 v37, v15;
	v16 =	vor.u32 v45, v46;
	v48 =	vld.idx.msk [tilespmem:v8+s26+$0x200 ss:$0x1], $0xffff  }
0xbc: {  	v51 =	vand.u32 $0xFFFF, v49;
	v52 =	vand.u32 $0xFFFF0000, v23;
	v50 =	vld.idx.msk [tilespmem:v8+s26+$0x280 ss:$0x1], $0xffff;
	[tilespmem:v9+s23+$0x290 ss:$0x1] =	vst.idx.msk $0xffff, v16  }
0xbd: {  	v54 =	vshrl.u32 v39, v12;
	v32 =	vshll.u32 v42, v13;
	v16 =	vor.u32 v51, v52;
	v53 =	vld.idx.msk [tilespmem:v8+s26+$0x210 ss:$0x1], $0xffff  }
0xbe: {  	v56 =	vand.u32 $0xFFFF, v54;
	v57 =	vand.u32 $0xFFFF0000, v32;
	v55 =	vld.idx.msk [tilespmem:v8+s26+$0x290 ss:$0x1], $0xffff;
	[tilespmem:v9+s23+$0x2A0 ss:$0x1] =	vst.idx.msk $0xffff, v16  }
0xbf: {  	v59 =	vshrl.u32 v44, v12;
	v30 =	vshll.u32 v47, v13;
	v16 =	vor.u32 v56, v57;
	v58 =	vld.idx.msk [tilespmem:v8+s26+$0x220 ss:$0x1], $0xffff  }
0xc0: {  	v24 =	vshrl.u32 v24, v18;
	v61 =	vand.u32 $0xFFFF, v59;
	v62 =	vand.u32 $0xFFFF0000, v30;
	v60 =	vld.idx.msk [tilespmem:v8+s26+$0x2A0 ss:$0x1], $0xffff;
	[tilespmem:v9+s23+$0x230 ss:$0x1] =	vst.idx.msk $0xffff, v16  }
0xc1: {  	v22 =	vshll.u32 v22, v17;
	v24 =	vand.u32 $0xFFFF, v24;
	v16 =	vor.u32 v61, v62;
	v36 =	vld.idx.msk [tilespmem:v8+s26+$0x130 ss:$0x1], $0xffff  }
0xc2: {  	v19 =	vshrl.u32 v19, v18;
	v20 =	vshll.u32 v20, v17;
	v38 =	vld.idx.msk [tilespmem:v8+s26+$0x1B0 ss:$0x1], $0xffff;
	[tilespmem:v9+s23+$0x240 ss:$0x1] =	vst.idx.msk $0xffff, v16  }
0xc3: {  	v22 =	vand.u32 $0xFFFF0000, v22;
	v19 =	vand.u32 $0xFFFF, v19;
	v20 =	vand.u32 $0xFFFF0000, v20;
	v42 =	vld.idx.msk [tilespmem:v8+s26+$0x140 ss:$0x1], $0xffff  }
0xc4: {  	v22 =	vor.u32 v24, v22;
	v19 =	vor.u32 v19, v20;
	v45 =	vld.idx.msk [tilespmem:v8+s26+$0x1C0 ss:$0x1], $0xffff;
	v63 =	vshrl.u32 v48, v10  }
0xc5: {  	[tilespmem:v9+s23+$0x1C0 ss:$0x1] =	vst.idx.msk $0xffff, v22;
	v29 =	vshll.u32 v50, v11;
	v37 =	vand.u32 $0xFFFF, v63;
	v63 =	vld.idx.msk [tilespmem:v8+s26+$0xD0 ss:$0x1], $0xffff  }
0xc6: {  	v29 =	vand.u32 $0xFFFF0000, v29;
	v40 =	vshrl.u32 v53, v10;
	v31 =	vshll.u32 v60, v11;
	v60 =	vld.idx.msk [tilespmem:v8+s26+$0x50 ss:$0x1], $0xffff  }
0xc7: {  	v39 =	vor.u32 v37, v29;
	v47 =	vshrl.u32 v58, v10;
	v30 =	vshll.u32 v38, v15;
	v38 =	vld.idx.msk [tilespmem:v8+s26+$0x60 ss:$0x1], $0xffff  }
0xc8: {  	v41 =	vshll.u32 v55, v11;
	[tilespmem:v9+s23+$0x300 ss:$0x1] =	vst.idx.msk $0xffff, v39;
	v49 =	vand.u32 $0xFFFF, v47;
	v47 =	vld.idx.msk [tilespmem:v8+s26+$0x70 ss:$0x1], $0xffff  }
0xc9: {  	[tilespmem:v9+s23+$0x1D0 ss:$0x1] =	vst.idx.msk $0xffff, v19;
	v43 =	vand.u32 $0xFFFF, v40;
	v44 =	vand.u32 $0xFFFF0000, v41;
	v46 =	vld.idx.msk [tilespmem:v8+s26+$0x300 ss:$0x1], $0xffff  }
0xca: {  	v59 =	vshrl.u32 v26, v18;
	v56 =	vshll.u32 v27, v17;
	v16 =	vor.u32 v43, v44;
	v48 =	vld.idx.msk [tilespmem:v8+s26+$0x380 ss:$0x1], $0xffff  }
0xcb: {  	v61 =	vand.u32 $0xFFFF, v59;
	v50 =	vand.u32 $0xFFFF0000, v31;
	[tilespmem:v9+s23+$0x310 ss:$0x1] =	vst.idx.msk $0xffff, v16;
	v29 =	vshrl.u32 v42, v14;
	v42 =	vld.idx.msk [tilespmem:v8+s26+$0xE0 ss:$0x1], $0xffff  }
0xcc: {  	v62 =	vshll.u32 v28, v17;
	v52 =	vshrl.u32 v36, v14;
	v16 =	vor.u32 v49, v50;
	v51 =	vld.idx.msk [tilespmem:v8+s26+$0x310 ss:$0x1], $0xffff  }
0xcd: {  	v55 =	vshrl.u32 v25, v18;
	v21 =	vand.u32 $0xFFFF, v52;
	v30 =	vand.u32 $0xFFFF0000, v30;
	v53 =	vld.idx.msk [tilespmem:v8+s26+$0x390 ss:$0x1], $0xffff;
	[tilespmem:v9+s23+$0x320 ss:$0x1] =	vst.idx.msk $0xffff, v16  }
0xce: {  	v20 =	vand.u32 $0xFFFF, v55;
	v23 =	vshll.u32 v45, v15;
	v30 =	vor.u32 v21, v30;
	v16 =	vld.idx.msk [tilespmem:v8+s26+$0x320 ss:$0x1], $0xffff  }
0xcf: {  	v58 =	vand.u32 $0xFFFF0000, v56;
	v29 =	vand.u32 $0xFFFF, v29;
	v23 =	vand.u32 $0xFFFF0000, v23;
	v21 =	vld.idx.msk [tilespmem:v8+s26+$0x3A0 ss:$0x1], $0xffff;
	[tilespmem:v9+s23+$0x2B0 ss:$0x1] =	vst.idx.msk $0xffff, v30  }
0xd0: {  	s31 =	sor.u32 $0x1, s21;
	v20 =	vor.u32 v20, v58;
	v23 =	vor.u32 v29, v23;
	v27 =	vshll.u32 v63, v13;
	v30 =	vld.idx.msk [tilespmem:v8+s26+$0x230 ss:$0x1], $0xffff  }
0xd1: {  	s25 =	sshll.u32 s31, $0x3;
	v54 =	vld.idx.msk [tilespmem:v8+s26+$0x2B0 ss:$0x1], $0xffff;
	[tilespmem:v9+s23+$0x2C0 ss:$0x1] =	vst.idx.msk $0xffff, v23;
	v23 =	vand.u32 $0xFFFF0000, v62;
	v26 =	vshrl.u32 v60, v12;
	v50 =	vand.u32 $0xFFFF0000, v27  }
0xd2: {  	s24 =	sand.u32 $0x3FFFFFF8, s25;
	v57 =	vld.idx.msk [tilespmem:v8+s26+$0x240 ss:$0x1], $0xffff;
	v39 =	vor.u32 v61, v23;
	v49 =	vand.u32 $0xFFFF, v26;
	v52 =	vshrl.u32 v38, v12  }
0xd3: {  	s24 =	sadd.s32 s24, s20;
	v44 =	vld.idx.msk [tilespmem:v8+s26+$0x2C0 ss:$0x1], $0xffff;
	v33 =	vshrl.u32 v47, v12;
	v36 =	vshrl.u32 v46, v18;
	v37 =	vshll.u32 v48, v17  }
0xd4: {  	[tilespmem:v9+s23+$0x1E0 ss:$0x1] =	vst.idx.msk $0xffff, v20;
	v46 =	vld.msk [tilespmem:s24+$0x0 ss:$0x1], $0xff;
	v20 =	vor.u32 v49, v50;
	v55 =	vand.u32 $0xFFFF, v52;
	v40 =	vand.u32 $0xFFFF, v36  }
0xd5: {  	s25 =	sshll.u32 s31, $0xB;
	[tilespmem:v9+s23+$0x1F0 ss:$0x1] =	vst.idx.msk $0xffff, v39;
	v41 =	vand.u32 $0xFFFF0000, v37;
	v23 =	vshrl.u32 v51, v18;
	v31 =	vshll.u32 v53, v17  }
0xd6: {  	s28 =	sand.u32 $0x3FFFF800, s25;
	v51 =	vld.idx.msk [tilespmem:v8+s26+$0xF0 ss:$0x1], $0xffff;
	v53 =	vshll.u32 v42, v13;
	v37 =	vand.u32 $0xFFFF, v33;
	v22 =	vor.u32 v40, v41  }
0xd7: {  	v56 =	vand.u32 $0xFFFF0000, v53;
	v43 =	vshrl.u32 v30, v10;
	v24 =	vshll.u32 v54, v11;
	v54 =	vld.idx.msk [tilespmem:v8+s28+$0x0 ss:$0x1], $0xffff  }
0xd8: {  	[tilespmem:v9+s23+$0x250 ss:$0x1] =	vst.idx.msk $0xffff, v20;
	v45 =	vand.u32 $0xFFFF, v43;
	v24 =	vand.u32 $0xFFFF0000, v24;
	v25 =	vshrl.u32 v57, v10;
	v57 =	vld.idx.msk [tilespmem:v8+s28+$0x80 ss:$0x1], $0xffff  }
0xd9: {  	v59 =	vld.idx.msk [tilespmem:v8+s26+$0x150 ss:$0x1], $0xffff;
	v48 =	vor.u32 v45, v24;
	v24 =	vor.u32 v55, v56;
	v20 =	vshll.u32 v46, $0x4  }
0xda: {  	v61 =	vld.idx.msk [tilespmem:v8+s26+$0x1D0 ss:$0x1], $0xffff;
	v16 =	vshrl.u32 v16, v18;
	[tilespmem:v9+s23+$0x260 ss:$0x1] =	vst.idx.msk $0xffff, v24;
	v62 =	vperm.xlane v20, v2  }
0xdb: {  	v21 =	vshll.u32 v21, v17;
	v13 =	vshll.u32 v51, v13;
	v12 =	vperm.xlane v20, v1;
	v63 =	vld.idx.msk [tilespmem:v8+s26+$0x160 ss:$0x1], $0xffff  }
0xdc: {  	v16 =	vand.u32 $0xFFFF, v16;
	[tilespmem:v9+s23+$0x330 ss:$0x1] =	vst.idx.msk $0xffff, v48;
	v36 =	vld.idx.msk [tilespmem:v8+s26+$0x1E0 ss:$0x1], $0xffff;
	v38 =	vand.u32 $0xFFFF0000, v13;
	v13 =	vsub.s32 $0x10, v62  }
0xdd: {  	v24 =	vld.idx.msk [tilespmem:v8+s26+$0x330 ss:$0x1], $0xffff;
	v26 =	vor.u32 v37, v38;
	v28 =	vshrl.u32 v54, v12;
	v27 =	vshll.u32 v57, v13  }
0xde: {  	v60 =	vshll.u32 v44, v11;
	v33 =	vld.idx.msk [tilespmem:v8+s26+$0x3B0 ss:$0x1], $0xffff;
	[tilespmem:v9+s23+$0x270 ss:$0x1] =	vst.idx.msk $0xffff, v26;
	v39 =	vand.u32 $0xFFFF, v28;
	v27 =	vand.u32 $0xFFFF0000, v27  }
0xdf: {  	s22 =	sshrl.u32 s25, $0x1;
	[tilespmem:v9+s23+$0x380 ss:$0x1] =	vst.idx.msk $0xffff, v22;
	v58 =	vand.u32 $0xFFFF, v25;
	v29 =	vand.u32 $0xFFFF0000, v60;
	v40 =	vld.idx.msk [tilespmem:v8+s26+$0x170 ss:$0x1], $0xffff;
	v26 =	vor.u32 v39, v27  }
0xe0: {  	v22 =	vor.u32 v58, v29;
	v25 =	vshrl.u32 v59, v14;
	v42 =	vld.idx.msk [tilespmem:v8+s26+$0x1F0 ss:$0x1], $0xffff;
	[tilespmem:v9+s22+$0x0 ss:$0x1] =	vst.idx.msk $0xffff, v26  }
0xe1: {  	v21 =	vand.u32 $0xFFFF0000, v21;
	v41 =	vshll.u32 v61, v15;
	[tilespmem:v9+s23+$0x340 ss:$0x1] =	vst.idx.msk $0xffff, v22;
	v25 =	vand.u32 $0xFFFF, v25;
	v45 =	vld.idx.msk [tilespmem:v8+s28+$0x100 ss:$0x1], $0xffff  }
0xe2: {  	v43 =	vand.u32 $0xFFFF0000, v41;
	v44 =	vshrl.u32 v63, v14;
	v19 =	vshll.u32 v36, v15;
	v48 =	vld.idx.msk [tilespmem:v8+s28+$0x180 ss:$0x1], $0xffff  }
0xe3: {  	v50 =	vld.idx.msk [tilespmem:v8+s26+$0x340 ss:$0x1], $0xffff;
	v46 =	vor.u32 v25, v43;
	v47 =	vand.u32 $0xFFFF, v44;
	v19 =	vand.u32 $0xFFFF0000, v19  }
0xe4: {  	v53 =	vperm.xlane v20, v4;
	v60 =	vld.idx.msk [tilespmem:v8+s26+$0x3C0 ss:$0x1], $0xffff;
	[tilespmem:v9+s23+$0x2D0 ss:$0x1] =	vst.idx.msk $0xffff, v46;
	v19 =	vor.u32 v47, v19  }
0xe5: {  	v52 =	vld.idx.msk [tilespmem:v8+s26+$0x250 ss:$0x1], $0xffff;
	v55 =	vshrl.u32 v40, v14;
	v15 =	vshll.u32 v42, v15;
	v14 =	vperm.xlane v20, v3  }
0xe6: {  	v54 =	vld.idx.msk [tilespmem:v8+s26+$0x2D0 ss:$0x1], $0xffff;
	[tilespmem:v9+s23+$0x2E0 ss:$0x1] =	vst.idx.msk $0xffff, v19;
	v27 =	vand.u32 $0xFFFF, v55;
	v57 =	vand.u32 $0xFFFF0000, v15;
	v15 =	vsub.s32 $0x10, v53  }
0xe7: {  	v56 =	vld.idx.msk [tilespmem:v8+s26+$0x260 ss:$0x1], $0xffff;
	v27 =	vor.u32 v27, v57;
	v59 =	vshrl.u32 v45, v14;
	v26 =	vshll.u32 v48, v15  }
0xe8: {  	v16 =	vor.u32 v16, v21;
	v58 =	vld.idx.msk [tilespmem:v8+s26+$0x2E0 ss:$0x1], $0xffff;
	[tilespmem:v9+s23+$0x2F0 ss:$0x1] =	vst.idx.msk $0xffff, v27;
	v61 =	vand.u32 $0xFFFF, v59;
	v26 =	vand.u32 $0xFFFF0000, v26  }
0xe9: {  	[tilespmem:v9+s23+$0x3A0 ss:$0x1] =	vst.idx.msk $0xffff, v16;
	v62 =	vld.idx.msk [tilespmem:v8+s26+$0x270 ss:$0x1], $0xffff;
	v26 =	vor.u32 v61, v26  }
0xea: {  	v23 =	vand.u32 $0xFFFF, v23;
	v49 =	vand.u32 $0xFFFF0000, v31;
	v63 =	vld.idx.msk [tilespmem:v8+s26+$0x2F0 ss:$0x1], $0xffff;
	[tilespmem:v9+s22+$0x80 ss:$0x1] =	vst.idx.msk $0xffff, v26  }
0xeb: {  	v51 =	vor.u32 v23, v49;
	v23 =	vshrl.u32 v52, v10;
	v35 =	vshll.u32 v54, v11;
	v36 =	vld.idx.msk [tilespmem:v8+s28+$0x200 ss:$0x1], $0xffff  }
0xec: {  	v16 =	vperm.xlane v20, v0;
	[tilespmem:v9+s23+$0x390 ss:$0x1] =	vst.idx.msk $0xffff, v51;
	v34 =	vand.u32 $0xFFFF, v23;
	v23 =	vand.u32 $0xFFFF0000, v35;
	v26 =	vld.idx.msk [tilespmem:v8+s28+$0x280 ss:$0x1], $0xffff  }
0xed: {  	v41 =	vld.idx.msk [tilespmem:v8+s28+$0x90 ss:$0x1], $0xffff;
	v37 =	vor.u32 v34, v23;
	v22 =	vshrl.u32 v56, v10;
	v19 =	vshll.u32 v58, v11  }
0xee: {  	v39 =	vld.idx.msk [tilespmem:v8+s28+$0x10 ss:$0x1], $0xffff;
	v40 =	vperm.xlane v20, v5;
	[tilespmem:v9+s23+$0x350 ss:$0x1] =	vst.idx.msk $0xffff, v37;
	v38 =	vand.u32 $0xFFFF, v22;
	v19 =	vand.u32 $0xFFFF0000, v19  }
0xef: {  	v53 =	vld.idx.msk [tilespmem:v8+s28+$0x20 ss:$0x1], $0xffff;
	v19 =	vor.u32 v38, v19;
	v10 =	vshrl.u32 v62, v10;
	v11 =	vshll.u32 v63, v11  }
0xf0: {  	v54 =	vld.idx.msk [tilespmem:v8+s28+$0xA0 ss:$0x1], $0xffff;
	[tilespmem:v9+s23+$0x360 ss:$0x1] =	vst.idx.msk $0xffff, v19;
	v19 =	vsub.s32 $0x10, v40;
	v10 =	vand.u32 $0xFFFF, v10;
	v11 =	vand.u32 $0xFFFF0000, v11  }
0xf1: {  	v55 =	vld.idx.msk [tilespmem:v8+s28+$0x30 ss:$0x1], $0xffff;
	v10 =	vor.u32 v10, v11;
	v11 =	vshrl.u32 v36, v16;
	v21 =	vshll.u32 v26, v19  }
0xf2: {  	v57 =	vld.idx.msk [tilespmem:v8+s28+$0x40 ss:$0x1], $0xffff;
	[tilespmem:v9+s23+$0x370 ss:$0x1] =	vst.idx.msk $0xffff, v10;
	v10 =	vand.u32 $0xFFFF, v11;
	v11 =	vand.u32 $0xFFFF0000, v21  }
0xf3: {  	v47 =	vshll.u32 v41, v13;
	v42 =	vld.idx.msk [tilespmem:v8+s26+$0x350 ss:$0x1], $0xffff;
	v10 =	vor.u32 v10, v11;
	v11 =	vshrl.u32 v39, v12  }
0xf4: {  	v43 =	vld.idx.msk [tilespmem:v8+s26+$0x3D0 ss:$0x1], $0xffff;
	[tilespmem:v9+s22+$0x100 ss:$0x1] =	vst.idx.msk $0xffff, v10;
	v10 =	vand.u32 $0xFFFF, v11;
	v11 =	vand.u32 $0xFFFF0000, v47  }
0xf5: {  	v49 =	vshll.u32 v33, v17;
	v48 =	vshrl.u32 v24, v18;
	v44 =	vld.idx.msk [tilespmem:v8+s26+$0x360 ss:$0x1], $0xffff;
	v10 =	vor.u32 v10, v11  }
0xf6: {  	v23 =	vand.u32 $0xFFFF0000, v49;
	v45 =	vld.idx.msk [tilespmem:v8+s26+$0x3E0 ss:$0x1], $0xffff;
	v11 =	vand.u32 $0xFFFF, v48;
	[tilespmem:v9+s22+$0x10 ss:$0x1] =	vst.idx.msk $0xffff, v10  }
0xf7: {  	v10 =	vor.u32 v11, v23;
	v11 =	vshrl.u32 v50, v18;
	v50 =	vshll.u32 v60, v17;
	v51 =	vld.idx.msk [tilespmem:v8+s28+$0x110 ss:$0x1], $0xffff  }
0xf8: {  	[tilespmem:v9+s23+$0x3B0 ss:$0x1] =	vst.idx.msk $0xffff, v10;
	v10 =	vand.u32 $0xFFFF, v11;
	v11 =	vand.u32 $0xFFFF0000, v50;
	v52 =	vld.idx.msk [tilespmem:v8+s28+$0x190 ss:$0x1], $0xffff  }
0xf9: {  	v59 =	vld.idx.msk [tilespmem:v8+s28+$0x50 ss:$0x1], $0xffff;
	v27 =	vshll.u32 v43, v17;
	v10 =	vor.u32 v10, v11;
	v11 =	vshrl.u32 v42, v18  }
0xfa: {  	v56 =	vld.idx.msk [tilespmem:v8+s28+$0xB0 ss:$0x1], $0xffff;
	[tilespmem:v9+s23+$0x3C0 ss:$0x1] =	vst.idx.msk $0xffff, v10;
	v10 =	vand.u32 $0xFFFF, v11;
	v11 =	vand.u32 $0xFFFF0000, v27  }
0xfb: {  	v58 =	vld.idx.msk [tilespmem:v8+s28+$0xC0 ss:$0x1], $0xffff;
	v25 =	vshll.u32 v45, v17;
	v10 =	vor.u32 v10, v11;
	v11 =	vshrl.u32 v44, v18  }
0xfc: {  	v46 =	vld.idx.msk [tilespmem:v8+s26+$0x370 ss:$0x1], $0xffff;
	[tilespmem:v9+s23+$0x3D0 ss:$0x1] =	vst.idx.msk $0xffff, v10;
	v10 =	vand.u32 $0xFFFF, v11;
	v11 =	vand.u32 $0xFFFF0000, v25  }
0xfd: {  	v22 =	vld.idx.msk [tilespmem:v8+s26+$0x3F0 ss:$0x1], $0xffff;
	v10 =	vor.u32 v10, v11;
	v11 =	vshrl.u32 v51, v14;
	v23 =	vshll.u32 v52, v15  }
0xfe: {  	v24 =	vld.idx.msk [tilespmem:v8+s28+$0x300 ss:$0x1], $0xffff;
	[tilespmem:v9+s23+$0x3E0 ss:$0x1] =	vst.idx.msk $0xffff, v10;
	v10 =	vand.u32 $0xFFFF, v11;
	v11 =	vand.u32 $0xFFFF0000, v23  }
0xff: {  	v21 =	vld.idx.msk [tilespmem:v8+s28+$0x380 ss:$0x1], $0xffff;
	v27 =	vshll.u32 v54, v13;
	v10 =	vor.u32 v10, v11;
	v11 =	vshrl.u32 v53, v12  }
0x100: {  	v60 =	vld.idx.msk [tilespmem:v8+s28+$0xD0 ss:$0x1], $0xffff;
	[tilespmem:v9+s22+$0x90 ss:$0x1] =	vst.idx.msk $0xffff, v10;
	v10 =	vand.u32 $0xFFFF, v11;
	v11 =	vand.u32 $0xFFFF0000, v27  }
0x101: {  	v25 =	vshll.u32 v56, v13;
	v61 =	vld.idx.msk [tilespmem:v8+s28+$0x210 ss:$0x1], $0xffff;
	v10 =	vor.u32 v10, v11;
	v11 =	vshrl.u32 v55, v12  }
0x102: {  	v62 =	vld.idx.msk [tilespmem:v8+s28+$0x290 ss:$0x1], $0xffff;
	[tilespmem:v9+s22+$0x20 ss:$0x1] =	vst.idx.msk $0xffff, v10;
	v10 =	vand.u32 $0xFFFF, v11;
	v11 =	vand.u32 $0xFFFF0000, v25  }
0x103: {  	v23 =	vshll.u32 v58, v13;
	v63 =	vld.idx.msk [tilespmem:v8+s28+$0x120 ss:$0x1], $0xffff;
	v10 =	vor.u32 v10, v11;
	v11 =	vshrl.u32 v57, v12  }
0x104: {  	v33 =	vld.idx.msk [tilespmem:v8+s28+$0x1A0 ss:$0x1], $0xffff;
	[tilespmem:v9+s22+$0x30 ss:$0x1] =	vst.idx.msk $0xffff, v10;
	v10 =	vand.u32 $0xFFFF, v11;
	v11 =	vand.u32 $0xFFFF0000, v23  }
0x105: {  	v27 =	vshll.u32 v60, v13;
	v34 =	vld.idx.msk [tilespmem:v8+s28+$0x130 ss:$0x1], $0xffff;
	v10 =	vor.u32 v10, v11;
	v11 =	vshrl.u32 v59, v12  }
0x106: {  	v35 =	vld.idx.msk [tilespmem:v8+s28+$0x1B0 ss:$0x1], $0xffff;
	[tilespmem:v9+s22+$0x40 ss:$0x1] =	vst.idx.msk $0xffff, v10;
	v10 =	vand.u32 $0xFFFF, v11;
	v11 =	vand.u32 $0xFFFF0000, v27  }
0x107: {  	v36 =	vshrl.u32 v61, v16;
	v28 =	vshll.u32 v62, v19;
	v37 =	vld.idx.msk [tilespmem:v8+s28+$0x140 ss:$0x1], $0xffff;
	v10 =	vor.u32 v10, v11  }
0x108: {  	v11 =	vand.u32 $0xFFFF, v36;
	v38 =	vand.u32 $0xFFFF0000, v28;
	v39 =	vld.idx.msk [tilespmem:v8+s28+$0x1C0 ss:$0x1], $0xffff;
	[tilespmem:v9+s22+$0x50 ss:$0x1] =	vst.idx.msk $0xffff, v10  }
0x109: {  	v10 =	vor.u32 v11, v38;
	v11 =	vshrl.u32 v63, v14;
	v40 =	vshll.u32 v33, v15;
	v41 =	vld.idx.msk [tilespmem:v8+s28+$0x150 ss:$0x1], $0xffff  }
0x10a: {  	v49 =	vperm.xlane v20, v7;
	[tilespmem:v9+s22+$0x110 ss:$0x1] =	vst.idx.msk $0xffff, v10;
	v10 =	vand.u32 $0xFFFF, v11;
	v11 =	vand.u32 $0xFFFF0000, v40;
	v42 =	vld.idx.msk [tilespmem:v8+s28+$0x1D0 ss:$0x1], $0xffff  }
0x10b: {  	v58 =	vld.idx.msk [tilespmem:v8+s28+$0x60 ss:$0x1], $0xffff;
	v10 =	vor.u32 v10, v11;
	v11 =	vshrl.u32 v34, v14;
	v43 =	vshll.u32 v35, v15  }
0x10c: {  	v17 =	vshll.u32 v22, v17;
	v60 =	vld.idx.msk [tilespmem:v8+s28+$0xE0 ss:$0x1], $0xffff;
	[tilespmem:v9+s22+$0xA0 ss:$0x1] =	vst.idx.msk $0xffff, v10;
	v10 =	vand.u32 $0xFFFF, v11;
	v11 =	vand.u32 $0xFFFF0000, v43  }
0x10d: {  	v45 =	vld.idx.msk [tilespmem:v8+s28+$0x220 ss:$0x1], $0xffff;
	v10 =	vor.u32 v10, v11;
	v11 =	vshrl.u32 v37, v14;
	v28 =	vshll.u32 v39, v15  }
0x10e: {  	v18 =	vshrl.u32 v46, v18;
	v46 =	vld.idx.msk [tilespmem:v8+s28+$0x2A0 ss:$0x1], $0xffff;
	[tilespmem:v9+s22+$0xB0 ss:$0x1] =	vst.idx.msk $0xffff, v10;
	v10 =	vand.u32 $0xFFFF, v11;
	v11 =	vand.u32 $0xFFFF0000, v28  }
0x10f: {  	v47 =	vld.idx.msk [tilespmem:v8+s28+$0x230 ss:$0x1], $0xffff;
	v10 =	vor.u32 v10, v11;
	v11 =	vshrl.u32 v41, v14;
	v25 =	vshll.u32 v42, v15  }
0x110: {  	v17 =	vand.u32 $0xFFFF0000, v17;
	v48 =	vld.idx.msk [tilespmem:v8+s28+$0x2B0 ss:$0x1], $0xffff;
	[tilespmem:v9+s22+$0xC0 ss:$0x1] =	vst.idx.msk $0xffff, v10;
	v10 =	vand.u32 $0xFFFF, v11;
	v11 =	vand.u32 $0xFFFF0000, v25  }
0x111: {  	v18 =	vand.u32 $0xFFFF, v18;
	v39 =	vshrl.u32 v58, v12;
	v50 =	vld.idx.msk [tilespmem:v8+s28+$0x240 ss:$0x1], $0xffff;
	v11 =	vor.u32 v10, v11  }
0x112: {  	v17 =	vor.u32 v18, v17;
	v41 =	vand.u32 $0xFFFF, v39;
	v51 =	vld.idx.msk [tilespmem:v8+s28+$0x2C0 ss:$0x1], $0xffff;
	[tilespmem:v9+s22+$0xD0 ss:$0x1] =	vst.idx.msk $0xffff, v11  }
0x113: {  	v10 =	vperm.xlane v20, v6;
	v52 =	vshrl.u32 v45, v16;
	v53 =	vshll.u32 v46, v19;
	v54 =	vld.idx.msk [tilespmem:v8+s28+$0x250 ss:$0x1], $0xffff  }
0x114: {  	[tilespmem:v9+s23+$0x3F0 ss:$0x1] =	vst.idx.msk $0xffff, v17;
	v11 =	vsub.s32 $0x10, v49;
	v20 =	vand.u32 $0xFFFF, v52;
	v23 =	vand.u32 $0xFFFF0000, v53;
	v56 =	vld.idx.msk [tilespmem:v8+s28+$0x2D0 ss:$0x1], $0xffff  }
0x115: {  	v29 =	vld.idx.msk [tilespmem:v8+s28+$0x310 ss:$0x1], $0xffff;
	v20 =	vor.u32 v20, v23;
	v57 =	vshrl.u32 v47, v16;
	v22 =	vshll.u32 v48, v19  }
0x116: {  	v44 =	vld.idx.msk [tilespmem:v8+s28+$0x390 ss:$0x1], $0xffff;
	v55 =	vshrl.u32 v24, v10;
	[tilespmem:v9+s22+$0x120 ss:$0x1] =	vst.idx.msk $0xffff, v20;
	v59 =	vand.u32 $0xFFFF, v57;
	v22 =	vand.u32 $0xFFFF0000, v22  }
0x117: {  	v61 =	vld.idx.msk [tilespmem:v8+s28+$0x320 ss:$0x1], $0xffff;
	v20 =	vor.u32 v59, v22;
	v62 =	vshrl.u32 v50, v16;
	v18 =	vshll.u32 v51, v19  }
0x118: {  	v21 =	vshll.u32 v21, v11;
	v63 =	vld.idx.msk [tilespmem:v8+s28+$0x3A0 ss:$0x1], $0xffff;
	[tilespmem:v9+s22+$0x130 ss:$0x1] =	vst.idx.msk $0xffff, v20;
	v32 =	vand.u32 $0xFFFF, v62;
	v18 =	vand.u32 $0xFFFF0000, v18  }
0x119: {  	v33 =	vld.idx.msk [tilespmem:v8+s28+$0x330 ss:$0x1], $0xffff;
	v18 =	vor.u32 v32, v18;
	v34 =	vshrl.u32 v54, v16;
	v24 =	vshll.u32 v56, v19  }
0x11a: {  	v43 =	vshrl.u32 v29, v10;
	v35 =	vld.idx.msk [tilespmem:v8+s28+$0x3B0 ss:$0x1], $0xffff;
	[tilespmem:v9+s22+$0x140 ss:$0x1] =	vst.idx.msk $0xffff, v18;
	v36 =	vand.u32 $0xFFFF, v34;
	v37 =	vand.u32 $0xFFFF0000, v24  }
0x11b: {  	v26 =	vshll.u32 v44, v11;
	v23 =	vshll.u32 v60, v13;
	v38 =	vld.idx.msk [tilespmem:v8+s28+$0x340 ss:$0x1], $0xffff;
	v18 =	vor.u32 v36, v37  }
0x11c: {  	v17 =	vand.u32 $0xFFFF, v55;
	v21 =	vand.u32 $0xFFFF0000, v21;
	v42 =	vand.u32 $0xFFFF0000, v23;
	v40 =	vld.idx.msk [tilespmem:v8+s28+$0x3C0 ss:$0x1], $0xffff;
	[tilespmem:v9+s22+$0x150 ss:$0x1] =	vst.idx.msk $0xffff, v18  }
0x11d: {  	v45 =	vand.u32 $0xFFFF, v43;
	v46 =	vand.u32 $0xFFFF0000, v26;
	v18 =	vor.u32 v41, v42;
	v44 =	vld.idx.msk [tilespmem:v8+s28+$0x350 ss:$0x1], $0xffff  }
0x11e: {  	v17 =	vor.u32 v17, v21;
	v47 =	vshrl.u32 v61, v10;
	v48 =	vld.idx.msk [tilespmem:v8+s28+$0x3D0 ss:$0x1], $0xffff;
	[tilespmem:v9+s22+$0x60 ss:$0x1] =	vst.idx.msk $0xffff, v18  }
0x11f: {  	v49 =	vor.u32 v45, v46;
	v51 =	vshll.u32 v63, v11;
	v50 =	vand.u32 $0xFFFF, v47;
	v52 =	vld.idx.msk [tilespmem:v8+s28+$0x160 ss:$0x1], $0xffff  }
0x120: {  	v23 =	vand.u32 $0xFFFF0000, v51;
	v22 =	vshrl.u32 v33, v10;
	v25 =	vshll.u32 v35, v11;
	v53 =	vld.idx.msk [tilespmem:v8+s28+$0x1E0 ss:$0x1], $0xffff  }
0x121: {  	[tilespmem:v9+s22+$0x180 ss:$0x1] =	vst.idx.msk $0xffff, v17;
	v54 =	vor.u32 v50, v23;
	v55 =	vand.u32 $0xFFFF, v22;
	v56 =	vand.u32 $0xFFFF0000, v25  }
0x122: {  	v20 =	vor.u32 v55, v56;
	v57 =	vshrl.u32 v38, v10;
	v21 =	vshll.u32 v40, v11  }
0x123: {  	[tilespmem:v9+s22+$0x190 ss:$0x1] =	vst.idx.msk $0xffff, v49;
	v58 =	vand.u32 $0xFFFF, v57;
	v21 =	vand.u32 $0xFFFF0000, v21;
	v59 =	vshrl.u32 v44, v10  }
0x124: {  	[tilespmem:v9+s22+$0x1A0 ss:$0x1] =	vst.idx.msk $0xffff, v54;
	v60 =	vor.u32 v58, v21;
	v62 =	vshll.u32 v48, v11;
	v61 =	vand.u32 $0xFFFF, v59  }
0x125: {  	[tilespmem:v9+s22+$0x1B0 ss:$0x1] =	vst.idx.msk $0xffff, v20;
	v63 =	vand.u32 $0xFFFF0000, v62;
	v24 =	vshrl.u32 v52, v14;
	v25 =	vshll.u32 v53, v15  }
0x126: {  	[tilespmem:v9+s22+$0x1C0 ss:$0x1] =	vst.idx.msk $0xffff, v60;
	v26 =	vor.u32 v61, v63;
	v27 =	vand.u32 $0xFFFF, v24;
	v28 =	vand.u32 $0xFFFF0000, v25  }
0x127: {  	[tilespmem:v9+s22+$0x1D0 ss:$0x1] =	vst.idx.msk $0xffff, v26;
	v29 =	vor.u32 v27, v28  }
0x128: {  	[tilespmem:v9+s22+$0xE0 ss:$0x1] =	vst.idx.msk $0xffff, v29  }
0x129: {  	v17 =	vld.idx.msk [tilespmem:v8+s28+$0x260 ss:$0x1], $0xffff  }
0x12a: {  	v30 =	vld.idx.msk [tilespmem:v8+s28+$0x70 ss:$0x1], $0xffff  }
0x12b: {  	s25 =	sor.u32 $0x400, s25;
	v31 =	vld.idx.msk [tilespmem:v8+s28+$0xF0 ss:$0x1], $0xffff  }
0x12c: {  	v32 =	vld.idx.msk [tilespmem:v8+s25+$0x0 ss:$0x1], $0xffff  }
0x12d: {  	v33 =	vld.idx.msk [tilespmem:v8+s25+$0x80 ss:$0x1], $0xffff;
	_ =	sdelay $0x1  }
0x12e: {  	v36 =	vld.idx.msk [tilespmem:v8+s28+$0x2E0 ss:$0x1], $0xffff  }
0x12f: {  	v42 =	vld.idx.msk [tilespmem:v8+s25+$0x10 ss:$0x1], $0xffff;
	v18 =	vshrl.u32 v30, v12;
	v20 =	vshll.u32 v31, v13  }
0x130: {  	v43 =	vld.idx.msk [tilespmem:v8+s25+$0x90 ss:$0x1], $0xffff;
	v18 =	vand.u32 $0xFFFF, v18;
	v20 =	vand.u32 $0xFFFF0000, v20  }
0x131: {  	v44 =	vld.idx.msk [tilespmem:v8+s25+$0x20 ss:$0x1], $0xffff;
	v34 =	vshrl.u32 v32, v12;
	v35 =	vshll.u32 v33, v13;
	v18 =	vor.u32 v18, v20  }
0x132: {  	v46 =	vld.idx.msk [tilespmem:v8+s25+$0xA0 ss:$0x1], $0xffff;
	v37 =	vand.u32 $0xFFFF, v34;
	v38 =	vand.u32 $0xFFFF0000, v35;
	[tilespmem:v9+s22+$0x70 ss:$0x1] =	vst.idx.msk $0xffff, v18  }
0x133: {  	s29 =	sshrl.u32 s25, $0x1;
	v18 =	vor.u32 v37, v38;
	v39 =	vld.idx.msk [tilespmem:v8+s28+$0x170 ss:$0x1], $0xffff  }
0x134: {  	v40 =	vld.idx.msk [tilespmem:v8+s28+$0x1F0 ss:$0x1], $0xffff;
	[tilespmem:v9+s29+$0x0 ss:$0x1] =	vst.idx.msk $0xffff, v18  }
0x135: {  	v17 =	vshrl.u32 v17, v16;
	v22 =	vshll.u32 v36, v19;
	v18 =	vld.idx.msk [tilespmem:v8+s25+$0x100 ss:$0x1], $0xffff  }
0x136: {  	v17 =	vand.u32 $0xFFFF, v17;
	v22 =	vand.u32 $0xFFFF0000, v22;
	v41 =	vld.idx.msk [tilespmem:v8+s25+$0x180 ss:$0x1], $0xffff  }
0x137: {  	v52 =	vshll.u32 v43, v13;
	v43 =	vld.idx.msk [tilespmem:v8+s25+$0x40 ss:$0x1], $0xffff;
	v17 =	vor.u32 v17, v22  }
0x138: {  	[tilespmem:v9+s22+$0x160 ss:$0x1] =	vst.idx.msk $0xffff, v17;
	v38 =	vld.idx.msk [tilespmem:v8+s25+$0x30 ss:$0x1], $0xffff  }
0x139: {  	v22 =	vld.idx.msk [tilespmem:v8+s28+$0x360 ss:$0x1], $0xffff;
	v21 =	vshrl.u32 v39, v14;
	v20 =	vshll.u32 v40, v15  }
0x13a: {  	v45 =	vand.u32 $0xFFFF, v21;
	v20 =	vand.u32 $0xFFFF0000, v20;
	v21 =	vld.idx.msk [tilespmem:v8+s28+$0x3E0 ss:$0x1], $0xffff  }
0x13b: {  	v18 =	vshrl.u32 v18, v14;
	v47 =	vshll.u32 v41, v15;
	v41 =	vld.idx.msk [tilespmem:v8+s25+$0xB0 ss:$0x1], $0xffff;
	v17 =	vor.u32 v45, v20  }
0x13c: {  	v48 =	vand.u32 $0xFFFF, v18;
	v49 =	vand.u32 $0xFFFF0000, v47;
	v45 =	vld.idx.msk [tilespmem:v8+s25+$0xC0 ss:$0x1], $0xffff;
	[tilespmem:v9+s22+$0xF0 ss:$0x1] =	vst.idx.msk $0xffff, v17  }
0x13d: {  	v51 =	vshrl.u32 v42, v12;
	v17 =	vor.u32 v48, v49;
	v50 =	vld.idx.msk [tilespmem:v8+s28+$0x270 ss:$0x1], $0xffff  }
0x13e: {  	v54 =	vand.u32 $0xFFFF, v51;
	v55 =	vand.u32 $0xFFFF0000, v52;
	v53 =	vld.idx.msk [tilespmem:v8+s28+$0x2F0 ss:$0x1], $0xffff;
	[tilespmem:v9+s22+$0x280 ss:$0x1] =	vst.idx.msk $0xffff, v17  }
0x13f: {  	v17 =	vor.u32 v54, v55;
	v56 =	vld.idx.msk [tilespmem:v8+s25+$0x200 ss:$0x1], $0xffff  }
0x140: {  	v57 =	vshrl.u32 v44, v12;
	v58 =	vshll.u32 v46, v13;
	v59 =	vld.idx.msk [tilespmem:v8+s25+$0x280 ss:$0x1], $0xffff;
	[tilespmem:v9+s22+$0x210 ss:$0x1] =	vst.idx.msk $0xffff, v17  }
0x141: {  	v60 =	vand.u32 $0xFFFF, v57;
	v61 =	vand.u32 $0xFFFF0000, v58;
	v55 =	vshrl.u32 v43, v12;
	v63 =	vld.idx.msk [tilespmem:v8+s25+$0x190 ss:$0x1], $0xffff  }
0x142: {  	v17 =	vor.u32 v60, v61;
	v57 =	vand.u32 $0xFFFF, v55;
	v55 =	vld.idx.msk [tilespmem:v8+s25+$0x70 ss:$0x1], $0xffff  }
0x143: {  	v62 =	vld.idx.msk [tilespmem:v8+s25+$0x110 ss:$0x1], $0xffff;
	[tilespmem:v9+s22+$0x220 ss:$0x1] =	vst.idx.msk $0xffff, v17  }
0x144: {  	v34 =	vld.idx.msk [tilespmem:v8+s25+$0x120 ss:$0x1], $0xffff;
	v32 =	vshrl.u32 v50, v16;
	v33 =	vshll.u32 v53, v19  }
0x145: {  	v35 =	vld.idx.msk [tilespmem:v8+s25+$0x1A0 ss:$0x1], $0xffff;
	v17 =	vand.u32 $0xFFFF, v32;
	v20 =	vand.u32 $0xFFFF0000, v33;
	v36 =	vshrl.u32 v56, v16  }
0x146: {  	v37 =	vshll.u32 v59, v19;
	v17 =	vor.u32 v17, v20;
	v18 =	vshll.u32 v63, v15;
	v63 =	vld.idx.msk [tilespmem:v8+s25+$0x50 ss:$0x1], $0xffff  }
0x147: {  	v39 =	vand.u32 $0xFFFF, v36;
	v40 =	vand.u32 $0xFFFF0000, v37;
	v36 =	vld.idx.msk [tilespmem:v8+s25+$0xD0 ss:$0x1], $0xffff;
	[tilespmem:v9+s22+$0x170 ss:$0x1] =	vst.idx.msk $0xffff, v17  }
0x148: {  	v42 =	vshrl.u32 v62, v14;
	v17 =	vor.u32 v39, v40;
	v26 =	vld.idx.msk [tilespmem:v8+s28+$0x370 ss:$0x1], $0xffff  }
0x149: {  	v23 =	vshll.u32 v41, v13;
	v44 =	vand.u32 $0xFFFF, v42;
	v18 =	vand.u32 $0xFFFF0000, v18;
	[tilespmem:v9+s22+$0x300 ss:$0x1] =	vst.idx.msk $0xffff, v17;
	v25 =	vld.idx.msk [tilespmem:v8+s28+$0x3F0 ss:$0x1], $0xffff  }
0x14a: {  	v46 =	vshrl.u32 v34, v14;
	v47 =	vshll.u32 v35, v15;
	v17 =	vor.u32 v44, v18;
	v27 =	vld.idx.msk [tilespmem:v8+s25+$0x300 ss:$0x1], $0xffff  }
0x14b: {  	v50 =	vshrl.u32 v38, v12;
	v48 =	vand.u32 $0xFFFF, v46;
	v49 =	vand.u32 $0xFFFF0000, v47;
	[tilespmem:v9+s22+$0x290 ss:$0x1] =	vst.idx.msk $0xffff, v17;
	v41 =	vld.idx.msk [tilespmem:v8+s25+$0x380 ss:$0x1], $0xffff  }
0x14c: {  	v53 =	vand.u32 $0xFFFF0000, v23;
	v52 =	vand.u32 $0xFFFF, v50;
	v17 =	vor.u32 v48, v49;
	v51 =	vld.idx.msk [tilespmem:v8+s25+$0x210 ss:$0x1], $0xffff  }
0x14d: {  	v20 =	vshll.u32 v45, v13;
	[tilespmem:v9+s22+$0x2A0 ss:$0x1] =	vst.idx.msk $0xffff, v17;
	v54 =	vld.idx.msk [tilespmem:v8+s25+$0x290 ss:$0x1], $0xffff;
	v17 =	vor.u32 v52, v53  }
0x14e: {  	v58 =	vand.u32 $0xFFFF0000, v20;
	v53 =	vld.idx.msk [tilespmem:v8+s25+$0xE0 ss:$0x1], $0xffff;
	[tilespmem:v9+s22+$0x230 ss:$0x1] =	vst.idx.msk $0xffff, v17  }
0x14f: {  	v17 =	vor.u32 v57, v58;
	v59 =	vld.idx.msk [tilespmem:v8+s25+$0x130 ss:$0x1], $0xffff  }
0x150: {  	v60 =	vld.idx.msk [tilespmem:v8+s25+$0x1B0 ss:$0x1], $0xffff;
	[tilespmem:v9+s22+$0x240 ss:$0x1] =	vst.idx.msk $0xffff, v17  }
0x151: {  	v17 =	vld.idx.msk [tilespmem:v8+s25+$0x140 ss:$0x1], $0xffff  }
0x152: {  	v61 =	vld.idx.msk [tilespmem:v8+s25+$0x1C0 ss:$0x1], $0xffff  }
0x153: {  	s30 =	sor.u32 $0x2, s21;
	v56 =	vld.idx.msk [tilespmem:v8+s25+$0x220 ss:$0x1], $0xffff;
	v24 =	vshrl.u32 v51, v16;
	v23 =	vshll.u32 v54, v19  }
0x154: {  	s31 =	sshll.u32 s30, $0x3;
	v62 =	vld.idx.msk [tilespmem:v8+s25+$0x2A0 ss:$0x1], $0xffff;
	v24 =	vand.u32 $0xFFFF, v24;
	v23 =	vand.u32 $0xFFFF0000, v23  }
0x155: {  	s24 =	sand.u32 $0x3FFFFFF8, s31;
	v58 =	vld.idx.msk [tilespmem:v8+s25+$0xF0 ss:$0x1], $0xffff;
	v23 =	vor.u32 v24, v23;
	v20 =	vshrl.u32 v59, v14;
	v18 =	vshll.u32 v60, v15  }
0x156: {  	s24 =	sadd.s32 s24, s20;
	v51 =	vld.idx.msk [tilespmem:v8+s25+$0x60 ss:$0x1], $0xffff;
	[tilespmem:v9+s22+$0x310 ss:$0x1] =	vst.idx.msk $0xffff, v23;
	v20 =	vand.u32 $0xFFFF, v20;
	v18 =	vand.u32 $0xFFFF0000, v18  }
0x157: {  	v17 =	vshrl.u32 v17, v14;
	v38 =	vshll.u32 v61, v15;
	v61 =	vld.msk [tilespmem:s24+$0x0 ss:$0x1], $0xff;
	v18 =	vor.u32 v20, v18  }
0x158: {  	v35 =	vld.idx.msk [tilespmem:v8+s25+$0x310 ss:$0x1], $0xffff;
	v17 =	vand.u32 $0xFFFF, v17;
	v40 =	vand.u32 $0xFFFF0000, v38;
	[tilespmem:v9+s22+$0x2B0 ss:$0x1] =	vst.idx.msk $0xffff, v18  }
0x159: {  	v46 =	vshrl.u32 v63, v12;
	v24 =	vshll.u32 v36, v13;
	v17 =	vor.u32 v17, v40;
	v44 =	vld.idx.msk [tilespmem:v8+s25+$0x230 ss:$0x1], $0xffff  }
0x15a: {  	v57 =	vshll.u32 v53, v13;
	v24 =	vand.u32 $0xFFFF0000, v24;
	v45 =	vld.idx.msk [tilespmem:v8+s25+$0x2B0 ss:$0x1], $0xffff;
	[tilespmem:v9+s22+$0x2C0 ss:$0x1] =	vst.idx.msk $0xffff, v17;
	v17 =	vand.u32 $0xFFFF, v46  }
0x15b: {  	v37 =	vshrl.u32 v56, v16;
	v39 =	vshll.u32 v62, v19;
	v47 =	vld.idx.msk [tilespmem:v8+s25+$0x240 ss:$0x1], $0xffff;
	v17 =	vor.u32 v17, v24  }
0x15c: {  	v42 =	vand.u32 $0xFFFF, v37;
	v43 =	vand.u32 $0xFFFF0000, v39;
	v13 =	vshll.u32 v58, v13;
	v48 =	vld.idx.msk [tilespmem:v8+s25+$0x2C0 ss:$0x1], $0xffff;
	[tilespmem:v9+s22+$0x250 ss:$0x1] =	vst.idx.msk $0xffff, v17  }
0x15d: {  	v20 =	vor.u32 v42, v43;
	v56 =	vshrl.u32 v51, v12;
	v12 =	vshrl.u32 v55, v12;
	v17 =	vld.idx.msk [tilespmem:v8+s25+$0x150 ss:$0x1], $0xffff  }
0x15e: {  	s24 =	sshll.u32 s30, $0xB;
	v13 =	vand.u32 $0xFFFF0000, v13;
	[tilespmem:v9+s22+$0x320 ss:$0x1] =	vst.idx.msk $0xffff, v20;
	v12 =	vand.u32 $0xFFFF, v12;
	v50 =	vld.idx.msk [tilespmem:v8+s25+$0x1D0 ss:$0x1], $0xffff  }
0x15f: {  	v33 =	vld.idx.msk [tilespmem:v8+s25+$0x390 ss:$0x1], $0xffff;
	s28 =	sand.u32 $0x3FFFF800, s24;
	v12 =	vor.u32 v12, v13;
	v49 =	vshrl.u32 v44, v16;
	v18 =	vshll.u32 v45, v19  }
0x160: {  	v62 =	vld.idx.msk [tilespmem:v8+s28+$0x0 ss:$0x1], $0xffff;
	[tilespmem:v9+s22+$0x270 ss:$0x1] =	vst.idx.msk $0xffff, v12;
	v24 =	vand.u32 $0xFFFF, v49;
	v18 =	vand.u32 $0xFFFF0000, v18  }
0x161: {  	v63 =	vld.idx.msk [tilespmem:v8+s28+$0x80 ss:$0x1], $0xffff;
	v23 =	vshrl.u32 v47, v16;
	v20 =	vshll.u32 v48, v19;
	v18 =	vor.u32 v24, v18  }
0x162: {  	v31 =	vld.idx.msk [tilespmem:v8+s25+$0x320 ss:$0x1], $0xffff;
	v52 =	vand.u32 $0xFFFF, v23;
	v20 =	vand.u32 $0xFFFF0000, v20;
	[tilespmem:v9+s22+$0x330 ss:$0x1] =	vst.idx.msk $0xffff, v18  }
0x163: {  	v32 =	vld.idx.msk [tilespmem:v8+s25+$0x3A0 ss:$0x1], $0xffff;
	v18 =	vor.u32 v52, v20;
	v17 =	vshrl.u32 v17, v14;
	v54 =	vshll.u32 v50, v15  }
0x164: {  	v43 =	vld.idx.msk [tilespmem:v8+s25+$0x170 ss:$0x1], $0xffff;
	[tilespmem:v9+s22+$0x340 ss:$0x1] =	vst.idx.msk $0xffff, v18;
	v17 =	vand.u32 $0xFFFF, v17;
	v18 =	vand.u32 $0xFFFF0000, v54  }
0x165: {  	v47 =	vld.idx.msk [tilespmem:v8+s28+$0x90 ss:$0x1], $0xffff;
	v17 =	vor.u32 v17, v18  }
0x166: {  	v30 =	vld.idx.msk [tilespmem:v8+s25+$0x330 ss:$0x1], $0xffff;
	[tilespmem:v9+s22+$0x2D0 ss:$0x1] =	vst.idx.msk $0xffff, v17  }
0x167: {  	v20 =	vand.u32 $0xFFFF0000, v57;
	v17 =	vand.u32 $0xFFFF, v56;
	v59 =	vld.idx.msk [tilespmem:v8+s25+$0x250 ss:$0x1], $0xffff  }
0x168: {  	v60 =	vld.idx.msk [tilespmem:v8+s25+$0x2D0 ss:$0x1], $0xffff;
	v17 =	vor.u32 v17, v20  }
0x169: {  	v24 =	vld.idx.msk [tilespmem:v8+s25+$0x3B0 ss:$0x1], $0xffff;
	v20 =	vshll.u32 v61, $0x4;
	[tilespmem:v9+s22+$0x260 ss:$0x1] =	vst.idx.msk $0xffff, v17  }
0x16a: {  	v44 =	vperm.xlane v20, v2;
	v17 =	vperm.xlane v20, v1;
	v36 =	vld.idx.msk [tilespmem:v8+s25+$0x160 ss:$0x1], $0xffff  }
0x16b: {  	v23 =	vld.idx.msk [tilespmem:v8+s25+$0x340 ss:$0x1], $0xffff  }
0x16c: {  	v37 =	vld.idx.msk [tilespmem:v8+s25+$0x1E0 ss:$0x1], $0xffff;
	v18 =	vsub.s32 $0x10, v44;
	v28 =	vshrl.u32 v62, v17;
	v38 =	vshrl.u32 v59, v16  }
0x16d: {  	v13 =	vshll.u32 v63, v18;
	v39 =	vshll.u32 v60, v19;
	v40 =	vand.u32 $0xFFFF, v38;
	v38 =	vld.idx.msk [tilespmem:v8+s25+$0x1F0 ss:$0x1], $0xffff  }
0x16e: {  	v28 =	vand.u32 $0xFFFF, v28;
	v13 =	vand.u32 $0xFFFF0000, v13;
	v42 =	vand.u32 $0xFFFF0000, v39;
	v39 =	vld.idx.msk [tilespmem:v8+s28+$0x10 ss:$0x1], $0xffff  }
0x16f: {  	s23 =	sshrl.u32 s24, $0x1;
	v48 =	vor.u32 v28, v13;
	v45 =	vshrl.u32 v36, v14;
	v36 =	vld.idx.msk [tilespmem:v8+s25+$0x3C0 ss:$0x1], $0xffff  }
0x170: {  	[tilespmem:v9+s23+$0x0 ss:$0x1] =	vst.idx.msk $0xffff, v48;
	v48 =	vld.idx.msk [tilespmem:v8+s28+$0xA0 ss:$0x1], $0xffff  }
0x171: {  	v12 =	vor.u32 v40, v42;
	v37 =	vshll.u32 v37, v15;
	v52 =	vld.idx.msk [tilespmem:v8+s28+$0x100 ss:$0x1], $0xffff  }
0x172: {  	v34 =	vand.u32 $0xFFFF, v45;
	v37 =	vand.u32 $0xFFFF0000, v37;
	[tilespmem:v9+s22+$0x350 ss:$0x1] =	vst.idx.msk $0xffff, v12;
	v53 =	vld.idx.msk [tilespmem:v8+s28+$0x180 ss:$0x1], $0xffff  }
0x173: {  	v56 =	vshll.u32 v47, v18;
	v46 =	vor.u32 v34, v37;
	v37 =	vld.idx.msk [tilespmem:v8+s25+$0x350 ss:$0x1], $0xffff  }
0x174: {  	v58 =	vperm.xlane v20, v4;
	v59 =	vand.u32 $0xFFFF0000, v56;
	v47 =	vld.idx.msk [tilespmem:v8+s25+$0x3D0 ss:$0x1], $0xffff  }
0x175: {  	v14 =	vshrl.u32 v43, v14;
	[tilespmem:v9+s22+$0x2E0 ss:$0x1] =	vst.idx.msk $0xffff, v46;
	v46 =	vld.idx.msk [tilespmem:v8+s28+$0x20 ss:$0x1], $0xffff;
	v15 =	vshll.u32 v38, v15  }
0x176: {  	v50 =	vand.u32 $0xFFFF, v14;
	v14 =	vperm.xlane v20, v3;
	v49 =	vld.idx.msk [tilespmem:v8+s25+$0x260 ss:$0x1], $0xffff;
	v51 =	vand.u32 $0xFFFF0000, v15  }
0x177: {  	v54 =	vld.idx.msk [tilespmem:v8+s25+$0x2E0 ss:$0x1], $0xffff;
	v55 =	vshrl.u32 v39, v17;
	v15 =	vsub.s32 $0x10, v58;
	v12 =	vor.u32 v50, v51  }
0x178: {  	v43 =	vshll.u32 v48, v18;
	v48 =	vld.idx.msk [tilespmem:v8+s28+$0x40 ss:$0x1], $0xffff;
	v61 =	vshrl.u32 v52, v14;
	[tilespmem:v9+s22+$0x2F0 ss:$0x1] =	vst.idx.msk $0xffff, v12  }
0x179: {  	v62 =	vshll.u32 v53, v15;
	v51 =	vperm.xlane v20, v5;
	v12 =	vand.u32 $0xFFFF, v55;
	v57 =	vld.idx.msk [tilespmem:v8+s25+$0x270 ss:$0x1], $0xffff  }
0x17a: {  	v13 =	vand.u32 $0xFFFF, v61;
	v28 =	vand.u32 $0xFFFF0000, v62;
	v40 =	vld.idx.msk [tilespmem:v8+s25+$0x2F0 ss:$0x1], $0xffff;
	v12 =	vor.u32 v12, v59  }
0x17b: {  	v13 =	vor.u32 v13, v28;
	v28 =	vshrl.u32 v46, v17;
	v46 =	vld.idx.msk [tilespmem:v8+s28+$0xB0 ss:$0x1], $0xffff;
	[tilespmem:v9+s23+$0x10 ss:$0x1] =	vst.idx.msk $0xffff, v12  }
0x17c: {  	[tilespmem:v9+s23+$0x80 ss:$0x1] =	vst.idx.msk $0xffff, v13;
	v13 =	vsub.s32 $0x10, v51;
	v51 =	vld.idx.msk [tilespmem:v8+s28+$0xC0 ss:$0x1], $0xffff  }
0x17d: {  	v63 =	vld.idx.msk [tilespmem:v8+s28+$0x110 ss:$0x1], $0xffff  }
0x17e: {  	v53 =	vand.u32 $0xFFFF0000, v43;
	v28 =	vand.u32 $0xFFFF, v28;
	v45 =	vld.idx.msk [tilespmem:v8+s28+$0x190 ss:$0x1], $0xffff  }
0x17f: {  	v60 =	vshrl.u32 v49, v16;
	v38 =	vshll.u32 v54, v19;
	v49 =	vld.idx.msk [tilespmem:v8+s28+$0x200 ss:$0x1], $0xffff;
	v28 =	vor.u32 v28, v53  }
0x180: {  	v12 =	vand.u32 $0xFFFF, v60;
	v38 =	vand.u32 $0xFFFF0000, v38;
	v42 =	vld.idx.msk [tilespmem:v8+s28+$0x280 ss:$0x1], $0xffff;
	[tilespmem:v9+s23+$0x20 ss:$0x1] =	vst.idx.msk $0xffff, v28  }
0x181: {  	v12 =	vor.u32 v12, v38;
	v59 =	vld.idx.msk [tilespmem:v8+s28+$0x120 ss:$0x1], $0xffff;
	v16 =	vshrl.u32 v57, v16;
	v19 =	vshll.u32 v40, v19  }
0x182: {  	[tilespmem:v9+s22+$0x360 ss:$0x1] =	vst.idx.msk $0xffff, v12;
	v60 =	vld.idx.msk [tilespmem:v8+s28+$0x1A0 ss:$0x1], $0xffff;
	v16 =	vand.u32 $0xFFFF, v16;
	v19 =	vand.u32 $0xFFFF0000, v19  }
0x183: {  	v12 =	vperm.xlane v20, v0;
	v50 =	vor.u32 v16, v19;
	v16 =	vld.idx.msk [tilespmem:v8+s25+$0x360 ss:$0x1], $0xffff  }
0x184: {  	v29 =	vshrl.u32 v63, v14;
	v19 =	vld.idx.msk [tilespmem:v8+s25+$0x3E0 ss:$0x1], $0xffff  }
0x185: {  	v39 =	vshll.u32 v45, v15;
	v34 =	vshrl.u32 v49, v12;
	v63 =	vld.idx.msk [tilespmem:v8+s28+$0x30 ss:$0x1], $0xffff;
	[tilespmem:v9+s22+$0x370 ss:$0x1] =	vst.idx.msk $0xffff, v50  }
0x186: {  	v38 =	vshll.u32 v42, v13;
	v29 =	vand.u32 $0xFFFF, v29;
	v52 =	vand.u32 $0xFFFF0000, v39;
	v39 =	vld.idx.msk [tilespmem:v8+s25+$0x370 ss:$0x1], $0xffff  }
0x187: {  	v55 =	vand.u32 $0xFFFF, v34;
	v56 =	vand.u32 $0xFFFF0000, v38;
	v29 =	vor.u32 v29, v52;
	v40 =	vld.idx.msk [tilespmem:v8+s25+$0x3F0 ss:$0x1], $0xffff  }
0x188: {  	v58 =	vor.u32 v55, v56;
	v56 =	vld.idx.msk [tilespmem:v8+s28+$0x50 ss:$0x1], $0xffff;
	[tilespmem:v9+s23+$0x90 ss:$0x1] =	vst.idx.msk $0xffff, v29  }
0x189: {  	v54 =	vld.idx.msk [tilespmem:v8+s28+$0x210 ss:$0x1], $0xffff  }
0x18a: {  	v28 =	vshll.u32 v60, v15;
	v29 =	vshrl.u32 v59, v14;
	v57 =	vld.idx.msk [tilespmem:v8+s28+$0x290 ss:$0x1], $0xffff  }
0x18b: {  	[tilespmem:v9+s23+$0x100 ss:$0x1] =	vst.idx.msk $0xffff, v58;
	v28 =	vand.u32 $0xFFFF0000, v28;
	v58 =	vld.idx.msk [tilespmem:v8+s28+$0xD0 ss:$0x1], $0xffff;
	v29 =	vand.u32 $0xFFFF, v29  }
0x18c: {  	v53 =	vshll.u32 v46, v18;
	v44 =	vld.idx.msk [tilespmem:v8+s28+$0x300 ss:$0x1], $0xffff;
	v28 =	vor.u32 v29, v28;
	v52 =	vshrl.u32 v63, v17  }
0x18d: {  	v43 =	vand.u32 $0xFFFF0000, v53;
	v38 =	vld.idx.msk [tilespmem:v8+s28+$0x380 ss:$0x1], $0xffff;
	[tilespmem:v9+s23+$0xA0 ss:$0x1] =	vst.idx.msk $0xffff, v28;
	v29 =	vand.u32 $0xFFFF, v52  }
0x18e: {  	v28 =	vld.idx.msk [tilespmem:v8+s28+$0x220 ss:$0x1], $0xffff;
	v29 =	vor.u32 v29, v43  }
0x18f: {  	[tilespmem:v9+s23+$0x30 ss:$0x1] =	vst.idx.msk $0xffff, v29;
	v61 =	vshrl.u32 v54, v12;
	v62 =	vshll.u32 v57, v13;
	v54 =	vld.idx.msk [tilespmem:v8+s28+$0x2A0 ss:$0x1], $0xffff  }
0x190: {  	v49 =	vld.idx.msk [tilespmem:v8+s28+$0x130 ss:$0x1], $0xffff;
	v34 =	vand.u32 $0xFFFF, v61;
	v42 =	vand.u32 $0xFFFF0000, v62  }
0x191: {  	v59 =	vld.idx.msk [tilespmem:v8+s28+$0x1B0 ss:$0x1], $0xffff;
	v34 =	vor.u32 v34, v42  }
0x192: {  	v55 =	vshrl.u32 v48, v17;
	v63 =	vld.idx.msk [tilespmem:v8+s28+$0x60 ss:$0x1], $0xffff;
	[tilespmem:v9+s23+$0x110 ss:$0x1] =	vst.idx.msk $0xffff, v34;
	v34 =	vshll.u32 v51, v18  }
0x193: {  	v57 =	vand.u32 $0xFFFF, v55;
	v51 =	vld.idx.msk [tilespmem:v8+s28+$0xE0 ss:$0x1], $0xffff;
	v34 =	vand.u32 $0xFFFF0000, v34  }
0x194: {  	v28 =	vshrl.u32 v28, v12;
	v45 =	vld.idx.msk [tilespmem:v8+s28+$0x310 ss:$0x1], $0xffff;
	v29 =	vor.u32 v57, v34;
	v60 =	vshll.u32 v54, v13  }
0x195: {  	v43 =	vshll.u32 v58, v18;
	v42 =	vld.idx.msk [tilespmem:v8+s28+$0x390 ss:$0x1], $0xffff;
	v28 =	vand.u32 $0xFFFF, v28;
	[tilespmem:v9+s23+$0x40 ss:$0x1] =	vst.idx.msk $0xffff, v29;
	v29 =	vand.u32 $0xFFFF0000, v60  }
0x196: {  	v49 =	vshrl.u32 v49, v14;
	v34 =	vshll.u32 v59, v15;
	v61 =	vld.idx.msk [tilespmem:v8+s28+$0x140 ss:$0x1], $0xffff;
	v28 =	vor.u32 v28, v29  }
0x197: {  	v62 =	vshrl.u32 v56, v17;
	v49 =	vand.u32 $0xFFFF, v49;
	v34 =	vand.u32 $0xFFFF0000, v34;
	v50 =	vld.idx.msk [tilespmem:v8+s28+$0x1C0 ss:$0x1], $0xffff;
	[tilespmem:v9+s23+$0x120 ss:$0x1] =	vst.idx.msk $0xffff, v28  }
0x198: {  	v43 =	vand.u32 $0xFFFF0000, v43;
	v29 =	vand.u32 $0xFFFF, v62;
	v34 =	vor.u32 v49, v34;
	v28 =	vld.idx.msk [tilespmem:v8+s28+$0x320 ss:$0x1], $0xffff  }
0x199: {  	v43 =	vor.u32 v29, v43;
	[tilespmem:v9+s23+$0xB0 ss:$0x1] =	vst.idx.msk $0xffff, v34;
	v29 =	vld.idx.msk [tilespmem:v8+s28+$0x3A0 ss:$0x1], $0xffff  }
0x19a: {  	[tilespmem:v9+s23+$0x50 ss:$0x1] =	vst.idx.msk $0xffff, v43;
	v60 =	vld.idx.msk [tilespmem:v8+s28+$0x2B0 ss:$0x1], $0xffff  }
0x19b: {  	v57 =	vld.idx.msk [tilespmem:v8+s28+$0x150 ss:$0x1], $0xffff  }
0x19c: {  	v55 =	vshrl.u32 v61, v14;
	v56 =	vshll.u32 v50, v15;
	v50 =	vld.idx.msk [tilespmem:v8+s28+$0x230 ss:$0x1], $0xffff  }
0x19d: {  	v53 =	vand.u32 $0xFFFF, v55;
	v54 =	vand.u32 $0xFFFF0000, v56;
	v55 =	vld.idx.msk [tilespmem:v8+s28+$0x1D0 ss:$0x1], $0xffff  }
0x19e: {  	v58 =	vshrl.u32 v63, v17;
	v59 =	vshll.u32 v51, v18;
	v34 =	vor.u32 v53, v54;
	v53 =	vld.idx.msk [tilespmem:v8+s28+$0x70 ss:$0x1], $0xffff  }
0x19f: {  	v62 =	vand.u32 $0xFFFF0000, v59;
	v61 =	vand.u32 $0xFFFF, v58;
	v51 =	vshll.u32 v60, v13;
	v60 =	vld.idx.msk [tilespmem:v8+s28+$0xF0 ss:$0x1], $0xffff;
	[tilespmem:v9+s23+$0xC0 ss:$0x1] =	vst.idx.msk $0xffff, v34  }
0x1a0: {  	v22 =	vshrl.u32 v22, v10;
	v34 =	vor.u32 v61, v62;
	v63 =	vld.idx.msk [tilespmem:v8+s28+$0x240 ss:$0x1], $0xffff  }
0x1a1: {  	v21 =	vshll.u32 v21, v11;
	v57 =	vshrl.u32 v57, v14;
	v56 =	vld.idx.msk [tilespmem:v8+s28+$0x2C0 ss:$0x1], $0xffff;
	[tilespmem:v9+s23+$0x60 ss:$0x1] =	vst.idx.msk $0xffff, v34  }
0x1a2: {  	v59 =	vand.u32 $0xFFFF0000, v51;
	v49 =	vld.idx.msk [tilespmem:v8+s28+$0x160 ss:$0x1], $0xffff;
	v50 =	vshrl.u32 v50, v12;
	v46 =	vshll.u32 v55, v15  }
0x1a3: {  	s26 =	sor.u32 $0x400, s24;
	v34 =	vand.u32 $0xFFFF, v57;
	v52 =	vld.idx.msk [tilespmem:v8+s28+$0x1E0 ss:$0x1], $0xffff;
	v58 =	vand.u32 $0xFFFF, v50;
	v46 =	vand.u32 $0xFFFF0000, v46  }
0x1a4: {  	v61 =	vor.u32 v58, v59;
	v58 =	vshrl.u32 v53, v17;
	v51 =	vshll.u32 v60, v18;
	v53 =	vld.idx.msk [tilespmem:v8+s26+$0x0 ss:$0x1], $0xffff  }
0x1a5: {  	v21 =	vand.u32 $0xFFFF0000, v21;
	v34 =	vor.u32 v34, v46;
	[tilespmem:v9+s23+$0x130 ss:$0x1] =	vst.idx.msk $0xffff, v61;
	v60 =	vand.u32 $0xFFFF, v58;
	v58 =	vld.idx.msk [tilespmem:v8+s26+$0x80 ss:$0x1], $0xffff  }
0x1a6: {  	v26 =	vshrl.u32 v26, v10;
	[tilespmem:v9+s23+$0xD0 ss:$0x1] =	vst.idx.msk $0xffff, v34;
	v62 =	vshrl.u32 v63, v12;
	v46 =	vld.idx.msk [tilespmem:v8+s28+$0x330 ss:$0x1], $0xffff  }
0x1a7: {  	v25 =	vshll.u32 v25, v11;
	v43 =	vshll.u32 v56, v13;
	v63 =	vld.idx.msk [tilespmem:v8+s28+$0x250 ss:$0x1], $0xffff;
	v56 =	vand.u32 $0xFFFF, v62  }
0x1a8: {  	v43 =	vand.u32 $0xFFFF0000, v43;
	v57 =	vld.idx.msk [tilespmem:v8+s28+$0x2D0 ss:$0x1], $0xffff;
	v49 =	vshrl.u32 v49, v14;
	v52 =	vshll.u32 v52, v15  }
0x1a9: {  	v34 =	vor.u32 v56, v43;
	v43 =	vld.idx.msk [tilespmem:v8+s28+$0x3B0 ss:$0x1], $0xffff;
	v49 =	vand.u32 $0xFFFF, v49;
	v52 =	vand.u32 $0xFFFF0000, v52  }
0x1aa: {  	v26 =	vand.u32 $0xFFFF, v26;
	v27 =	vshrl.u32 v27, v10;
	v56 =	vld.idx.msk [tilespmem:v8+s26+$0xA0 ss:$0x1], $0xffff;
	v49 =	vor.u32 v49, v52  }
0x1ab: {  	v41 =	vshll.u32 v41, v11;
	v27 =	vand.u32 $0xFFFF, v27;
	v51 =	vand.u32 $0xFFFF0000, v51;
	v52 =	vld.idx.msk [tilespmem:v8+s26+$0x90 ss:$0x1], $0xffff;
	[tilespmem:v9+s23+$0xE0 ss:$0x1] =	vst.idx.msk $0xffff, v49  }
0x1ac: {  	v41 =	vand.u32 $0xFFFF0000, v41;
	v33 =	vshll.u32 v33, v11;
	v49 =	vor.u32 v60, v51;
	v61 =	vld.idx.msk [tilespmem:v8+s28+$0x260 ss:$0x1], $0xffff  }
0x1ad: {  	v25 =	vand.u32 $0xFFFF0000, v25;
	v41 =	vor.u32 v27, v41;
	v33 =	vand.u32 $0xFFFF0000, v33;
	v62 =	vld.idx.msk [tilespmem:v8+s28+$0x2E0 ss:$0x1], $0xffff;
	[tilespmem:v9+s23+$0x70 ss:$0x1] =	vst.idx.msk $0xffff, v49  }
0x1ae: {  	v31 =	vshrl.u32 v31, v10;
	v32 =	vshll.u32 v32, v11;
	v54 =	vor.u32 v26, v25;
	v49 =	vld.idx.msk [tilespmem:v8+s28+$0x170 ss:$0x1], $0xffff  }
0x1af: {  	[tilespmem:v9+s23+$0x140 ss:$0x1] =	vst.idx.msk $0xffff, v34;
	v48 =	vshrl.u32 v63, v12;
	v50 =	vshll.u32 v57, v13;
	v63 =	vld.idx.msk [tilespmem:v8+s28+$0x1F0 ss:$0x1], $0xffff  }
0x1b0: {  	v59 =	vand.u32 $0xFFFF, v22;
	v34 =	vld.idx.msk [tilespmem:v8+s28+$0x340 ss:$0x1], $0xffff;
	v48 =	vand.u32 $0xFFFF, v48;
	v50 =	vand.u32 $0xFFFF0000, v50  }
0x1b1: {  	v22 =	vld.idx.msk [tilespmem:v8+s28+$0x3C0 ss:$0x1], $0xffff;
	v27 =	vshll.u32 v58, v18;
	v48 =	vor.u32 v48, v50;
	v50 =	vor.u32 v59, v21  }
0x1b2: {  	v27 =	vand.u32 $0xFFFF0000, v27;
	[tilespmem:v9+s23+$0x150 ss:$0x1] =	vst.idx.msk $0xffff, v48;
	v57 =	vshrl.u32 v61, v12;
	v60 =	vshll.u32 v62, v13  }
0x1b3: {  	v59 =	vshrl.u32 v35, v10;
	v21 =	vld.idx.msk [tilespmem:v8+s28+$0x350 ss:$0x1], $0xffff;
	v25 =	vand.u32 $0xFFFF, v57;
	v35 =	vand.u32 $0xFFFF0000, v60  }
0x1b4: {  	v61 =	vld.idx.msk [tilespmem:v8+s26+$0x10 ss:$0x1], $0xffff;
	v49 =	vshrl.u32 v49, v14;
	v48 =	vshll.u32 v63, v15;
	v57 =	vshrl.u32 v53, v17  }
0x1b5: {  	v26 =	vld.idx.msk [tilespmem:v8+s28+$0x3D0 ss:$0x1], $0xffff;
	v25 =	vor.u32 v25, v35;
	v62 =	vand.u32 $0xFFFF, v49;
	v48 =	vand.u32 $0xFFFF0000, v48  }
0x1b6: {  	v55 =	vand.u32 $0xFFFF, v59;
	v63 =	vld.idx.msk [tilespmem:v8+s26+$0x20 ss:$0x1], $0xffff;
	v59 =	vand.u32 $0xFFFF, v57;
	v48 =	vor.u32 v62, v48;
	[tilespmem:v9+s23+$0x160 ss:$0x1] =	vst.idx.msk $0xffff, v25  }
0x1b7: {  	s29 =	sshrl.u32 s26, $0x1;
	v33 =	vor.u32 v55, v33;
	v55 =	vld.idx.msk [tilespmem:v8+s26+$0x40 ss:$0x1], $0xffff;
	v25 =	vor.u32 v59, v27;
	[tilespmem:v9+s23+$0xF0 ss:$0x1] =	vst.idx.msk $0xffff, v48  }
0x1b8: {  	v31 =	vand.u32 $0xFFFF, v31;
	v32 =	vand.u32 $0xFFFF0000, v32;
	[tilespmem:v9+s29+$0x0 ss:$0x1] =	vst.idx.msk $0xffff, v25;
	v25 =	vld.idx.msk [tilespmem:v8+s28+$0x360 ss:$0x1], $0xffff  }
0x1b9: {  	v32 =	vor.u32 v31, v32;
	v24 =	vshll.u32 v24, v11;
	v58 =	vld.idx.msk [tilespmem:v8+s28+$0x270 ss:$0x1], $0xffff  }
0x1ba: {  	v24 =	vand.u32 $0xFFFF0000, v24;
	v62 =	vshll.u32 v52, v18;
	v60 =	vld.idx.msk [tilespmem:v8+s28+$0x2F0 ss:$0x1], $0xffff;
	v61 =	vshrl.u32 v61, v17  }
0x1bb: {  	[tilespmem:v9+s22+$0x380 ss:$0x1] =	vst.idx.msk $0xffff, v41;
	v51 =	vand.u32 $0xFFFF0000, v62;
	v48 =	vand.u32 $0xFFFF, v61;
	v49 =	vshrl.u32 v63, v17;
	v63 =	vld.idx.msk [tilespmem:v8+s26+$0x180 ss:$0x1], $0xffff  }
0x1bc: {  	v35 =	vshll.u32 v56, v18;
	v61 =	vshrl.u32 v30, v10;
	v30 =	vld.idx.msk [tilespmem:v8+s28+$0x3E0 ss:$0x1], $0xffff;
	v48 =	vor.u32 v48, v51  }
0x1bd: {  	v23 =	vshrl.u32 v23, v10;
	v35 =	vand.u32 $0xFFFF0000, v35;
	v51 =	vld.idx.msk [tilespmem:v8+s26+$0x100 ss:$0x1], $0xffff;
	v49 =	vand.u32 $0xFFFF, v49;
	[tilespmem:v9+s23+$0x210 ss:$0x1] =	vst.idx.msk $0xffff, v48  }
0x1be: {  	v36 =	vshll.u32 v36, v11;
	v37 =	vshrl.u32 v37, v10;
	v35 =	vor.u32 v49, v35;
	v56 =	vld.idx.msk [tilespmem:v8+s26+$0x110 ss:$0x1], $0xffff  }
0x1bf: {  	v23 =	vand.u32 $0xFFFF, v23;
	v31 =	vand.u32 $0xFFFF, v61;
	[tilespmem:v9+s23+$0x220 ss:$0x1] =	vst.idx.msk $0xffff, v35;
	v57 =	vshrl.u32 v58, v12;
	v58 =	vld.idx.msk [tilespmem:v8+s26+$0x190 ss:$0x1], $0xffff  }
0x1c0: {  	[tilespmem:v9+s22+$0x1E0 ss:$0x1] =	vst.idx.msk $0xffff, v50;
	v53 =	vor.u32 v31, v24;
	v27 =	vshll.u32 v60, v13;
	v60 =	vld.idx.msk [tilespmem:v8+s26+$0x120 ss:$0x1], $0xffff  }
0x1c1: {  	v47 =	vshll.u32 v47, v11;
	[tilespmem:v9+s22+$0x3B0 ss:$0x1] =	vst.idx.msk $0xffff, v53;
	v62 =	vld.idx.msk [tilespmem:v8+s26+$0x1A0 ss:$0x1], $0xffff;
	v59 =	vand.u32 $0xFFFF, v57;
	v27 =	vand.u32 $0xFFFF0000, v27  }
0x1c2: {  	v53 =	vld.idx.msk [tilespmem:v8+s26+$0xD0 ss:$0x1], $0xffff;
	v48 =	vshll.u32 v63, v15;
	v27 =	vor.u32 v59, v27;
	v51 =	vshrl.u32 v51, v14  }
0x1c3: {  	v16 =	vshrl.u32 v16, v10;
	v63 =	vld.idx.msk [tilespmem:v8+s26+$0x30 ss:$0x1], $0xffff;
	v48 =	vand.u32 $0xFFFF0000, v48;
	[tilespmem:v9+s23+$0x170 ss:$0x1] =	vst.idx.msk $0xffff, v27;
	v51 =	vand.u32 $0xFFFF, v51  }
0x1c4: {  	v57 =	vld.idx.msk [tilespmem:v8+s26+$0xB0 ss:$0x1], $0xffff;
	v48 =	vor.u32 v51, v48;
	v49 =	vshrl.u32 v56, v14;
	v35 =	vshll.u32 v58, v15  }
0x1c5: {  	v19 =	vshll.u32 v19, v11;
	v27 =	vld.idx.msk [tilespmem:v8+s28+$0x370 ss:$0x1], $0xffff;
	[tilespmem:v9+s23+$0x280 ss:$0x1] =	vst.idx.msk $0xffff, v48;
	v56 =	vand.u32 $0xFFFF, v49;
	v35 =	vand.u32 $0xFFFF0000, v35  }
0x1c6: {  	v52 =	vshrl.u32 v60, v14;
	v50 =	vshll.u32 v62, v15;
	v58 =	vld.idx.msk [tilespmem:v8+s26+$0x200 ss:$0x1], $0xffff;
	v35 =	vor.u32 v56, v35  }
0x1c7: {  	v16 =	vand.u32 $0xFFFF, v16;
	v59 =	vld.idx.msk [tilespmem:v8+s26+$0x280 ss:$0x1], $0xffff;
	v52 =	vand.u32 $0xFFFF, v52;
	v50 =	vand.u32 $0xFFFF0000, v50;
	[tilespmem:v9+s23+$0x290 ss:$0x1] =	vst.idx.msk $0xffff, v35  }
0x1c8: {  	v11 =	vshll.u32 v40, v11;
	[tilespmem:v9+s22+$0x1F0 ss:$0x1] =	vst.idx.msk $0xffff, v54;
	v50 =	vor.u32 v52, v50;
	v60 =	vld.idx.msk [tilespmem:v8+s26+$0x210 ss:$0x1], $0xffff  }
0x1c9: {  	v11 =	vand.u32 $0xFFFF0000, v11;
	v10 =	vshrl.u32 v39, v10;
	v61 =	vand.u32 $0xFFFF0000, v36;
	[tilespmem:v9+s23+$0x2A0 ss:$0x1] =	vst.idx.msk $0xffff, v50;
	v62 =	vld.idx.msk [tilespmem:v8+s26+$0x290 ss:$0x1], $0xffff  }
0x1ca: {  	v63 =	vshrl.u32 v63, v17;
	v51 =	vshll.u32 v57, v18;
	v50 =	vor.u32 v23, v61;
	v23 =	vld.idx.msk [tilespmem:v8+s26+$0x220 ss:$0x1], $0xffff  }
0x1cb: {  	[tilespmem:v9+s22+$0x390 ss:$0x1] =	vst.idx.msk $0xffff, v33;
	v10 =	vand.u32 $0xFFFF, v10;
	v24 =	vand.u32 $0xFFFF, v63;
	v36 =	vand.u32 $0xFFFF0000, v51;
	v54 =	vld.idx.msk [tilespmem:v8+s26+$0x2A0 ss:$0x1], $0xffff  }
0x1cc: {  	v24 =	vor.u32 v24, v36;
	v48 =	vshrl.u32 v58, v12;
	v57 =	vshll.u32 v59, v13;
	v58 =	vld.idx.msk [tilespmem:v8+s26+$0xC0 ss:$0x1], $0xffff  }
0x1cd: {  	v10 =	vor.u32 v10, v11;
	v35 =	vld.idx.msk [tilespmem:v8+s28+$0x3F0 ss:$0x1], $0xffff;
	[tilespmem:v9+s23+$0x230 ss:$0x1] =	vst.idx.msk $0xffff, v24;
	v56 =	vand.u32 $0xFFFF, v48;
	v48 =	vand.u32 $0xFFFF0000, v57  }
0x1ce: {  	v63 =	vld.idx.msk [tilespmem:v8+s26+$0x1B0 ss:$0x1], $0xffff;
	v59 =	vshrl.u32 v60, v12;
	v31 =	vshll.u32 v62, v13;
	v60 =	vor.u32 v56, v48  }
0x1cf: {  	v49 =	vshrl.u32 v55, v17;
	v62 =	vld.idx.msk [tilespmem:v8+s26+$0x130 ss:$0x1], $0xffff;
	v61 =	vand.u32 $0xFFFF, v59;
	v31 =	vand.u32 $0xFFFF0000, v31;
	[tilespmem:v9+s23+$0x300 ss:$0x1] =	vst.idx.msk $0xffff, v60  }
0x1d0: {  	v23 =	vshrl.u32 v23, v12;
	v41 =	vshll.u32 v54, v13;
	v31 =	vor.u32 v61, v31;
	v36 =	vld.idx.msk [tilespmem:v8+s26+$0x300 ss:$0x1], $0xffff  }
0x1d1: {  	v23 =	vand.u32 $0xFFFF, v23;
	v33 =	vand.u32 $0xFFFF0000, v41;
	v24 =	vshll.u32 v58, v18;
	[tilespmem:v9+s23+$0x310 ss:$0x1] =	vst.idx.msk $0xffff, v31;
	v31 =	vld.idx.msk [tilespmem:v8+s26+$0x380 ss:$0x1], $0xffff  }
0x1d2: {  	[tilespmem:v9+s22+$0x3A0 ss:$0x1] =	vst.idx.msk $0xffff, v32;
	v52 =	vand.u32 $0xFFFF, v49;
	v23 =	vor.u32 v23, v33;
	v24 =	vand.u32 $0xFFFF0000, v24;
	v32 =	vld.idx.msk [tilespmem:v8+s26+$0x310 ss:$0x1], $0xffff  }
0x1d3: {  	v55 =	vand.u32 $0xFFFF0000, v47;
	v54 =	vand.u32 $0xFFFF, v37;
	[tilespmem:v9+s23+$0x320 ss:$0x1] =	vst.idx.msk $0xffff, v23;
	v24 =	vor.u32 v52, v24;
	v33 =	vld.idx.msk [tilespmem:v8+s26+$0x390 ss:$0x1], $0xffff  }
0x1d4: {  	v57 =	vshll.u32 v63, v15;
	v23 =	vld.idx.msk [tilespmem:v8+s26+$0x3A0 ss:$0x1], $0xffff;
	[tilespmem:v9+s23+$0x240 ss:$0x1] =	vst.idx.msk $0xffff, v24;
	v56 =	vshrl.u32 v62, v14  }
0x1d5: {  	v62 =	vand.u32 $0xFFFF0000, v19;
	v19 =	vperm.xlane v20, v6;
	v20 =	vperm.xlane v20, v7;
	v60 =	vld.idx.msk [tilespmem:v8+s26+$0x140 ss:$0x1], $0xffff  }
0x1d6: {  	[tilespmem:v9+s22+$0x3F0 ss:$0x1] =	vst.idx.msk $0xffff, v10;
	v37 =	vor.u32 v54, v55;
	v59 =	vand.u32 $0xFFFF0000, v57;
	v58 =	vand.u32 $0xFFFF, v56;
	v61 =	vld.idx.msk [tilespmem:v8+s26+$0x1C0 ss:$0x1], $0xffff  }
0x1d7: {  	v52 =	vld.idx.msk [tilespmem:v8+s26+$0x50 ss:$0x1], $0xffff;
	v40 =	vor.u32 v16, v62;
	v41 =	vor.u32 v58, v59;
	v16 =	vsub.s32 $0x10, v20  }
0x1d8: {  	v24 =	vld.idx.msk [tilespmem:v8+s26+$0x320 ss:$0x1], $0xffff;
	v11 =	vshrl.u32 v44, v19;
	v45 =	vshrl.u32 v45, v19;
	v20 =	vshll.u32 v53, v18  }
0x1d9: {  	s30 =	sor.u32 $0x3, s21;
	v56 =	vld.idx.msk [tilespmem:v8+s26+$0x60 ss:$0x1], $0xffff;
	v28 =	vshrl.u32 v28, v19;
	v48 =	vshrl.u32 v34, v19;
	[tilespmem:v9+s23+$0x2B0 ss:$0x1] =	vst.idx.msk $0xffff, v41  }
0x1da: {  	s31 =	sshll.u32 s30, $0x3;
	v21 =	vshrl.u32 v21, v19;
	v25 =	vshrl.u32 v25, v19;
	v11 =	vand.u32 $0xFFFF, v11;
	v63 =	vld.idx.msk [tilespmem:v8+s26+$0x230 ss:$0x1], $0xffff  }
0x1db: {  	s25 =	sand.u32 $0x3FFFFFF8, s31;
	v57 =	vshll.u32 v38, v16;
	v54 =	vshrl.u32 v60, v14;
	v55 =	vshll.u32 v61, v15;
	v60 =	vld.idx.msk [tilespmem:v8+s26+$0xE0 ss:$0x1], $0xffff  }
0x1dc: {  	s25 =	sadd.s32 s25, s20;
	s28 =	sshll.u32 s30, $0xB;
	[tilespmem:v9+s22+$0x3D0 ss:$0x1] =	vst.idx.msk $0xffff, v37;
	v37 =	vand.u32 $0xFFFF0000, v57;
	v61 =	vld.idx.msk [tilespmem:v8+s26+$0x2B0 ss:$0x1], $0xffff;
	v58 =	vand.u32 $0xFFFF, v54;
	v59 =	vand.u32 $0xFFFF0000, v55  }
0x1dd: {  	s24 =	sor.u32 $0x400, s28;
	v42 =	vshll.u32 v42, v16;
	v44 =	vor.u32 v11, v37;
	v11 =	vld.msk [tilespmem:s25+$0x0 ss:$0x1], $0xff;
	v38 =	vor.u32 v58, v59  }
0x1de: {  	v20 =	vand.u32 $0xFFFF0000, v20;
	v41 =	vshrl.u32 v52, v17;
	v55 =	vld.idx.msk [tilespmem:v8+s24+$0x0 ss:$0x1], $0xffff;
	[tilespmem:v9+s23+$0x2C0 ss:$0x1] =	vst.idx.msk $0xffff, v38  }
0x1df: {  	v41 =	vand.u32 $0xFFFF, v41;
	v53 =	vshrl.u32 v56, v17;
	v62 =	vshrl.u32 v63, v12;
	v63 =	vld.idx.msk [tilespmem:v8+s26+$0x240 ss:$0x1], $0xffff  }
0x1e0: {  	v20 =	vor.u32 v41, v20;
	v57 =	vand.u32 $0xFFFF, v53;
	v52 =	vld.idx.msk [tilespmem:v8+s26+$0x2C0 ss:$0x1], $0xffff;
	v54 =	vshll.u32 v60, v18  }
0x1e1: {  	[tilespmem:v9+s23+$0x250 ss:$0x1] =	vst.idx.msk $0xffff, v20;
	v59 =	vld.idx.msk [tilespmem:v8+s24+$0x80 ss:$0x1], $0xffff;
	v38 =	vand.u32 $0xFFFF, v62;
	v56 =	vshll.u32 v61, v13;
	v58 =	vand.u32 $0xFFFF0000, v54  }
0x1e2: {  	[tilespmem:v9+s22+$0x3E0 ss:$0x1] =	vst.idx.msk $0xffff, v40;
	v20 =	vshll.u32 v11, $0x4;
	v60 =	vld.idx.msk [tilespmem:v8+s26+$0x150 ss:$0x1], $0xffff;
	v10 =	vand.u32 $0xFFFF0000, v56;
	v41 =	vor.u32 v57, v58  }
0x1e3: {  	v61 =	vld.idx.msk [tilespmem:v8+s26+$0x1D0 ss:$0x1], $0xffff;
	v62 =	vperm.xlane v20, v2;
	v11 =	vor.u32 v38, v10;
	[tilespmem:v9+s23+$0x260 ss:$0x1] =	vst.idx.msk $0xffff, v41  }
0x1e4: {  	v29 =	vshll.u32 v29, v16;
	v37 =	vand.u32 $0xFFFF, v45;
	v10 =	vperm.xlane v20, v1;
	[tilespmem:v9+s23+$0x330 ss:$0x1] =	vst.idx.msk $0xffff, v11  }
0x1e5: {  	v11 =	vsub.s32 $0x10, v62;
	v39 =	vshrl.u32 v63, v12;
	v40 =	vshll.u32 v52, v13;
	v41 =	vld.idx.msk [tilespmem:v8+s26+$0x160 ss:$0x1], $0xffff  }
0x1e6: {  	v63 =	vld.idx.msk [tilespmem:v8+s26+$0x1E0 ss:$0x1], $0xffff;
	v53 =	vshrl.u32 v55, v10;
	v45 =	vshll.u32 v59, v11;
	v39 =	vand.u32 $0xFFFF, v39  }
0x1e7: {  	v52 =	vld.idx.msk [tilespmem:v8+s26+$0x70 ss:$0x1], $0xffff;
	v40 =	vand.u32 $0xFFFF0000, v40;
	v55 =	vand.u32 $0xFFFF, v53;
	v56 =	vand.u32 $0xFFFF0000, v45  }
0x1e8: {  	v54 =	vld.idx.msk [tilespmem:v8+s26+$0xF0 ss:$0x1], $0xffff;
	v57 =	vshrl.u32 v60, v14;
	v58 =	vshll.u32 v61, v15;
	v51 =	vor.u32 v39, v40  }
0x1e9: {  	[tilespmem:v9+s22+$0x3C0 ss:$0x1] =	vst.idx.msk $0xffff, v50;
	s29 =	sand.u32 $0x3FFFF800, s28;
	s25 =	sshrl.u32 s24, $0x1;
	v38 =	vld.idx.msk [tilespmem:v8+s26+$0x330 ss:$0x1], $0xffff;
	v40 =	vor.u32 v55, v56;
	v59 =	vand.u32 $0xFFFF, v57;
	v60 =	vand.u32 $0xFFFF0000, v58  }
0x1ea: {  	v42 =	vand.u32 $0xFFFF0000, v42;
	v61 =	vld.idx.msk [tilespmem:v8+s29+$0x0 ss:$0x1], $0xffff;
	[tilespmem:v9+s25+$0x0 ss:$0x1] =	vst.idx.msk $0xffff, v40;
	v40 =	vor.u32 v59, v60  }
0x1eb: {  	v42 =	vor.u32 v37, v42;
	[tilespmem:v9+s23+$0x2D0 ss:$0x1] =	vst.idx.msk $0xffff, v40;
	v62 =	vshll.u32 v63, v15;
	v63 =	vld.idx.msk [tilespmem:v8+s29+$0x80 ss:$0x1], $0xffff  }
0x1ec: {  	v53 =	vshrl.u32 v46, v19;
	v41 =	vshrl.u32 v41, v14;
	v39 =	vshrl.u32 v52, v17;
	v52 =	vld.idx.msk [tilespmem:v8+s26+$0x250 ss:$0x1], $0xffff  }
0x1ed: {  	v18 =	vshll.u32 v54, v18;
	[tilespmem:v9+s23+$0x340 ss:$0x1] =	vst.idx.msk $0xffff, v51;
	v54 =	vld.idx.msk [tilespmem:v8+s26+$0x2D0 ss:$0x1], $0xffff;
	v50 =	vand.u32 $0xFFFF, v41;
	v51 =	vand.u32 $0xFFFF0000, v62  }
0x1ee: {  	v37 =	vld.idx.msk [tilespmem:v8+s26+$0x3B0 ss:$0x1], $0xffff;
	v18 =	vand.u32 $0xFFFF0000, v18;
	v39 =	vand.u32 $0xFFFF, v39;
	v40 =	vor.u32 v50, v51  }
0x1ef: {  	v57 =	vshll.u32 v43, v16;
	v17 =	vld.idx.msk [tilespmem:v8+s26+$0x340 ss:$0x1], $0xffff;
	v18 =	vor.u32 v39, v18;
	[tilespmem:v9+s23+$0x2E0 ss:$0x1] =	vst.idx.msk $0xffff, v40  }
0x1f0: {  	v55 =	vand.u32 $0xFFFF, v53;
	v45 =	vshrl.u32 v61, v10;
	[tilespmem:v9+s23+$0x270 ss:$0x1] =	vst.idx.msk $0xffff, v18;
	v18 =	vand.u32 $0xFFFF0000, v57;
	v56 =	vld.idx.msk [tilespmem:v8+s26+$0x260 ss:$0x1], $0xffff  }
0x1f1: {  	v45 =	vand.u32 $0xFFFF, v45;
	v58 =	vld.idx.msk [tilespmem:v8+s26+$0x170 ss:$0x1], $0xffff;
	v61 =	vor.u32 v55, v18;
	v59 =	vshll.u32 v63, v11  }
0x1f2: {  	v60 =	vld.idx.msk [tilespmem:v8+s26+$0x1F0 ss:$0x1], $0xffff;
	v41 =	vshrl.u32 v52, v12;
	v40 =	vshll.u32 v54, v13;
	v46 =	vand.u32 $0xFFFF0000, v59  }
0x1f3: {  	s30 =	sshrl.u32 s28, $0x1;
	v18 =	vld.idx.msk [tilespmem:v8+s26+$0x3C0 ss:$0x1], $0xffff;
	v49 =	vand.u32 $0xFFFF, v41;
	v50 =	vand.u32 $0xFFFF0000, v40;
	v62 =	vor.u32 v45, v46  }
0x1f4: {  	v28 =	vand.u32 $0xFFFF, v28;
	v29 =	vand.u32 $0xFFFF0000, v29;
	v63 =	vld.idx.msk [tilespmem:v8+s26+$0x2E0 ss:$0x1], $0xffff;
	v53 =	vor.u32 v49, v50;
	[tilespmem:v9+s30+$0x0 ss:$0x1] =	vst.idx.msk $0xffff, v62  }
0x1f5: {  	v27 =	vshrl.u32 v27, v19;
	v28 =	vor.u32 v28, v29;
	[tilespmem:v9+s23+$0x350 ss:$0x1] =	vst.idx.msk $0xffff, v53;
	v53 =	vld.idx.msk [tilespmem:v8+s29+$0xA0 ss:$0x1], $0xffff  }
0x1f6: {  	v47 =	vshrl.u32 v36, v19;
	v26 =	vshll.u32 v26, v16;
	[tilespmem:v9+s23+$0x1A0 ss:$0x1] =	vst.idx.msk $0xffff, v28;
	v51 =	vld.idx.msk [tilespmem:v8+s29+$0x100 ss:$0x1], $0xffff  }
0x1f7: {  	v30 =	vshll.u32 v30, v16;
	v35 =	vshll.u32 v35, v16;
	[tilespmem:v9+s23+$0x190 ss:$0x1] =	vst.idx.msk $0xffff, v42;
	v54 =	vld.idx.msk [tilespmem:v8+s29+$0x180 ss:$0x1], $0xffff  }
0x1f8: {  	v55 =	vshrl.u32 v56, v12;
	v14 =	vshrl.u32 v58, v14;
	v15 =	vshll.u32 v60, v15;
	v56 =	vld.idx.msk [tilespmem:v8+s29+$0x10 ss:$0x1], $0xffff  }
0x1f9: {  	v57 =	vperm.xlane v20, v4;
	[tilespmem:v9+s23+$0x1B0 ss:$0x1] =	vst.idx.msk $0xffff, v61;
	v58 =	vld.idx.msk [tilespmem:v8+s29+$0x90 ss:$0x1], $0xffff;
	v14 =	vand.u32 $0xFFFF, v14;
	v15 =	vand.u32 $0xFFFF0000, v15  }
0x1fa: {  	v52 =	vand.u32 $0xFFFF, v48;
	v29 =	vld.idx.msk [tilespmem:v8+s26+$0x350 ss:$0x1], $0xffff;
	v45 =	vshll.u32 v63, v13;
	v15 =	vor.u32 v14, v15  }
0x1fb: {  	v28 =	vld.idx.msk [tilespmem:v8+s26+$0x3D0 ss:$0x1], $0xffff;
	v60 =	vshll.u32 v22, v16;
	v39 =	vand.u32 $0xFFFF, v55;
	v45 =	vand.u32 $0xFFFF0000, v45;
	[tilespmem:v9+s23+$0x2F0 ss:$0x1] =	vst.idx.msk $0xffff, v15  }
0x1fc: {  	v14 =	vperm.xlane v20, v3;
	v39 =	vor.u32 v39, v45;
	v45 =	vand.u32 $0xFFFF0000, v60;
	v59 =	vld.idx.msk [tilespmem:v8+s26+$0x270 ss:$0x1], $0xffff  }
0x1fd: {  	v15 =	vsub.s32 $0x10, v57;
	[tilespmem:v9+s23+$0x360 ss:$0x1] =	vst.idx.msk $0xffff, v39;
	v61 =	vld.idx.msk [tilespmem:v8+s26+$0x2F0 ss:$0x1], $0xffff;
	v41 =	vor.u32 v52, v45  }
0x1fe: {  	v52 =	vld.idx.msk [tilespmem:v8+s29+$0x20 ss:$0x1], $0xffff;
	v40 =	vshrl.u32 v51, v14;
	v34 =	vshll.u32 v54, v15;
	v42 =	vshrl.u32 v56, v10  }
0x1ff: {  	[tilespmem:v9+s23+$0x180 ss:$0x1] =	vst.idx.msk $0xffff, v44;
	v22 =	vld.idx.msk [tilespmem:v8+s26+$0x360 ss:$0x1], $0xffff;
	v44 =	vshll.u32 v58, v11;
	v40 =	vand.u32 $0xFFFF, v40;
	v34 =	vand.u32 $0xFFFF0000, v34  }
0x200: {  	v62 =	vand.u32 $0xFFFF, v42;
	v63 =	vand.u32 $0xFFFF0000, v44;
	v40 =	vor.u32 v40, v34;
	v34 =	vld.idx.msk [tilespmem:v8+s26+$0x3E0 ss:$0x1], $0xffff  }
0x201: {  	v21 =	vand.u32 $0xFFFF, v21;
	v27 =	vand.u32 $0xFFFF, v27;
	[tilespmem:v9+s30+$0x80 ss:$0x1] =	vst.idx.msk $0xffff, v40;
	v40 =	vor.u32 v62, v63;
	v62 =	vld.idx.msk [tilespmem:v8+s29+$0xB0 ss:$0x1], $0xffff  }
0x202: {  	v26 =	vand.u32 $0xFFFF0000, v26;
	v35 =	vand.u32 $0xFFFF0000, v35;
	v32 =	vshrl.u32 v32, v19;
	v49 =	vld.idx.msk [tilespmem:v8+s29+$0x280 ss:$0x1], $0xffff  }
0x203: {  	v33 =	vshll.u32 v33, v16;
	[tilespmem:v9+s30+$0x10 ss:$0x1] =	vst.idx.msk $0xffff, v40;
	v12 =	vshrl.u32 v59, v12;
	v59 =	vld.idx.msk [tilespmem:v8+s29+$0x30 ss:$0x1], $0xffff  }
0x204: {  	v23 =	vshll.u32 v23, v16;
	v26 =	vor.u32 v21, v26;
	v13 =	vshll.u32 v61, v13;
	v50 =	vld.idx.msk [tilespmem:v8+s29+$0x110 ss:$0x1], $0xffff  }
0x205: {  	v51 =	vperm.xlane v20, v5;
	v12 =	vand.u32 $0xFFFF, v12;
	v13 =	vand.u32 $0xFFFF0000, v13;
	v40 =	vld.idx.msk [tilespmem:v8+s29+$0x190 ss:$0x1], $0xffff  }
0x206: {  	v27 =	vor.u32 v27, v35;
	[tilespmem:v9+s23+$0x1C0 ss:$0x1] =	vst.idx.msk $0xffff, v41;
	v48 =	vld.idx.msk [tilespmem:v8+s29+$0x200 ss:$0x1], $0xffff;
	v13 =	vor.u32 v12, v13  }
0x207: {  	v41 =	vshrl.u32 v52, v10;
	v52 =	vld.idx.msk [tilespmem:v8+s29+$0xC0 ss:$0x1], $0xffff;
	[tilespmem:v9+s23+$0x370 ss:$0x1] =	vst.idx.msk $0xffff, v13;
	v13 =	vsub.s32 $0x10, v51  }
0x208: {  	v54 =	vand.u32 $0xFFFF0000, v30;
	v63 =	vshll.u32 v53, v11;
	v51 =	vld.idx.msk [tilespmem:v8+s29+$0x40 ss:$0x1], $0xffff;
	v42 =	vshll.u32 v49, v13  }
0x209: {  	v41 =	vand.u32 $0xFFFF, v41;
	v30 =	vld.idx.msk [tilespmem:v8+s26+$0x370 ss:$0x1], $0xffff;
	v56 =	vand.u32 $0xFFFF0000, v42;
	v57 =	vshrl.u32 v50, v14  }
0x20a: {  	v21 =	vld.idx.msk [tilespmem:v8+s26+$0x3F0 ss:$0x1], $0xffff;
	v58 =	vshll.u32 v40, v15;
	v42 =	vand.u32 $0xFFFF0000, v63;
	v40 =	vshrl.u32 v59, v10  }
0x20b: {  	[tilespmem:v9+s23+$0x1D0 ss:$0x1] =	vst.idx.msk $0xffff, v26;
	v59 =	vld.idx.msk [tilespmem:v8+s29+$0x50 ss:$0x1], $0xffff;
	v60 =	vand.u32 $0xFFFF, v57;
	v61 =	vand.u32 $0xFFFF0000, v58;
	v41 =	vor.u32 v41, v42  }
0x20c: {  	v39 =	vshll.u32 v62, v11;
	v26 =	vor.u32 v60, v61;
	[tilespmem:v9+s30+$0x20 ss:$0x1] =	vst.idx.msk $0xffff, v41;
	v61 =	vld.idx.msk [tilespmem:v8+s29+$0xD0 ss:$0x1], $0xffff  }
0x20d: {  	v12 =	vperm.xlane v20, v0;
	v39 =	vand.u32 $0xFFFF0000, v39;
	v40 =	vand.u32 $0xFFFF, v40;
	v41 =	vld.idx.msk [tilespmem:v8+s29+$0x120 ss:$0x1], $0xffff  }
0x20e: {  	v25 =	vand.u32 $0xFFFF, v25;
	v35 =	vand.u32 $0xFFFF, v47;
	v39 =	vor.u32 v40, v39;
	[tilespmem:v9+s30+$0x90 ss:$0x1] =	vst.idx.msk $0xffff, v26;
	v50 =	vld.idx.msk [tilespmem:v8+s29+$0x1A0 ss:$0x1], $0xffff  }
0x20f: {  	v44 =	vshrl.u32 v48, v12;
	v49 =	vshll.u32 v31, v16;
	[tilespmem:v9+s30+$0x30 ss:$0x1] =	vst.idx.msk $0xffff, v39;
	v46 =	vld.idx.msk [tilespmem:v8+s29+$0x210 ss:$0x1], $0xffff  }
0x210: {  	[tilespmem:v9+s23+$0x1F0 ss:$0x1] =	vst.idx.msk $0xffff, v27;
	v38 =	vshrl.u32 v38, v19;
	v55 =	vand.u32 $0xFFFF, v44;
	v27 =	vand.u32 $0xFFFF0000, v49;
	v57 =	vld.idx.msk [tilespmem:v8+s29+$0x1B0 ss:$0x1], $0xffff  }
0x211: {  	v45 =	vor.u32 v25, v54;
	v25 =	vor.u32 v55, v56;
	v27 =	vor.u32 v35, v27;
	v48 =	vld.idx.msk [tilespmem:v8+s29+$0x290 ss:$0x1], $0xffff  }
0x212: {  	v32 =	vand.u32 $0xFFFF, v32;
	v55 =	vand.u32 $0xFFFF0000, v33;
	v35 =	vshll.u32 v52, v11;
	[tilespmem:v9+s30+$0x100 ss:$0x1] =	vst.idx.msk $0xffff, v25;
	v54 =	vld.idx.msk [tilespmem:v8+s29+$0x130 ss:$0x1], $0xffff  }
0x213: {  	v62 =	vshrl.u32 v51, v10;
	v25 =	vld.idx.msk [tilespmem:v8+s29+$0x300 ss:$0x1], $0xffff;
	v58 =	vshrl.u32 v41, v14;
	v31 =	vshll.u32 v50, v15  }
0x214: {  	v35 =	vand.u32 $0xFFFF0000, v35;
	v26 =	vld.idx.msk [tilespmem:v8+s29+$0x380 ss:$0x1], $0xffff;
	v60 =	vand.u32 $0xFFFF, v58;
	v31 =	vand.u32 $0xFFFF0000, v31  }
0x215: {  	v43 =	vand.u32 $0xFFFF, v62;
	v39 =	vshll.u32 v57, v15;
	v57 =	vld.idx.msk [tilespmem:v8+s29+$0x60 ss:$0x1], $0xffff;
	v31 =	vor.u32 v60, v31  }
0x216: {  	v53 =	vshrl.u32 v46, v12;
	v36 =	vshll.u32 v48, v13;
	v60 =	vld.idx.msk [tilespmem:v8+s29+$0xE0 ss:$0x1], $0xffff;
	[tilespmem:v9+s30+$0xA0 ss:$0x1] =	vst.idx.msk $0xffff, v31  }
0x217: {  	[tilespmem:v9+s23+$0x1E0 ss:$0x1] =	vst.idx.msk $0xffff, v45;
	v45 =	vshrl.u32 v54, v14;
	v56 =	vand.u32 $0xFFFF, v53;
	v36 =	vand.u32 $0xFFFF0000, v36;
	v44 =	vld.idx.msk [tilespmem:v8+s29+$0x220 ss:$0x1], $0xffff  }
0x218: {  	v39 =	vand.u32 $0xFFFF0000, v39;
	v31 =	vor.u32 v43, v35;
	v43 =	vshll.u32 v18, v16;
	v46 =	vld.idx.msk [tilespmem:v8+s29+$0x2A0 ss:$0x1], $0xffff  }
0x219: {  	v33 =	vor.u32 v56, v36;
	v36 =	vand.u32 $0xFFFF, v45;
	v45 =	vand.u32 $0xFFFF0000, v43;
	v43 =	vld.idx.msk [tilespmem:v8+s24+$0x10 ss:$0x1], $0xffff  }
0x21a: {  	v23 =	vand.u32 $0xFFFF0000, v23;
	v38 =	vand.u32 $0xFFFF, v38;
	[tilespmem:v9+s30+$0x40 ss:$0x1] =	vst.idx.msk $0xffff, v31;
	v36 =	vor.u32 v36, v39;
	v39 =	vld.idx.msk [tilespmem:v8+s24+$0x40 ss:$0x1], $0xffff  }
0x21b: {  	v17 =	vshrl.u32 v17, v19;
	v29 =	vshrl.u32 v29, v19;
	[tilespmem:v9+s23+$0x380 ss:$0x1] =	vst.idx.msk $0xffff, v27;
	v47 =	vld.idx.msk [tilespmem:v8+s29+$0x140 ss:$0x1], $0xffff  }
0x21c: {  	v28 =	vshll.u32 v28, v16;
	v63 =	vshrl.u32 v24, v19;
	[tilespmem:v9+s30+$0x110 ss:$0x1] =	vst.idx.msk $0xffff, v33;
	v48 =	vld.idx.msk [tilespmem:v8+s29+$0x1C0 ss:$0x1], $0xffff  }
0x21d: {  	v41 =	vshrl.u32 v59, v10;
	v33 =	vshll.u32 v61, v11;
	v27 =	vld.idx.msk [tilespmem:v8+s29+$0x310 ss:$0x1], $0xffff;
	[tilespmem:v9+s30+$0xB0 ss:$0x1] =	vst.idx.msk $0xffff, v36  }
0x21e: {  	v32 =	vor.u32 v32, v55;
	v41 =	vand.u32 $0xFFFF, v41;
	v33 =	vand.u32 $0xFFFF0000, v33;
	v49 =	vld.idx.msk [tilespmem:v8+s29+$0x230 ss:$0x1], $0xffff  }
0x21f: {  	v51 =	vshll.u32 v37, v16;
	v33 =	vor.u32 v41, v33;
	v50 =	vld.idx.msk [tilespmem:v8+s29+$0x2B0 ss:$0x1], $0xffff;
	v35 =	vshrl.u32 v44, v12  }
0x220: {  	v40 =	vand.u32 $0xFFFF, v63;
	v24 =	vld.idx.msk [tilespmem:v8+s29+$0x390 ss:$0x1], $0xffff;
	[tilespmem:v9+s30+$0x50 ss:$0x1] =	vst.idx.msk $0xffff, v33;
	v31 =	vshll.u32 v46, v13;
	v54 =	vand.u32 $0xFFFF, v35  }
0x221: {  	v52 =	vld.idx.msk [tilespmem:v8+s29+$0x150 ss:$0x1], $0xffff;
	v31 =	vand.u32 $0xFFFF0000, v31;
	v56 =	vshrl.u32 v47, v14;
	v36 =	vshll.u32 v48, v15  }
0x222: {  	v55 =	vld.idx.msk [tilespmem:v8+s29+$0x1D0 ss:$0x1], $0xffff;
	v31 =	vor.u32 v54, v31;
	v58 =	vand.u32 $0xFFFF, v56;
	v59 =	vand.u32 $0xFFFF0000, v36  }
0x223: {  	v23 =	vor.u32 v40, v23;
	[tilespmem:v9+s30+$0x120 ss:$0x1] =	vst.idx.msk $0xffff, v31;
	v31 =	vor.u32 v58, v59;
	v59 =	vld.idx.msk [tilespmem:v8+s29+$0x70 ss:$0x1], $0xffff  }
0x224: {  	v30 =	vshrl.u32 v30, v19;
	v41 =	vshrl.u32 v49, v12;
	v40 =	vshll.u32 v50, v13;
	v33 =	vld.idx.msk [tilespmem:v8+s29+$0x320 ss:$0x1], $0xffff  }
0x225: {  	[tilespmem:v9+s23+$0x390 ss:$0x1] =	vst.idx.msk $0xffff, v32;
	v21 =	vshll.u32 v21, v16;
	v61 =	vand.u32 $0xFFFF, v41;
	v40 =	vand.u32 $0xFFFF0000, v40;
	v32 =	vld.idx.msk [tilespmem:v8+s29+$0x3A0 ss:$0x1], $0xffff  }
0x226: {  	v17 =	vand.u32 $0xFFFF, v17;
	v30 =	vand.u32 $0xFFFF, v30;
	[tilespmem:v9+s30+$0xC0 ss:$0x1] =	vst.idx.msk $0xffff, v31;
	v31 =	vor.u32 v61, v40;
	v61 =	vld.idx.msk [tilespmem:v8+s29+$0xF0 ss:$0x1], $0xffff  }
0x227: {  	v21 =	vand.u32 $0xFFFF0000, v21;
	v37 =	vshrl.u32 v52, v14;
	v35 =	vshll.u32 v55, v15;
	v62 =	vld.idx.msk [tilespmem:v8+s29+$0x240 ss:$0x1], $0xffff  }
0x228: {  	v53 =	vand.u32 $0xFFFF0000, v51;
	[tilespmem:v9+s30+$0x130 ss:$0x1] =	vst.idx.msk $0xffff, v31;
	v63 =	vld.idx.msk [tilespmem:v8+s29+$0x2C0 ss:$0x1], $0xffff;
	v37 =	vand.u32 $0xFFFF, v37;
	v35 =	vand.u32 $0xFFFF0000, v35  }
0x229: {  	v21 =	vor.u32 v30, v21;
	v38 =	vor.u32 v38, v53;
	v35 =	vor.u32 v37, v35;
	v31 =	vld.idx.msk [tilespmem:v8+s29+$0x330 ss:$0x1], $0xffff  }
0x22a: {  	v42 =	vshrl.u32 v57, v10;
	v36 =	vshll.u32 v60, v11;
	v18 =	vld.idx.msk [tilespmem:v8+s29+$0x3B0 ss:$0x1], $0xffff;
	[tilespmem:v9+s30+$0xD0 ss:$0x1] =	vst.idx.msk $0xffff, v35  }
0x22b: {  	v44 =	vand.u32 $0xFFFF, v42;
	v47 =	vand.u32 $0xFFFF, v29;
	v36 =	vand.u32 $0xFFFF0000, v36;
	v46 =	vld.idx.msk [tilespmem:v8+s29+$0x250 ss:$0x1], $0xffff  }
0x22c: {  	v60 =	vshll.u32 v34, v16;
	v52 =	vand.u32 $0xFFFF0000, v28;
	v35 =	vor.u32 v44, v36;
	v48 =	vld.idx.msk [tilespmem:v8+s29+$0x2D0 ss:$0x1], $0xffff  }
0x22d: {  	v56 =	vor.u32 v47, v52;
	[tilespmem:v9+s30+$0x60 ss:$0x1] =	vst.idx.msk $0xffff, v35;
	v47 =	vshrl.u32 v59, v10;
	v59 =	vld.idx.msk [tilespmem:v8+s24+$0x20 ss:$0x1], $0xffff  }
0x22e: {  	v16 =	vperm.xlane v20, v6;
	v51 =	vld.idx.msk [tilespmem:v8+s29+$0x160 ss:$0x1], $0xffff;
	v49 =	vshrl.u32 v62, v12;
	v50 =	vshll.u32 v63, v13  }
0x22f: {  	[tilespmem:v9+s23+$0x3A0 ss:$0x1] =	vst.idx.msk $0xffff, v23;
	v57 =	vshrl.u32 v22, v19;
	v55 =	vld.idx.msk [tilespmem:v8+s29+$0x1E0 ss:$0x1], $0xffff;
	v53 =	vand.u32 $0xFFFF, v49;
	v54 =	vand.u32 $0xFFFF0000, v50  }
0x230: {  	v23 =	vand.u32 $0xFFFF0000, v60;
	v25 =	vshrl.u32 v25, v16;
	v58 =	vor.u32 v53, v54;
	v54 =	vld.idx.msk [tilespmem:v8+s24+$0x100 ss:$0x1], $0xffff  }
0x231: {  	v27 =	vshrl.u32 v27, v16;
	[tilespmem:v9+s30+$0x140 ss:$0x1] =	vst.idx.msk $0xffff, v58;
	v62 =	vshrl.u32 v46, v12;
	v46 =	vld.idx.msk [tilespmem:v8+s24+$0x90 ss:$0x1], $0xffff  }
0x232: {  	v37 =	vor.u32 v17, v45;
	v17 =	vand.u32 $0xFFFF, v57;
	v29 =	vshll.u32 v48, v13;
	v22 =	vld.idx.msk [tilespmem:v8+s29+$0x340 ss:$0x1], $0xffff  }
0x233: {  	[tilespmem:v9+s23+$0x3B0 ss:$0x1] =	vst.idx.msk $0xffff, v38;
	v63 =	vor.u32 v17, v23;
	v23 =	vld.idx.msk [tilespmem:v8+s29+$0x3C0 ss:$0x1], $0xffff;
	v38 =	vand.u32 $0xFFFF, v62;
	v29 =	vand.u32 $0xFFFF0000, v29  }
0x234: {  	v34 =	vshll.u32 v61, v11;
	v42 =	vshll.u32 v55, v15;
	v55 =	vld.idx.msk [tilespmem:v8+s24+$0x180 ss:$0x1], $0xffff;
	v17 =	vor.u32 v38, v29  }
0x235: {  	v49 =	vand.u32 $0xFFFF, v47;
	v50 =	vand.u32 $0xFFFF0000, v34;
	v40 =	vshrl.u32 v51, v14;
	v62 =	vld.idx.msk [tilespmem:v8+s24+$0xA0 ss:$0x1], $0xffff;
	[tilespmem:v9+s30+$0x150 ss:$0x1] =	vst.idx.msk $0xffff, v17  }
0x236: {  	[tilespmem:v9+s23+$0x3D0 ss:$0x1] =	vst.idx.msk $0xffff, v56;
	v44 =	vand.u32 $0xFFFF, v40;
	v45 =	vand.u32 $0xFFFF0000, v42;
	v29 =	vor.u32 v49, v50;
	v19 =	vld.idx.msk [tilespmem:v8+s29+$0x350 ss:$0x1], $0xffff  }
0x237: {  	v25 =	vand.u32 $0xFFFF, v25;
	v17 =	vor.u32 v44, v45;
	[tilespmem:v9+s30+$0x70 ss:$0x1] =	vst.idx.msk $0xffff, v29;
	v28 =	vld.idx.msk [tilespmem:v8+s29+$0x3D0 ss:$0x1], $0xffff  }
0x238: {  	v47 =	vshrl.u32 v31, v16;
	v48 =	vperm.xlane v20, v7;
	[tilespmem:v9+s30+$0xE0 ss:$0x1] =	vst.idx.msk $0xffff, v17;
	v29 =	vld.idx.msk [tilespmem:v8+s29+$0x170 ss:$0x1], $0xffff  }
0x239: {  	v27 =	vand.u32 $0xFFFF, v27;
	[tilespmem:v9+s23+$0x3C0 ss:$0x1] =	vst.idx.msk $0xffff, v37;
	v38 =	vshrl.u32 v43, v10;
	v50 =	vand.u32 $0xFFFF, v47;
	v51 =	vld.idx.msk [tilespmem:v8+s29+$0x260 ss:$0x1], $0xffff  }
0x23a: {  	[tilespmem:v9+s23+$0x3E0 ss:$0x1] =	vst.idx.msk $0xffff, v63;
	v38 =	vand.u32 $0xFFFF, v38;
	v17 =	vsub.s32 $0x10, v48;
	v52 =	vld.idx.msk [tilespmem:v8+s29+$0x2E0 ss:$0x1], $0xffff;
	v35 =	vshll.u32 v46, v11  }
0x23b: {  	v53 =	vld.idx.msk [tilespmem:v8+s29+$0x1F0 ss:$0x1], $0xffff;
	v63 =	vshrl.u32 v54, v14;
	v26 =	vshll.u32 v26, v17;
	v35 =	vand.u32 $0xFFFF0000, v35  }
0x23c: {  	v54 =	vld.idx.msk [tilespmem:v8+s24+$0x30 ss:$0x1], $0xffff;
	v18 =	vshll.u32 v18, v17;
	v26 =	vand.u32 $0xFFFF0000, v26;
	v35 =	vor.u32 v38, v35  }
0x23d: {  	v18 =	vand.u32 $0xFFFF0000, v18;
	v25 =	vor.u32 v25, v26;
	v26 =	vshll.u32 v55, v15;
	[tilespmem:v9+s30+$0x210 ss:$0x1] =	vst.idx.msk $0xffff, v35  }
0x23e: {  	v37 =	vand.u32 $0xFFFF, v63;
	v26 =	vand.u32 $0xFFFF0000, v26;
	[tilespmem:v9+s30+$0x180 ss:$0x1] =	vst.idx.msk $0xffff, v25;
	v25 =	vor.u32 v50, v18;
	v50 =	vld.idx.msk [tilespmem:v8+s24+$0x60 ss:$0x1], $0xffff  }
0x23f: {  	v57 =	vld.idx.msk [tilespmem:v8+s24+$0x110 ss:$0x1], $0xffff;
	v26 =	vor.u32 v37, v26;
	v20 =	vshrl.u32 v51, v12;
	v56 =	vshll.u32 v52, v13  }
0x240: {  	v33 =	vshrl.u32 v33, v16;
	v35 =	vld.idx.msk [tilespmem:v8+s24+$0x190 ss:$0x1], $0xffff;
	[tilespmem:v9+s30+$0x280 ss:$0x1] =	vst.idx.msk $0xffff, v26;
	v20 =	vand.u32 $0xFFFF, v20;
	v30 =	vand.u32 $0xFFFF0000, v56  }
0x241: {  	v29 =	vshrl.u32 v29, v14;
	v58 =	vshll.u32 v53, v15;
	v42 =	vld.idx.msk [tilespmem:v8+s24+$0x200 ss:$0x1], $0xffff;
	v20 =	vor.u32 v20, v30  }
0x242: {  	v36 =	vshrl.u32 v59, v10;
	v60 =	vand.u32 $0xFFFF, v29;
	v61 =	vand.u32 $0xFFFF0000, v58;
	v43 =	vld.idx.msk [tilespmem:v8+s24+$0x280 ss:$0x1], $0xffff;
	[tilespmem:v9+s30+$0x160 ss:$0x1] =	vst.idx.msk $0xffff, v20  }
0x243: {  	[tilespmem:v9+s23+$0x3F0 ss:$0x1] =	vst.idx.msk $0xffff, v21;
	v36 =	vand.u32 $0xFFFF, v36;
	v44 =	vand.u32 $0xFFFF, v33;
	v20 =	vor.u32 v60, v61;
	v29 =	vld.idx.msk [tilespmem:v8+s29+$0x360 ss:$0x1], $0xffff  }
0x244: {  	v24 =	vshll.u32 v24, v17;
	v30 =	vshll.u32 v62, v11;
	[tilespmem:v9+s30+$0xF0 ss:$0x1] =	vst.idx.msk $0xffff, v20;
	v20 =	vld.idx.msk [tilespmem:v8+s29+$0x3E0 ss:$0x1], $0xffff  }
0x245: {  	v32 =	vshll.u32 v32, v17;
	v30 =	vand.u32 $0xFFFF0000, v30;
	v34 =	vshrl.u32 v57, v14;
	v57 =	vld.idx.msk [tilespmem:v8+s24+$0xB0 ss:$0x1], $0xffff  }
0x246: {  	v24 =	vand.u32 $0xFFFF0000, v24;
	v35 =	vshll.u32 v35, v15;
	v30 =	vor.u32 v36, v30;
	v40 =	vld.idx.msk [tilespmem:v8+s29+$0x270 ss:$0x1], $0xffff  }
0x247: {  	v32 =	vand.u32 $0xFFFF0000, v32;
	v41 =	vld.idx.msk [tilespmem:v8+s29+$0x2F0 ss:$0x1], $0xffff;
	v34 =	vand.u32 $0xFFFF, v34;
	v35 =	vand.u32 $0xFFFF0000, v35;
	[tilespmem:v9+s30+$0x220 ss:$0x1] =	vst.idx.msk $0xffff, v30  }
0x248: {  	v22 =	vshrl.u32 v22, v16;
	v23 =	vshll.u32 v23, v17;
	v34 =	vor.u32 v34, v35;
	v49 =	vld.idx.msk [tilespmem:v8+s24+$0x120 ss:$0x1], $0xffff  }
0x249: {  	v24 =	vor.u32 v27, v24;
	v21 =	vor.u32 v44, v32;
	v52 =	vld.idx.msk [tilespmem:v8+s24+$0x1A0 ss:$0x1], $0xffff;
	[tilespmem:v9+s30+$0x290 ss:$0x1] =	vst.idx.msk $0xffff, v34  }
0x24a: {  	v22 =	vand.u32 $0xFFFF, v22;
	v62 =	vshrl.u32 v54, v10;
	v34 =	vshll.u32 v43, v13;
	v45 =	vld.idx.msk [tilespmem:v8+s24+$0x210 ss:$0x1], $0xffff  }
0x24b: {  	[tilespmem:v9+s30+$0x190 ss:$0x1] =	vst.idx.msk $0xffff, v24;
	v37 =	vand.u32 $0xFFFF, v62;
	v46 =	vld.idx.msk [tilespmem:v8+s24+$0x290 ss:$0x1], $0xffff;
	v56 =	vand.u32 $0xFFFF0000, v34;
	v34 =	vshll.u32 v57, v11  }
0x24c: {  	v48 =	vshrl.u32 v40, v12;
	v26 =	vshll.u32 v41, v13;
	v38 =	vand.u32 $0xFFFF0000, v34;
	v41 =	vld.idx.msk [tilespmem:v8+s24+$0xC0 ss:$0x1], $0xffff  }
0x24d: {  	v23 =	vand.u32 $0xFFFF0000, v23;
	[tilespmem:v9+s30+$0x1A0 ss:$0x1] =	vst.idx.msk $0xffff, v21;
	v51 =	vand.u32 $0xFFFF, v48;
	v40 =	vor.u32 v37, v38;
	v48 =	vld.idx.msk [tilespmem:v8+s24+$0xD0 ss:$0x1], $0xffff  }
0x24e: {  	v22 =	vor.u32 v22, v23;
	v31 =	vshll.u32 v52, v15;
	v52 =	vld.idx.msk [tilespmem:v8+s24+$0xE0 ss:$0x1], $0xffff;
	[tilespmem:v9+s30+$0x230 ss:$0x1] =	vst.idx.msk $0xffff, v40  }
0x24f: {  	v19 =	vshrl.u32 v19, v16;
	[tilespmem:v9+s30+$0x1B0 ss:$0x1] =	vst.idx.msk $0xffff, v25;
	v26 =	vand.u32 $0xFFFF0000, v26;
	v43 =	vld.idx.msk [tilespmem:v8+s24+$0x130 ss:$0x1], $0xffff  }
0x250: {  	v53 =	vshrl.u32 v42, v12;
	v26 =	vor.u32 v51, v26;
	v27 =	vshll.u32 v46, v13;
	v46 =	vld.idx.msk [tilespmem:v8+s24+$0x50 ss:$0x1], $0xffff  }
0x251: {  	v19 =	vand.u32 $0xFFFF, v19;
	v42 =	vshll.u32 v28, v17;
	v55 =	vand.u32 $0xFFFF, v53;
	[tilespmem:v9+s30+$0x170 ss:$0x1] =	vst.idx.msk $0xffff, v26;
	v54 =	vld.idx.msk [tilespmem:v8+s24+$0x1B0 ss:$0x1], $0xffff  }
0x252: {  	v62 =	vshrl.u32 v50, v10;
	v44 =	vand.u32 $0xFFFF0000, v42;
	v26 =	vor.u32 v55, v56;
	v58 =	vld.idx.msk [tilespmem:v8+s29+$0x370 ss:$0x1], $0xffff  }
0x253: {  	v19 =	vor.u32 v19, v44;
	v33 =	vshrl.u32 v45, v12;
	[tilespmem:v9+s30+$0x300 ss:$0x1] =	vst.idx.msk $0xffff, v26;
	v59 =	vld.idx.msk [tilespmem:v8+s29+$0x3F0 ss:$0x1], $0xffff  }
0x254: {  	[tilespmem:v9+s30+$0x1C0 ss:$0x1] =	vst.idx.msk $0xffff, v22;
	v20 =	vshll.u32 v20, v17;
	v33 =	vand.u32 $0xFFFF, v33;
	v27 =	vand.u32 $0xFFFF0000, v27;
	v36 =	vld.idx.msk [tilespmem:v8+s24+$0x300 ss:$0x1], $0xffff  }
0x255: {  	[tilespmem:v9+s30+$0x1D0 ss:$0x1] =	vst.idx.msk $0xffff, v19;
	v61 =	vshrl.u32 v49, v14;
	v60 =	vor.u32 v33, v27;
	v32 =	vld.idx.msk [tilespmem:v8+s24+$0x380 ss:$0x1], $0xffff  }
0x256: {  	v20 =	vand.u32 $0xFFFF0000, v20;
	v31 =	vand.u32 $0xFFFF0000, v31;
	v27 =	vand.u32 $0xFFFF, v61;
	v61 =	vld.idx.msk [tilespmem:v8+s24+$0x70 ss:$0x1], $0xffff;
	[tilespmem:v9+s30+$0x310 ss:$0x1] =	vst.idx.msk $0xffff, v60  }
0x257: {  	v49 =	vshrl.u32 v39, v10;
	v45 =	vshrl.u32 v29, v16;
	v63 =	vor.u32 v27, v31;
	v18 =	vld.idx.msk [tilespmem:v8+s24+$0x310 ss:$0x1], $0xffff  }
0x258: {  	v24 =	vand.u32 $0xFFFF, v49;
	v47 =	vand.u32 $0xFFFF, v45;
	v27 =	vshll.u32 v41, v11;
	[tilespmem:v9+s30+$0x2A0 ss:$0x1] =	vst.idx.msk $0xffff, v63;
	v63 =	vld.idx.msk [tilespmem:v8+s24+$0xF0 ss:$0x1], $0xffff  }
0x259: {  	v20 =	vor.u32 v47, v20;
	v23 =	vshll.u32 v48, v11;
	v51 =	vand.u32 $0xFFFF0000, v27;
	v31 =	vld.idx.msk [tilespmem:v8+s24+$0x220 ss:$0x1], $0xffff  }
0x25a: {  	[tilespmem:v9+s30+$0x1E0 ss:$0x1] =	vst.idx.msk $0xffff, v20;
	v27 =	vshll.u32 v52, v11;
	v24 =	vor.u32 v24, v51;
	v56 =	vld.idx.msk [tilespmem:v8+s24+$0x2A0 ss:$0x1], $0xffff  }
0x25b: {  	v28 =	vand.u32 $0xFFFF, v62;
	v29 =	vshrl.u32 v46, v10;
	v27 =	vand.u32 $0xFFFF0000, v27;
	v46 =	vld.idx.msk [tilespmem:v8+s24+$0x390 ss:$0x1], $0xffff;
	[tilespmem:v9+s30+$0x240 ss:$0x1] =	vst.idx.msk $0xffff, v24  }
0x25c: {  	v30 =	vshll.u32 v54, v15;
	v53 =	vshrl.u32 v58, v16;
	v27 =	vor.u32 v28, v27;
	v58 =	vld.idx.msk [tilespmem:v8+s24+$0x140 ss:$0x1], $0xffff  }
0x25d: {  	v23 =	vand.u32 $0xFFFF0000, v23;
	v55 =	vshll.u32 v59, v17;
	v60 =	vand.u32 $0xFFFF, v29;
	v37 =	vld.idx.msk [tilespmem:v8+s24+$0x1C0 ss:$0x1], $0xffff;
	[tilespmem:v9+s30+$0x260 ss:$0x1] =	vst.idx.msk $0xffff, v27  }
0x25e: {  	v59 =	vshrl.u32 v43, v14;
	v39 =	vand.u32 $0xFFFF0000, v30;
	v23 =	vor.u32 v60, v23;
	v44 =	vld.idx.msk [tilespmem:v8+s24+$0x160 ss:$0x1], $0xffff  }
0x25f: {  	v21 =	vand.u32 $0xFFFF, v53;
	v57 =	vand.u32 $0xFFFF0000, v55;
	v38 =	vand.u32 $0xFFFF, v59;
	[tilespmem:v9+s30+$0x250 ss:$0x1] =	vst.idx.msk $0xffff, v23;
	v45 =	vld.idx.msk [tilespmem:v8+s24+$0x1E0 ss:$0x1], $0xffff  }
0x260: {  	v10 =	vshrl.u32 v61, v10;
	v21 =	vor.u32 v21, v57;
	v19 =	vor.u32 v38, v39;
	v40 =	vld.idx.msk [tilespmem:v8+s24+$0x150 ss:$0x1], $0xffff  }
0x261: {  	v10 =	vand.u32 $0xFFFF, v10;
	v41 =	vld.idx.msk [tilespmem:v8+s24+$0x1D0 ss:$0x1], $0xffff;
	v11 =	vshll.u32 v63, v11;
	[tilespmem:v9+s30+$0x2B0 ss:$0x1] =	vst.idx.msk $0xffff, v19  }
0x262: {  	[tilespmem:v9+s30+$0x1F0 ss:$0x1] =	vst.idx.msk $0xffff, v21;
	v18 =	vshrl.u32 v18, v16;
	v43 =	vshrl.u32 v31, v12;
	v11 =	vand.u32 $0xFFFF0000, v11  }
0x263: {  	v48 =	vld.idx.msk [tilespmem:v8+s24+$0x2B0 ss:$0x1], $0xffff;
	v10 =	vor.u32 v10, v11;
	v25 =	vshrl.u32 v58, v14;
	v23 =	vshll.u32 v37, v15  }
0x264: {  	v26 =	vshll.u32 v56, v13;
	v11 =	vld.idx.msk [tilespmem:v8+s24+$0x230 ss:$0x1], $0xffff;
	[tilespmem:v9+s30+$0x270 ss:$0x1] =	vst.idx.msk $0xffff, v10;
	v47 =	vand.u32 $0xFFFF, v25;
	v23 =	vand.u32 $0xFFFF0000, v23  }
0x265: {  	v51 =	vld.idx.msk [tilespmem:v8+s24+$0x170 ss:$0x1], $0xffff;
	v52 =	vshrl.u32 v44, v14;
	v53 =	vshll.u32 v45, v15;
	v20 =	vor.u32 v47, v23  }
0x266: {  	v19 =	vshll.u32 v46, v17;
	v54 =	vld.idx.msk [tilespmem:v8+s24+$0x1F0 ss:$0x1], $0xffff;
	v56 =	vand.u32 $0xFFFF, v52;
	v57 =	vand.u32 $0xFFFF0000, v53;
	[tilespmem:v9+s30+$0x2C0 ss:$0x1] =	vst.idx.msk $0xffff, v20  }
0x267: {  	v49 =	vshrl.u32 v40, v14;
	v50 =	vshll.u32 v41, v15;
	v21 =	vor.u32 v56, v57;
	v55 =	vld.idx.msk [tilespmem:v8+s24+$0x240 ss:$0x1], $0xffff  }
0x268: {  	v18 =	vand.u32 $0xFFFF, v18;
	v10 =	vand.u32 $0xFFFF, v49;
	v20 =	vand.u32 $0xFFFF0000, v50;
	v58 =	vld.idx.msk [tilespmem:v8+s24+$0x2C0 ss:$0x1], $0xffff;
	[tilespmem:v9+s30+$0x2E0 ss:$0x1] =	vst.idx.msk $0xffff, v21  }
0x269: {  	v26 =	vand.u32 $0xFFFF0000, v26;
	v10 =	vor.u32 v10, v20;
	v11 =	vshrl.u32 v11, v12;
	v62 =	vld.idx.msk [tilespmem:v8+s24+$0x260 ss:$0x1], $0xffff  }
0x26a: {  	v23 =	vshll.u32 v48, v13;
	[tilespmem:v9+s30+$0x2D0 ss:$0x1] =	vst.idx.msk $0xffff, v10;
	v10 =	vand.u32 $0xFFFF, v43;
	v11 =	vand.u32 $0xFFFF, v11;
	v63 =	vld.idx.msk [tilespmem:v8+s24+$0x2E0 ss:$0x1], $0xffff  }
0x26b: {  	v10 =	vor.u32 v10, v26;
	v59 =	vld.idx.msk [tilespmem:v8+s24+$0x250 ss:$0x1], $0xffff;
	v14 =	vshrl.u32 v51, v14;
	v15 =	vshll.u32 v54, v15  }
0x26c: {  	v61 =	vld.idx.msk [tilespmem:v8+s24+$0x2D0 ss:$0x1], $0xffff;
	[tilespmem:v9+s30+$0x320 ss:$0x1] =	vst.idx.msk $0xffff, v10;
	v10 =	vand.u32 $0xFFFF0000, v23;
	v14 =	vand.u32 $0xFFFF, v14;
	v15 =	vand.u32 $0xFFFF0000, v15  }
0x26d: {  	v19 =	vand.u32 $0xFFFF0000, v19;
	v10 =	vor.u32 v11, v10;
	v11 =	vld.idx.msk [tilespmem:v8+s24+$0x320 ss:$0x1], $0xffff;
	v14 =	vor.u32 v14, v15  }
0x26e: {  	v42 =	vshrl.u32 v36, v16;
	v18 =	vor.u32 v18, v19;
	v30 =	vld.idx.msk [tilespmem:v8+s24+$0x3A0 ss:$0x1], $0xffff;
	[tilespmem:v9+s30+$0x2F0 ss:$0x1] =	vst.idx.msk $0xffff, v14  }
0x26f: {  	[tilespmem:v9+s30+$0x390 ss:$0x1] =	vst.idx.msk $0xffff, v18;
	v20 =	vshrl.u32 v55, v12;
	v25 =	vshll.u32 v58, v13;
	v33 =	vld.idx.msk [tilespmem:v8+s24+$0x270 ss:$0x1], $0xffff  }
0x270: {  	v60 =	vshll.u32 v32, v17;
	[tilespmem:v9+s30+$0x330 ss:$0x1] =	vst.idx.msk $0xffff, v10;
	v10 =	vand.u32 $0xFFFF, v20;
	v31 =	vand.u32 $0xFFFF0000, v25;
	v36 =	vld.idx.msk [tilespmem:v8+s24+$0x2F0 ss:$0x1], $0xffff  }
0x271: {  	v37 =	vld.idx.msk [tilespmem:v8+s24+$0x330 ss:$0x1], $0xffff;
	v32 =	vshrl.u32 v59, v12;
	v10 =	vor.u32 v10, v31;
	v35 =	vshll.u32 v61, v13  }
0x272: {  	v24 =	vand.u32 $0xFFFF, v42;
	v38 =	vld.idx.msk [tilespmem:v8+s24+$0x3B0 ss:$0x1], $0xffff;
	v34 =	vand.u32 $0xFFFF, v32;
	v20 =	vand.u32 $0xFFFF0000, v35;
	[tilespmem:v9+s30+$0x340 ss:$0x1] =	vst.idx.msk $0xffff, v10  }
0x273: {  	v27 =	vshrl.u32 v62, v12;
	v23 =	vshll.u32 v63, v13;
	v10 =	vor.u32 v34, v20;
	v40 =	vld.idx.msk [tilespmem:v8+s24+$0x340 ss:$0x1], $0xffff  }
0x274: {  	v26 =	vand.u32 $0xFFFF0000, v60;
	v39 =	vand.u32 $0xFFFF, v27;
	v23 =	vand.u32 $0xFFFF0000, v23;
	v41 =	vld.idx.msk [tilespmem:v8+s24+$0x3C0 ss:$0x1], $0xffff;
	[tilespmem:v9+s30+$0x350 ss:$0x1] =	vst.idx.msk $0xffff, v10  }
0x275: {  	v10 =	vor.u32 v39, v23;
	v12 =	vshrl.u32 v33, v12;
	v13 =	vshll.u32 v36, v13;
	v42 =	vld.idx.msk [tilespmem:v8+s24+$0x350 ss:$0x1], $0xffff  }
0x276: {  	v24 =	vor.u32 v24, v26;
	v43 =	vld.idx.msk [tilespmem:v8+s24+$0x3D0 ss:$0x1], $0xffff;
	[tilespmem:v9+s30+$0x360 ss:$0x1] =	vst.idx.msk $0xffff, v10;
	v10 =	vand.u32 $0xFFFF, v12;
	v44 =	vand.u32 $0xFFFF0000, v13  }
0x277: {  	v11 =	vshrl.u32 v11, v16;
	v45 =	vshll.u32 v30, v17;
	v46 =	vld.idx.msk [tilespmem:v8+s24+$0x360 ss:$0x1], $0xffff;
	v10 =	vor.u32 v10, v44  }
0x278: {  	v11 =	vand.u32 $0xFFFF, v11;
	v47 =	vand.u32 $0xFFFF0000, v45;
	v50 =	vshll.u32 v38, v17;
	v49 =	vld.idx.msk [tilespmem:v8+s24+$0x3E0 ss:$0x1], $0xffff;
	[tilespmem:v9+s30+$0x370 ss:$0x1] =	vst.idx.msk $0xffff, v10  }
0x279: {  	v48 =	vshrl.u32 v37, v16;
	v12 =	vand.u32 $0xFFFF0000, v50;
	v10 =	vor.u32 v11, v47;
	v51 =	vld.idx.msk [tilespmem:v8+s24+$0x370 ss:$0x1], $0xffff  }
0x27a: {  	v11 =	vand.u32 $0xFFFF, v48;
	v52 =	vshrl.u32 v40, v16;
	v53 =	vshll.u32 v41, v17;
	v54 =	vld.idx.msk [tilespmem:v8+s24+$0x3F0 ss:$0x1], $0xffff  }
0x27b: {  	[tilespmem:v9+s30+$0x380 ss:$0x1] =	vst.idx.msk $0xffff, v24;
	v11 =	vor.u32 v11, v12;
	v55 =	vand.u32 $0xFFFF, v52;
	v56 =	vand.u32 $0xFFFF0000, v53  }
0x27c: {  	v12 =	vor.u32 v55, v56;
	v57 =	vshrl.u32 v42, v16;
	v58 =	vshll.u32 v43, v17  }
0x27d: {  	p1 =	slt.u32 s21, $0xC;
	[tilespmem:v9+s30+$0x3A0 ss:$0x1] =	vst.idx.msk $0xffff, v10;
	v10 =	vand.u32 $0xFFFF, v57;
	v59 =	vand.u32 $0xFFFF0000, v58;
	v15 =	vshrl.u32 v46, v16  }
.Ltmp6:
0x27e: {  	[tilespmem:v9+s30+$0x3B0 ss:$0x1] =	vst.idx.msk $0xffff, v11;
	v60 =	vshll.u32 v49, v17;
	v10 =	vor.u32 v10, v59;
	v11 =	vand.u32 $0xFFFF, v15;
	(pc) =	sbr.rel @p1 .LBB2_8-.Ltmp6, $4  }
0x27f: {  	[tilespmem:v9+s30+$0x3C0 ss:$0x1] =	vst.idx.msk $0xffff, v12;
	v61 =	vand.u32 $0xFFFF0000, v60;
	v13 =	vshrl.u32 v51, v16;
	v62 =	vshll.u32 v54, v17  }
0x280: {  	[tilespmem:v9+s30+$0x3D0 ss:$0x1] =	vst.idx.msk $0xffff, v10;
	v10 =	vor.u32 v11, v61;
	v11 =	vand.u32 $0xFFFF, v13;
	v63 =	vand.u32 $0xFFFF0000, v62  }
0x281: {  	s31 =	sadd.s32 $0x4, s21;
	[tilespmem:v9+s30+$0x3E0 ss:$0x1] =	vst.idx.msk $0xffff, v10;
	v10 =	vor.u32 v11, v63  }
0x282: {  	s21 =	smov.u32 s31;
	[tilespmem:v9+s30+$0x3F0 ss:$0x1] =	vst.idx.msk $0xffff, v10  }
.LBB2_9:
0x283: {  	v8 =	vld.msk [tilespmem:s16+$0x0 ss:$0x1], $0xff  }
0x284: {  	s20 =	sshra.s32 s19, $0x2  }
0x285: {  	s20 =	sadd.s32 s20, s17  }
0x286: {  	v9 =	vld [tilespmem:s20+$0x8000]  }
0x287: {  	v10 =	vld [tilespmem:s20+$0x8080]  }
0x288: {  	v15 =	vld [tilespmem:s20+$0x8090];
	v14 =	vshll.u32 v8, $0x4  }
0x289: {  	v8 =	vld [tilespmem:s20+$0x8010];
	v11 =	vperm.xlane v14, v2  }
0x28a: {  	v13 =	vperm.xlane v14, v1  }
0x28b: {  	v12 =	vsub.s32 $0x10, v11  }
0x28c: {  	v9 =	vshrl.u32 v9, v13;
	v10 =	vshll.u32 v10, v12  }
0x28d: {  	v17 =	vld [tilespmem:s20+$0x8020];
	v9 =	vand.u32 $0xFFFF, v9;
	v10 =	vand.u32 $0xFFFF0000, v10  }
0x28e: {  	v19 =	vld [tilespmem:s20+$0x8030];
	v33 =	vshll.u32 v15, v12;
	v8 =	vshrl.u32 v8, v13;
	v9 =	vor.u32 v9, v10  }
0x28f: {  	v20 =	vld [tilespmem:s20+$0x80B0];
	v34 =	vand.u32 $0xFFFF0000, v33;
	v8 =	vand.u32 $0xFFFF, v8;
	[tilespmem:s18+$0xFFFFFC10] =	vst v9  }
0x290: {  	v8 =	vor.u32 v8, v34;
	v35 =	vld [tilespmem:s20+$0x8100]  }
0x291: {  	v36 =	vld [tilespmem:s20+$0x8180];
	[tilespmem:s18+$0xFFFFFC20] =	vst v8  }
0x292: {  	v8 =	vld [tilespmem:s20+$0x8110]  }
0x293: {  	v37 =	vperm.xlane v14, v4;
	v11 =	vperm.xlane v14, v3;
	v17 =	vshrl.u32 v17, v13;
	v16 =	vld [tilespmem:s20+$0x8190]  }
0x294: {  	v45 =	vshrl.u32 v19, v13;
	v42 =	vand.u32 $0xFFFF, v17;
	v46 =	vshll.u32 v20, v12  }
0x295: {  	v18 =	vld [tilespmem:s20+$0x80A0];
	v48 =	vand.u32 $0xFFFF, v45;
	v49 =	vand.u32 $0xFFFF0000, v46;
	v10 =	vsub.s32 $0x10, v37  }
0x296: {  	v39 =	vld [tilespmem:s20+$0x8040];
	v17 =	vor.u32 v48, v49;
	v15 =	vshrl.u32 v35, v11;
	v9 =	vshll.u32 v36, v10  }
0x297: {  	v41 =	vld [tilespmem:s20+$0x80C0];
	[tilespmem:s18+$0xFFFFFC40] =	vst v17;
	v15 =	vand.u32 $0xFFFF, v15;
	v9 =	vand.u32 $0xFFFF0000, v9  }
0x298: {  	v54 =	vld [tilespmem:s20+$0x8130];
	v8 =	vshrl.u32 v8, v11;
	v38 =	vshll.u32 v16, v10;
	v9 =	vor.u32 v15, v9  }
0x299: {  	v57 =	vld [tilespmem:s20+$0x81B0];
	v8 =	vand.u32 $0xFFFF, v8;
	v40 =	vand.u32 $0xFFFF0000, v38;
	[tilespmem:s18+$0xFFFFFC90] =	vst v9  }
0x29a: {  	v18 =	vshll.u32 v18, v12;
	v9 =	vor.u32 v8, v40;
	v21 =	vld [tilespmem:s20+$0x8200]  }
0x29b: {  	v43 =	vand.u32 $0xFFFF0000, v18;
	v22 =	vld [tilespmem:s20+$0x8280];
	[tilespmem:s18+$0xFFFFFCA0] =	vst v9  }
0x29c: {  	v16 =	vshrl.u32 v39, v13;
	v15 =	vshll.u32 v41, v12;
	v9 =	vor.u32 v42, v43;
	v44 =	vld [tilespmem:s20+$0x8210]  }
0x29d: {  	v16 =	vand.u32 $0xFFFF, v16;
	v15 =	vand.u32 $0xFFFF0000, v15;
	v23 =	vld [tilespmem:s20+$0x8290];
	[tilespmem:s18+$0xFFFFFC30] =	vst v9  }
0x29e: {  	v15 =	vor.u32 v16, v15;
	v50 =	vld [tilespmem:s20+$0x8120]  }
0x29f: {  	v47 =	vperm.xlane v14, v5;
	v8 =	vperm.xlane v14, v0;
	[tilespmem:s18+$0xFFFFFC50] =	vst v15;
	v51 =	vld [tilespmem:s20+$0x81A0]  }
0x2a0: {  	v32 =	vshrl.u32 v54, v11;
	v61 =	vld [tilespmem:s20+$0x8140]  }
0x2a1: {  	v26 =	vld [tilespmem:s20+$0x80D0];
	v33 =	vshll.u32 v57, v10;
	v9 =	vsub.s32 $0x10, v47;
	v52 =	vshrl.u32 v21, v8  }
0x2a2: {  	v34 =	vand.u32 $0xFFFF, v32;
	v24 =	vld [tilespmem:s20+$0x81C0];
	v53 =	vshll.u32 v22, v9;
	v55 =	vand.u32 $0xFFFF, v52  }
0x2a3: {  	v27 =	vld [tilespmem:s20+$0x8060];
	v56 =	vand.u32 $0xFFFF0000, v53;
	v59 =	vshrl.u32 v44, v8;
	v60 =	vshll.u32 v23, v9  }
0x2a4: {  	v45 =	vld [tilespmem:s20+$0x8050];
	v58 =	vor.u32 v55, v56;
	v62 =	vand.u32 $0xFFFF, v59;
	v63 =	vand.u32 $0xFFFF0000, v60  }
0x2a5: {  	v32 =	vld [tilespmem:s20+$0x8480];
	v28 =	vshrl.u32 v50, v11;
	v29 =	vshll.u32 v51, v10;
	v37 =	vshrl.u32 v61, v11  }
0x2a6: {  	v61 =	vld [tilespmem:s20+$0x8410];
	[tilespmem:s18+$0xFFFFFD10] =	vst v58;
	v15 =	vor.u32 v62, v63;
	v30 =	vand.u32 $0xFFFF, v28;
	v31 =	vand.u32 $0xFFFF0000, v29  }
0x2a7: {  	v35 =	vand.u32 $0xFFFF0000, v33;
	v38 =	vshll.u32 v24, v10;
	v28 =	vld [tilespmem:s20+$0x80E0];
	[tilespmem:s18+$0xFFFFFD20] =	vst v15;
	v15 =	vor.u32 v30, v31  }
0x2a8: {  	v40 =	vand.u32 $0xFFFF, v37;
	v41 =	vand.u32 $0xFFFF0000, v38;
	v29 =	vld [tilespmem:s20+$0x8070];
	[tilespmem:s18+$0xFFFFFCB0] =	vst v15;
	v15 =	vor.u32 v34, v35  }
0x2a9: {  	v63 =	vld [tilespmem:s20+$0x8490];
	[tilespmem:s18+$0xFFFFFCC0] =	vst v15;
	v15 =	vor.u32 v40, v41  }
0x2aa: {  	v17 =	vld [tilespmem:s20+$0x8300];
	[tilespmem:s18+$0xFFFFFCD0] =	vst v15  }
0x2ab: {  	v15 =	vld [tilespmem:s20+$0x8240]  }
0x2ac: {  	v44 =	vld [tilespmem:s20+$0x82C0]  }
0x2ad: {  	v25 =	vld [tilespmem:s20+$0x8380]  }
0x2ae: {  	v30 =	vld [tilespmem:s20+$0x80F0]  }
0x2af: {  	v31 =	vld [tilespmem:s20+$0x8400]  }
0x2b0: {  	v36 =	vld [tilespmem:s20+$0x8220]  }
0x2b1: {  	v50 =	vshrl.u32 v45, v13;
	v39 =	vld [tilespmem:s20+$0x82A0];
	v15 =	vshrl.u32 v15, v8;
	v48 =	vshll.u32 v44, v9  }
0x2b2: {  	v51 =	vshll.u32 v26, v12;
	v42 =	vld [tilespmem:s20+$0x8230];
	v15 =	vand.u32 $0xFFFF, v15;
	v49 =	vand.u32 $0xFFFF0000, v48  }
0x2b3: {  	v52 =	vand.u32 $0xFFFF, v50;
	v24 =	vand.u32 $0xFFFF0000, v51;
	v43 =	vld [tilespmem:s20+$0x82B0];
	v15 =	vor.u32 v15, v49  }
0x2b4: {  	v53 =	vshrl.u32 v27, v13;
	v18 =	vld [tilespmem:s20+$0x8310];
	v54 =	vshll.u32 v28, v12;
	[tilespmem:s18+$0xFFFFFD50] =	vst v15;
	v15 =	vor.u32 v52, v24  }
0x2b5: {  	v55 =	vand.u32 $0xFFFF, v53;
	v16 =	vld [tilespmem:s20+$0x8390];
	v56 =	vand.u32 $0xFFFF0000, v54;
	[tilespmem:s18+$0xFFFFFC60] =	vst v15  }
0x2b6: {  	v20 =	vshrl.u32 v36, v8;
	v22 =	vshll.u32 v39, v9;
	v15 =	vor.u32 v55, v56;
	v57 =	vld [tilespmem:s20+$0x8150]  }
0x2b7: {  	v20 =	vand.u32 $0xFFFF, v20;
	v22 =	vand.u32 $0xFFFF0000, v22;
	v58 =	vld [tilespmem:s20+$0x81D0];
	[tilespmem:s18+$0xFFFFFC70] =	vst v15  }
0x2b8: {  	v21 =	vshrl.u32 v42, v8;
	v19 =	vshll.u32 v43, v9;
	v20 =	vor.u32 v20, v22;
	v15 =	vld [tilespmem:s20+$0x8160]  }
0x2b9: {  	v46 =	vand.u32 $0xFFFF, v21;
	v47 =	vand.u32 $0xFFFF0000, v19;
	[tilespmem:s18+$0xFFFFFD30] =	vst v20;
	v59 =	vld [tilespmem:s20+$0x81E0]  }
0x2ba: {  	v20 =	vor.u32 v46, v47;
	v19 =	vld [tilespmem:s20+$0x8320]  }
0x2bb: {  	v23 =	vld [tilespmem:s20+$0x83A0];
	[tilespmem:s18+$0xFFFFFD40] =	vst v20  }
0x2bc: {  	v21 =	vld [tilespmem:s20+$0x8330];
	v27 =	vshrl.u32 v57, v11;
	v26 =	vshll.u32 v58, v10  }
0x2bd: {  	v20 =	vld [tilespmem:s20+$0x83B0];
	v27 =	vand.u32 $0xFFFF, v27;
	v26 =	vand.u32 $0xFFFF0000, v26  }
0x2be: {  	v22 =	vld [tilespmem:s20+$0x8340];
	v15 =	vshrl.u32 v15, v11;
	v60 =	vshll.u32 v59, v10;
	v26 =	vor.u32 v27, v26  }
0x2bf: {  	v24 =	vld [tilespmem:s20+$0x83C0];
	v15 =	vand.u32 $0xFFFF, v15;
	v62 =	vand.u32 $0xFFFF0000, v60;
	[tilespmem:s18+$0xFFFFFCE0] =	vst v26  }
0x2c0: {  	v37 =	vshll.u32 v30, v12;
	v36 =	vshrl.u32 v29, v13;
	v15 =	vor.u32 v15, v62;
	v33 =	vld [tilespmem:s20+$0x8250]  }
0x2c1: {  	v40 =	vand.u32 $0xFFFF0000, v37;
	v39 =	vand.u32 $0xFFFF, v36;
	v38 =	vld [tilespmem:s20+$0x82D0];
	[tilespmem:s18+$0xFFFFFCF0] =	vst v15  }
0x2c2: {  	v42 =	vshrl.u32 v31, v13;
	v15 =	vor.u32 v39, v40;
	v41 =	vld [tilespmem:s20+$0x8260]  }
0x2c3: {  	v43 =	vshll.u32 v32, v12;
	v45 =	vand.u32 $0xFFFF, v42;
	v44 =	vld [tilespmem:s20+$0x82E0];
	[tilespmem:s18+$0xFFFFFC80] =	vst v15  }
0x2c4: {  	v46 =	vand.u32 $0xFFFF0000, v43;
	v48 =	vshrl.u32 v61, v13;
	v27 =	vshll.u32 v63, v12;
	v47 =	vld [tilespmem:s20+$0x8170]  }
0x2c5: {  	v50 =	vand.u32 $0xFFFF, v48;
	v51 =	vand.u32 $0xFFFF0000, v27;
	v15 =	vor.u32 v45, v46;
	v49 =	vld [tilespmem:s20+$0x81F0]  }
0x2c6: {  	[tilespmem:s18+$0xFFFFFE10] =	vst v15;
	v15 =	vor.u32 v50, v51;
	v50 =	vld [tilespmem:s20+$0x8430]  }
0x2c7: {  	v53 =	vld [tilespmem:s20+$0x8500]  }
0x2c8: {  	v56 =	vld [tilespmem:s20+$0x8580];
	[tilespmem:s18+$0xFFFFFE20] =	vst v15  }
0x2c9: {  	v60 =	vld [tilespmem:s20+$0x8510];
	v52 =	vshrl.u32 v33, v8;
	v30 =	vshll.u32 v38, v9  }
0x2ca: {  	v42 =	vperm.xlane v14, v7;
	v63 =	vld [tilespmem:s20+$0x8590];
	v54 =	vand.u32 $0xFFFF, v52;
	v55 =	vand.u32 $0xFFFF0000, v30  }
0x2cb: {  	v14 =	vperm.xlane v14, v6;
	v57 =	vor.u32 v54, v55;
	v28 =	vshll.u32 v49, v10;
	v49 =	vld [tilespmem:s20+$0x8420]  }
0x2cc: {  	v58 =	vshrl.u32 v41, v8;
	v59 =	vshll.u32 v44, v9;
	[tilespmem:s18+$0xFFFFFD60] =	vst v57;
	v37 =	vshrl.u32 v53, v11;
	v53 =	vld [tilespmem:s20+$0x84B0]  }
0x2cd: {  	v61 =	vand.u32 $0xFFFF, v58;
	v62 =	vand.u32 $0xFFFF0000, v59;
	v34 =	vshrl.u32 v47, v11;
	v32 =	vld [tilespmem:s20+$0x8350]  }
0x2ce: {  	v15 =	vor.u32 v61, v62;
	v35 =	vand.u32 $0xFFFF, v34;
	v36 =	vand.u32 $0xFFFF0000, v28;
	v31 =	vld [tilespmem:s20+$0x83D0]  }
0x2cf: {  	v17 =	vshrl.u32 v17, v14;
	v18 =	vshrl.u32 v18, v14;
	[tilespmem:s18+$0xFFFFFD70] =	vst v15;
	v15 =	vor.u32 v35, v36;
	v36 =	vld [tilespmem:s20+$0x84A0]  }
0x2d0: {  	v17 =	vand.u32 $0xFFFF, v17;
	v18 =	vand.u32 $0xFFFF, v18;
	v19 =	vshrl.u32 v19, v14;
	v28 =	vld [tilespmem:s20+$0x8360]  }
0x2d1: {  	v19 =	vand.u32 $0xFFFF, v19;
	v22 =	vshrl.u32 v22, v14;
	v30 =	vshll.u32 v56, v10;
	v33 =	vld [tilespmem:s20+$0x83E0];
	[tilespmem:s18+$0xFFFFFD00] =	vst v15  }
0x2d2: {  	v59 =	vshrl.u32 v21, v14;
	v38 =	vand.u32 $0xFFFF, v37;
	v39 =	vand.u32 $0xFFFF0000, v30;
	v40 =	vld [tilespmem:s20+$0x8270]  }
0x2d3: {  	v41 =	vshrl.u32 v60, v11;
	v27 =	vshll.u32 v63, v10;
	v15 =	vor.u32 v38, v39;
	v34 =	vld [tilespmem:s20+$0x82F0]  }
0x2d4: {  	v43 =	vand.u32 $0xFFFF, v41;
	v44 =	vand.u32 $0xFFFF0000, v27;
	[tilespmem:s18+$0xFFFFFE90] =	vst v15;
	v15 =	vsub.s32 $0x10, v42;
	v42 =	vld [tilespmem:s20+$0x84C0]  }
0x2d5: {  	v61 =	vand.u32 $0xFFFF, v59;
	v63 =	vand.u32 $0xFFFF, v22;
	v26 =	vor.u32 v43, v44;
	v46 =	vld [tilespmem:s20+$0x8680]  }
0x2d6: {  	v45 =	vld [tilespmem:s20+$0x8600];
	[tilespmem:s18+$0xFFFFFEA0] =	vst v26;
	v25 =	vshll.u32 v25, v15;
	v16 =	vshll.u32 v16, v15;
	v23 =	vshll.u32 v23, v15  }
0x2d7: {  	v20 =	vshll.u32 v20, v15;
	v24 =	vshll.u32 v24, v15;
	v26 =	vld [tilespmem:s20+$0x8610];
	v25 =	vand.u32 $0xFFFF0000, v25  }
0x2d8: {  	v35 =	vld [tilespmem:s20+$0x8690];
	v38 =	vand.u32 $0xFFFF0000, v16;
	v23 =	vand.u32 $0xFFFF0000, v23;
	v20 =	vand.u32 $0xFFFF0000, v20  }
0x2d9: {  	v24 =	vand.u32 $0xFFFF0000, v24;
	v17 =	vor.u32 v17, v25;
	v47 =	vshrl.u32 v40, v8;
	v40 =	vld [tilespmem:s20+$0x8440]  }
0x2da: {  	v36 =	vshll.u32 v36, v12;
	v48 =	vshll.u32 v34, v9;
	v29 =	vshll.u32 v46, v9;
	v46 =	vld [tilespmem:s20+$0x8450]  }
0x2db: {  	v21 =	vor.u32 v19, v23;
	v25 =	vand.u32 $0xFFFF, v47;
	v30 =	vand.u32 $0xFFFF0000, v48;
	v47 =	vld [tilespmem:s20+$0x84D0]  }
0x2dc: {  	v34 =	vshrl.u32 v49, v13;
	v27 =	vshrl.u32 v45, v8;
	v48 =	vld [tilespmem:s20+$0x8460];
	v25 =	vor.u32 v25, v30  }
0x2dd: {  	v51 =	vand.u32 $0xFFFF, v27;
	v52 =	vand.u32 $0xFFFF0000, v29;
	v30 =	vshrl.u32 v50, v13;
	v50 =	vld [tilespmem:s20+$0x84E0]  }
0x2de: {  	v58 =	vand.u32 $0xFFFF0000, v36;
	v57 =	vand.u32 $0xFFFF, v34;
	[tilespmem:s18+$0xFFFFFD80] =	vst v25;
	v25 =	vor.u32 v51, v52;
	v52 =	vld [tilespmem:s20+$0x8470]  }
0x2df: {  	v32 =	vshrl.u32 v32, v14;
	v22 =	vor.u32 v61, v20;
	v34 =	vor.u32 v57, v58;
	v37 =	vld [tilespmem:s20+$0x8370]  }
0x2e0: {  	v19 =	vor.u32 v63, v24;
	v43 =	vshll.u32 v31, v15;
	v54 =	vshll.u32 v35, v9;
	[tilespmem:s18+$0xFFFFFE30] =	vst v34;
	v35 =	vld [tilespmem:s20+$0x83F0]  }
0x2e1: {  	v41 =	vand.u32 $0xFFFF, v32;
	v28 =	vshrl.u32 v28, v14;
	v26 =	vshrl.u32 v26, v8;
	v34 =	vld [tilespmem:s20+$0x8520]  }
0x2e2: {  	v29 =	vshll.u32 v53, v12;
	v55 =	vand.u32 $0xFFFF, v26;
	v56 =	vand.u32 $0xFFFF0000, v54;
	v60 =	vld [tilespmem:s20+$0x85A0]  }
0x2e3: {  	v30 =	vand.u32 $0xFFFF, v30;
	v29 =	vand.u32 $0xFFFF0000, v29;
	[tilespmem:s18+$0xFFFFFF10] =	vst v25;
	v26 =	vor.u32 v55, v56;
	v55 =	vld [tilespmem:s20+$0x84F0]  }
0x2e4: {  	v33 =	vshll.u32 v33, v15;
	v24 =	vshll.u32 v42, v12;
	v29 =	vor.u32 v30, v29;
	v27 =	vld [tilespmem:s20+$0x8700]  }
0x2e5: {  	v28 =	vand.u32 $0xFFFF, v28;
	v49 =	vand.u32 $0xFFFF0000, v33;
	v24 =	vand.u32 $0xFFFF0000, v24;
	v25 =	vld [tilespmem:s20+$0x8780];
	[tilespmem:s18+$0xFFFFFE40] =	vst v29  }
0x2e6: {  	v30 =	vand.u32 $0xFFFF0000, v43;
	[tilespmem:s18+$0xFFFFFF20] =	vst v26;
	v26 =	vor.u32 v18, v38;
	v38 =	vshrl.u32 v40, v13;
	v62 =	vld [tilespmem:s20+$0x8530]  }
0x2e7: {  	v28 =	vor.u32 v28, v49;
	v20 =	vor.u32 v41, v30;
	v29 =	vld [tilespmem:s20+$0x85B0];
	v38 =	vand.u32 $0xFFFF, v38  }
0x2e8: {  	v16 =	vld [tilespmem:s20+$0x8710];
	v24 =	vor.u32 v38, v24;
	v44 =	vshrl.u32 v34, v11;
	v45 =	vshll.u32 v60, v10  }
0x2e9: {  	v18 =	vld [tilespmem:s20+$0x8790];
	v36 =	vshll.u32 v47, v12;
	[tilespmem:s18+$0xFFFFFE50] =	vst v24;
	v31 =	vand.u32 $0xFFFF, v44;
	v32 =	vand.u32 $0xFFFF0000, v45  }
0x2ea: {  	v54 =	vand.u32 $0xFFFF0000, v36;
	v34 =	vshrl.u32 v46, v13;
	v56 =	vld [tilespmem:s20+$0x8540];
	v31 =	vor.u32 v31, v32  }
0x2eb: {  	v57 =	vld [tilespmem:s20+$0x85C0];
	v60 =	vshrl.u32 v37, v14;
	v61 =	vshll.u32 v35, v15;
	v53 =	vand.u32 $0xFFFF, v34;
	[tilespmem:s18+$0xFFFFFEB0] =	vst v31  }
0x2ec: {  	v23 =	vshrl.u32 v62, v11;
	v29 =	vshll.u32 v29, v10;
	v24 =	vor.u32 v53, v54;
	v51 =	vld [tilespmem:s20+$0x8620]  }
0x2ed: {  	v32 =	vshrl.u32 v48, v13;
	v23 =	vand.u32 $0xFFFF, v23;
	v29 =	vand.u32 $0xFFFF0000, v29;
	[tilespmem:s18+$0xFFFFFE60] =	vst v24;
	v39 =	vld [tilespmem:s20+$0x86A0]  }
0x2ee: {  	v13 =	vshrl.u32 v52, v13;
	v31 =	vshll.u32 v50, v12;
	v23 =	vor.u32 v23, v29;
	v59 =	vld [tilespmem:s20+$0x8550]  }
0x2ef: {  	v52 =	vshrl.u32 v27, v14;
	v32 =	vand.u32 $0xFFFF, v32;
	v31 =	vand.u32 $0xFFFF0000, v31;
	v62 =	vld [tilespmem:s20+$0x85D0];
	[tilespmem:s18+$0xFFFFFEC0] =	vst v23  }
0x2f0: {  	v12 =	vshll.u32 v55, v12;
	v13 =	vand.u32 $0xFFFF, v13;
	v58 =	vor.u32 v32, v31;
	v41 =	vld [tilespmem:s20+$0x8630]  }
0x2f1: {  	v29 =	vand.u32 $0xFFFF, v60;
	v12 =	vand.u32 $0xFFFF0000, v12;
	v31 =	vand.u32 $0xFFFF0000, v61;
	[tilespmem:s18+$0xFFFFFE70] =	vst v58;
	v42 =	vld [tilespmem:s20+$0x86B0]  }
0x2f2: {  	v12 =	vor.u32 v13, v12;
	v34 =	vshrl.u32 v56, v11;
	v24 =	vshll.u32 v57, v10;
	v63 =	vld [tilespmem:s20+$0x8560]  }
0x2f3: {  	v56 =	vand.u32 $0xFFFF, v52;
	[tilespmem:s18+$0xFFFFFE80] =	vst v12;
	v34 =	vand.u32 $0xFFFF, v34;
	v24 =	vand.u32 $0xFFFF0000, v24;
	v40 =	vld [tilespmem:s20+$0x85E0]  }
0x2f4: {  	v24 =	vor.u32 v34, v24;
	v43 =	vld [tilespmem:s20+$0x8570];
	v30 =	vshrl.u32 v59, v11;
	v32 =	vshll.u32 v62, v10  }
0x2f5: {  	v29 =	vor.u32 v29, v31;
	v47 =	vld [tilespmem:s20+$0x85F0];
	[tilespmem:s18+$0xFFFFFED0] =	vst v24;
	v45 =	vand.u32 $0xFFFF, v30;
	v46 =	vand.u32 $0xFFFF0000, v32  }
0x2f6: {  	v33 =	vshrl.u32 v51, v8;
	v44 =	vshll.u32 v39, v9;
	v48 =	vld [tilespmem:s20+$0x8640];
	v24 =	vor.u32 v45, v46  }
0x2f7: {  	v58 =	vshll.u32 v25, v15;
	v49 =	vld [tilespmem:s20+$0x86C0];
	v33 =	vand.u32 $0xFFFF, v33;
	v36 =	vand.u32 $0xFFFF0000, v44;
	[tilespmem:s18+$0xFFFFFEE0] =	vst v24  }
0x2f8: {  	v50 =	vor.u32 v33, v36;
	v35 =	vshrl.u32 v63, v11;
	v23 =	vshll.u32 v40, v10;
	v51 =	vld [tilespmem:s20+$0x8650]  }
0x2f9: {  	v44 =	vshrl.u32 v16, v14;
	[tilespmem:s18+$0xFFFFFF30] =	vst v50;
	v35 =	vand.u32 $0xFFFF, v35;
	v23 =	vand.u32 $0xFFFF0000, v23;
	v53 =	vld [tilespmem:s20+$0x86D0]  }
0x2fa: {  	v11 =	vshrl.u32 v43, v11;
	v10 =	vshll.u32 v47, v10;
	v57 =	vld [tilespmem:s20+$0x8720];
	v23 =	vor.u32 v35, v23  }
0x2fb: {  	v13 =	vshrl.u32 v41, v8;
	v11 =	vand.u32 $0xFFFF, v11;
	v10 =	vand.u32 $0xFFFF0000, v10;
	v59 =	vld [tilespmem:s20+$0x87A0];
	[tilespmem:s18+$0xFFFFFEF0] =	vst v23  }
0x2fc: {  	[tilespmem:s18+$0xFFFFFD90] =	vst v17;
	v12 =	vshll.u32 v42, v9;
	v45 =	vshll.u32 v18, v15;
	v10 =	vor.u32 v11, v10;
	v54 =	vld [tilespmem:s20+$0x8660]  }
0x2fd: {  	v13 =	vand.u32 $0xFFFF, v13;
	v12 =	vand.u32 $0xFFFF0000, v12;
	v63 =	vand.u32 $0xFFFF0000, v58;
	[tilespmem:s18+$0xFFFFFF00] =	vst v10;
	v55 =	vld [tilespmem:s20+$0x86E0]  }
0x2fe: {  	[tilespmem:s18+$0xFFFFFDB0] =	vst v21;
	v12 =	vor.u32 v13, v12;
	v60 =	vshrl.u32 v48, v8;
	v24 =	vshll.u32 v49, v9;
	v62 =	vld [tilespmem:s20+$0x8670]  }
0x2ff: {  	v16 =	vand.u32 $0xFFFF0000, v45;
	[tilespmem:s18+$0xFFFFFF40] =	vst v12;
	v23 =	vand.u32 $0xFFFF, v60;
	v24 =	vand.u32 $0xFFFF0000, v24;
	v35 =	vld [tilespmem:s20+$0x86F0]  }
0x300: {  	[tilespmem:s18+$0xFFFFFDC0] =	vst v22;
	v36 =	vld [tilespmem:s20+$0x8730];
	v33 =	vor.u32 v23, v24;
	v61 =	vshrl.u32 v51, v8;
	v37 =	vshll.u32 v53, v9  }
0x301: {  	v13 =	vand.u32 $0xFFFF, v44;
	v40 =	vld [tilespmem:s20+$0x87B0];
	[tilespmem:s18+$0xFFFFFF50] =	vst v33;
	v34 =	vand.u32 $0xFFFF, v61;
	v25 =	vand.u32 $0xFFFF0000, v37  }
0x302: {  	[tilespmem:s18+$0xFFFFFDD0] =	vst v19;
	v43 =	vld [tilespmem:s20+$0x8740];
	v41 =	vor.u32 v34, v25;
	v38 =	vshrl.u32 v54, v8;
	v39 =	vshll.u32 v55, v9  }
0x303: {  	v12 =	vor.u32 v56, v63;
	v46 =	vld [tilespmem:s20+$0x87C0];
	[tilespmem:s18+$0xFFFFFF60] =	vst v41;
	v27 =	vand.u32 $0xFFFF, v38;
	v30 =	vand.u32 $0xFFFF0000, v39  }
0x304: {  	[tilespmem:s18+$0xFFFFFDF0] =	vst v28;
	v8 =	vshrl.u32 v62, v8;
	v9 =	vshll.u32 v35, v9;
	v47 =	vld [tilespmem:s20+$0x8750];
	v42 =	vor.u32 v27, v30  }
0x305: {  	v13 =	vor.u32 v13, v16;
	v48 =	vld [tilespmem:s20+$0x87D0];
	v8 =	vand.u32 $0xFFFF, v8;
	v9 =	vand.u32 $0xFFFF0000, v9;
	[tilespmem:s18+$0xFFFFFF70] =	vst v42  }
0x306: {  	[tilespmem:s18+$0xFFFFFDA0] =	vst v26;
	v11 =	vshrl.u32 v57, v14;
	v10 =	vshll.u32 v59, v15;
	v8 =	vor.u32 v8, v9;
	v49 =	vld [tilespmem:s20+$0x8760]  }
0x307: {  	v11 =	vand.u32 $0xFFFF, v11;
	v10 =	vand.u32 $0xFFFF0000, v10;
	v50 =	vshrl.u32 v36, v14;
	[tilespmem:s18+$0xFFFFFF80] =	vst v8;
	v8 =	vld [tilespmem:s20+$0x87E0]  }
0x308: {  	[tilespmem:s18+$0xFFFFFDE0] =	vst v20;
	v10 =	vor.u32 v11, v10;
	v17 =	vshll.u32 v40, v15;
	v51 =	vand.u32 $0xFFFF, v50;
	v52 =	vld [tilespmem:s20+$0x8770]  }
0x309: {  	[tilespmem:s18+$0xFFFFFE00] =	vst v29;
	v17 =	vand.u32 $0xFFFF0000, v17;
	v53 =	vshrl.u32 v43, v14;
	v18 =	vshll.u32 v46, v15;
	v54 =	vld [tilespmem:s20+$0x87F0]  }
0x30a: {  	[tilespmem:s18+$0xFFFFFF90] =	vst v12;
	v55 =	vand.u32 $0xFFFF, v53;
	v57 =	vshrl.u32 v47, v14;
	v16 =	vshll.u32 v48, v15  }
0x30b: {  	[tilespmem:s18+$0xFFFFFFA0] =	vst v13;
	v56 =	vand.u32 $0xFFFF0000, v18;
	v58 =	vand.u32 $0xFFFF, v57;
	v59 =	vand.u32 $0xFFFF0000, v16  }
0x30c: {  	p1 =	sne.s32 s19, $0x2000;
	[tilespmem:s18+$0xFFFFFFB0] =	vst v10;
	v11 =	vor.u32 v51, v17;
	v12 =	vor.u32 v55, v56;
	v10 =	vor.u32 v58, v59  }
.Ltmp7:
0x30d: {  	[tilespmem:s18+$0xFFFFFFC0] =	vst v11;
	v9 =	vshrl.u32 v49, v14;
	v8 =	vshll.u32 v8, v15;
	v60 =	vshrl.u32 v52, v14;
	(pc) =	sbr.rel @p1 .LBB2_9-.Ltmp7, $4  }
0x30e: {  	[tilespmem:s18+$0xFFFFFFD0] =	vst v12;
	v61 =	vshll.u32 v54, v15;
	v9 =	vand.u32 $0xFFFF, v9;
	v8 =	vand.u32 $0xFFFF0000, v8  }
0x30f: {  	[tilespmem:s18+$0xFFFFFFE0] =	vst v10;
	v62 =	vand.u32 $0xFFFF, v60;
	v63 =	vand.u32 $0xFFFF0000, v61;
	v8 =	vor.u32 v9, v8  }
0x310: {  	[tilespmem:s18+$0xFFFFFFF0] =	vst v8;
	v8 =	vor.u32 v62, v63  }
0x311: {  	s16 =	sadd.s32 $0x8, s16;
	s19 =	sadd.s32 $0x2000, s19;
	[tilespmem:s18+$0x0] =	vst v8;
	s18 =	sadd.s32 $0x400, s18  }
0x312: {  	s16 =	sshll.u32 s14, $0x4  }
0x313: {  	s31 =	sshll.u32 s14, $0x3;
	s16 =	sand.u32 $0xFFFFFF80, s16  }
0x314: {  	s14 =	sand.u32 $0x38, s31;
	s16 =	sadd.s32 s16, s7  }
0x315: {  	s14 =	sadd.s32 s14, s16  }
0x316: {  	s17 =	sadd.s32 $0x400, s15;
	s16 =	simm.s32 $0x80;
	s18 =	sadd.s32 $0x0, s14  }
.LBB2_11:
0x317: {  	[hbm:s18] =	stream.linear.scatter [tilespmem:s15], [sflag:$0x3], $0x400, $0x38;
	[tilespmem:$0x1B1B0] =	vst v63  }
0x318: {  	s18 =	smov.u32 s16;
	s15 =	smov.u32 s17;
	p1 =	sne.s32 s16, $0x880  }
.Ltmp8:
0x319: {  	s16 =	sadd.s32 $0x80, s16;
	(pc) =	sbr.rel @p1 .LBB2_11-.Ltmp8, $2  }
0x31a: {  	_ =	sdelay $0x2  }
0x31b: {  	s17 =	sadd.s32 $0x400, s17;
	s18 =	sadd.s32 s18, s14  }
.Ltmp9:
0x31c: {  	_ = 	snop;
	(pc) =	sbr.rel .LBB2_12-.Ltmp9, $1  }
0x31d: {  	_ =	sdelay $0x3  }
.LBB2_14:
0x31e: {  	_ =	sfence.sel $0x180000  }
0x31f: {  	s2 =	simm.s32 $0x1;
	[bflag:$0x0] =	sbarrier.arrive $0xFFFF  }
0x320: {  	s30 =	simm.s32 $0x2;
	[sflag:s2] =	ssyncpa.u1 $0x1  }
0x321: {  	s31 =	simm.s32 $0x3;
	[sflag:s30] =	ssyncpa.u1 $0x1  }
0x322: {  	[sflag:s31] =	ssyncpa.u1 $0x1  }
0x323: {  	p0 =	sne.s32 s1, $0x0;
	_ =	strace $0x90000047  }
0x324: {  	s0 =	sadd.s32 @!p0 $0x100000, s0;
	[bflag:$0x2] =	sbarrier.arrive $0xFFFF  }
0x325: {  	[sflag:s0] =	ssyncadd.tile.s32 @!p0 $0x1;
	_ =	shalt  }
.Lfunc_end2:
_tile_overlayer_lowered:
.L_overlay_start_2:
0x326: {  	(tag) =	ssettag $0x2  }
0x327: {  	s0 =	rddreg [dreg:$0x0];
	s2 =	stileid.u32  }
0x328: {  	s1 =	rddreg [dreg:$0x1];
	p0 =	sne.s32 s2, $0x0  }
0x329: {  	s3 =	rddreg [dreg:$0x2];
	[bflag:$0x3] =	sbarrier.arrive $0xFFFF;
	s2 =	simm.s32 @!p0 $0x1C01  }
0x32a: {  	[timem:s3], [sflag:s2] =	dma.local @!p0 [hbm:s0], s1  }
0x32b: {  	s0 =	simm.s32 @!p0 $0x1  }
0x32c: {  	_ =	swait.ge @!p0 [sflag:s0], s1  }
0x32d: {  	s1 =	ssub.s32 @!p0 $0x0, s1;
	[sflag:s0] =	ssyncset.done @!p0 $0x0  }
0x32e: {  	[sflag:s0] =	ssyncadd.s32 @!p0 s1  }
0x32f: {  	[bflag:$0x3] =	sbarrier.arrive $0xFFFF  }
0x330: {  	_ =	shalt  }

// kernel: kernel.5.cloned.1.call-start
scs
__scs_entry_jumppad:
0x0: {  	(pc) =	sbr.rel $0x88, $3  }
0x1: {  	(tag) =	ssettag $0x0;
	lr =	simm.s32 $0x1  }
0x2: {  	[smem:$0x3F8D] =	sst lr;
	_ =	strace $0xD0000000  }
0x3: {  	_ = 	snop  }
0x4: {  	_ = 	snop  }
0x5: {  	_ = 	snop  }
0x6: {  	_ = 	snop  }
0x7: {  	_ = 	snop  }
__scs_overlays_trampoline_lowered:
0x8: {  	[smem:$0x3F9C] =	sst s0  }
0x9: {  	[smem:$0x3F9D] =	sst s1  }
0xa: {  	[smem:$0x3F9E] =	sst s2  }
0xb: {  	[smem:$0x3F9F] =	sst s3  }
0xc: {  	[smem:$0x3FA0] =	sst s4  }
0xd: {  	[smem:$0x3FA1] =	sst s5  }
0xe: {  	[smem:$0x3FA2] =	sst s6  }
0xf: {  	[smem:$0x3FA3] =	sst s7  }
0x10: {  	[smem:$0x3FA4] =	sst s8  }
0x11: {  	[smem:$0x3FA5] =	sst s9;
	s0 =	simm.s32 @!p0 $0x0  }
0x12: {  	s1 =	sld [smem:$0x3F8B];
	s0 =	simm.s32 @p0 $0x1  }
0x13: {  	[smem:$0x3FA6] =	sst s0;
	s0 =	simm.s32 @!p1 $0x0  }
0x14: {  	s2 =	sld [smem:$0x3F8A];
	s0 =	simm.s32 @p1 $0x1  }
0x15: {  	[smem:$0x3FA7] =	sst s0;
	s0 =	simm.s32 @!p2 $0x0  }
0x16: {  	s3 =	sld [smem:$0x3FDB];
	s0 =	simm.s32 @p2 $0x1  }
0x17: {  	s4 =	simm.s32 $0x1BF5;
	[smem:$0x3FA9] =	sst s0  }
0x18: {  	s0 =	sld [smem:$0x3F8C];
	_ =	swait.ge [sflag:s4], $0x0  }
0x19: {  	s7 =	sld [smem:$0x3F8D]  }
0x1a: {  	s8 =	sadd.s32 $0xFFFFE003, lr  }
0x1b: {  	s9 =	sadd.s32 $0xFFFFFEF7, lr;
	s5 =	simm.s32 $0xFFFFFFFF;
	p2 =	slt.u32 s8, $0xFFFFF086  }
0x1c: {  	p1 =	slt.u32 s9, $0xF7A;
	s5 =	simm.s32 @!p2 $0x0  }
0x1d: {  	s5 =	simm.s32 @p1 $0x1;
	p0 =	seq.s32 s7, s2  }
0x1e: {  	s7 =	smul.u32 @!p0 $0xF7A, s2;
	p2 =	seq.s32 @!p0 s5, $0x0  }
0x1f: {  	s9 =	smul.u32 $0xF7A, s1;
	s8 =	simm.s32 @!p0 $0x1BF5;
	p2 =	por !p2, p0  }
0x20: {  	[sflag:s8] =	ssyncset.s32 @!p0 $0xFFFFF086;
	s6 =	sadd.s32 @!p0 s3, s7;
	s7 =	simm.s32 @!p0 $0x108  }
0x21: {  	s3 =	sadd.s32 s3, s9;
	s6 =	sadd.s32 @!p0 $0x88, s6;
	s7 =	simm.s32 @p2 $0x1082  }
0x22: {  	[simem:s7], [sflag:s8] =	dma.local @!p0 [hbm:s6], $0xF7A  }
0x23: {  	s9 =	sor.u32 $0xD0000000, s2;
	s6 =	simm.s32 $0x108;
	_ =	swait.ge @!p0 [sflag:s8], $0x0  }
0x24: {  	s3 =	sadd.s32 $0x88, s3;
	s6 =	simm.s32 @!p1 $0x1082;
	[sflag:s4] =	ssyncset.s32 $0xFFFFF086  }
0x25: {  	[simem:s6], [sflag:s4] =	dma.local [hbm:s3], $0xF7A  }
0x26: {  	[smem:$0x3F8D] =	sst s1;
	(tag) =	ssettag s2;
	_ =	strace s9  }
0x27: {  	s1 =	sld [smem:$0x3F9D]  }
0x28: {  	s2 =	sld [smem:$0x3F9E]  }
0x29: {  	s4 =	sld [smem:$0x3FA0]  }
0x2a: {  	p0 =	seq.s32 s5, $0x0;
	s5 =	sld [smem:$0x3FA1]  }
0x2b: {  	s6 =	sld [smem:$0x3FA2]  }
0x2c: {  	s7 =	sld [smem:$0x3FA3]  }
0x2d: {  	s3 =	simm.s32 $0x108;
	s8 =	sld [smem:$0x3FA4]  }
0x2e: {  	s3 =	simm.s32 @!p0 $0x1082;
	s9 =	sld [smem:$0x3FA5]  }
0x2f: {  	lr =	sadd.s32 s0, s3;
	s0 =	sld [smem:$0x3F9C]  }
0x30: {  	s3 =	sld [smem:$0x3F9F]  }
0x31: {  	[smem:$0x3FA8] =	sst s10  }
0x32: {  	s10 =	sld [smem:$0x3FA6];
	_ =	sdelay $0x3  }
0x33: {  	p0 =	seq.s32 s10, $0x1;
	s10 =	sld [smem:$0x3FA8];
	_ =	sdelay $0x3  }
0x34: {  	[smem:$0x3FA8] =	sst s10  }
0x35: {  	s10 =	sld [smem:$0x3FA7];
	_ =	sdelay $0x3  }
0x36: {  	p1 =	seq.s32 s10, $0x1;
	s10 =	sld [smem:$0x3FA8];
	_ =	sdelay $0x3  }
0x37: {  	[smem:$0x3FA8] =	sst s10  }
0x38: {  	s10 =	sld [smem:$0x3FA9]  }
0x39: {  	_ = 	snop;
	(pc) =	sbr.ind lr, $3  }
0x3a: {  	_ = 	snop  }
0x3b: {  	_ = 	snop  }
0x3c: {  	p2 =	seq.s32 s10, $0x1;
	s10 =	sld [smem:$0x3FA8]  }
0x3d: {  	_ =	shalt  }
0x3e: {  	_ =	shalt  }
0x3f: {  	_ =	shalt  }
0x40: {  	_ =	shalt  }
0x41: {  	_ =	shalt  }
0x42: {  	_ =	shalt  }
0x43: {  	_ =	shalt  }
0x44: {  	_ =	shalt  }
0x45: {  	_ =	shalt  }
0x46: {  	_ =	shalt  }
0x47: {  	_ =	shalt  }
0x48: {  	_ =	shalt  }
0x49: {  	_ =	shalt  }
0x4a: {  	_ =	shalt  }
0x4b: {  	_ =	shalt  }
0x4c: {  	_ =	shalt  }
0x4d: {  	_ =	shalt  }
0x4e: {  	_ =	shalt  }
0x4f: {  	_ =	shalt  }
0x50: {  	_ =	shalt  }
0x51: {  	_ =	shalt  }
0x52: {  	_ =	shalt  }
0x53: {  	_ =	shalt  }
0x54: {  	_ =	shalt  }
0x55: {  	_ =	shalt  }
0x56: {  	_ =	shalt  }
0x57: {  	_ =	shalt  }
0x58: {  	_ =	shalt  }
0x59: {  	_ =	shalt  }
0x5a: {  	_ =	shalt  }
0x5b: {  	_ =	shalt  }
0x5c: {  	_ =	shalt  }
0x5d: {  	_ =	shalt  }
0x5e: {  	_ =	shalt  }
0x5f: {  	_ =	shalt  }
0x60: {  	_ =	shalt  }
0x61: {  	_ =	shalt  }
0x62: {  	_ =	shalt  }
0x63: {  	_ =	shalt  }
0x64: {  	_ =	shalt  }
0x65: {  	_ =	shalt  }
0x66: {  	_ =	shalt  }
0x67: {  	_ =	shalt  }
0x68: {  	_ =	shalt  }
0x69: {  	_ =	shalt  }
0x6a: {  	_ =	shalt  }
0x6b: {  	_ =	shalt  }
0x6c: {  	_ =	shalt  }
0x6d: {  	_ =	shalt  }
0x6e: {  	_ =	shalt  }
0x6f: {  	_ =	shalt  }
0x70: {  	_ =	shalt  }
0x71: {  	_ =	shalt  }
0x72: {  	_ =	shalt  }
0x73: {  	_ =	shalt  }
0x74: {  	_ =	shalt  }
0x75: {  	_ =	shalt  }
0x76: {  	_ =	shalt  }
0x77: {  	_ =	shalt  }
0x78: {  	_ =	shalt  }
0x79: {  	_ =	shalt  }
0x7a: {  	_ =	shalt  }
0x7b: {  	_ =	shalt  }
0x7c: {  	_ =	shalt  }
0x7d: {  	_ =	shalt  }
0x7e: {  	_ =	shalt  }
0x7f: {  	_ =	shalt  }
0x80: {  	_ =	shalt  }
0x81: {  	_ =	shalt  }
0x82: {  	_ =	shalt  }
0x83: {  	_ =	shalt  }
0x84: {  	_ =	shalt  }
0x85: {  	_ =	shalt  }
0x86: {  	_ =	shalt  }
0x87: {  	_ =	shalt  }
.Lfunc_end0:
.L_simem_size_0:
called_computation.1_lowered:
.L_overlay_start_0:
0x88: {  	s2 =	sld [smem:$0x3FD9]  }
0x89: {  	s3 =	sld [smem:$0x3FFE];
	_ =	sdelay $0x1  }
0x8a: {  	s1 =	srdreg.scid  }
0x8b: {  	s0 =	sand.u32 $0x1, s1  }
0x8c: {  	s17 =	sshll.u32 s0, $0xA;
	s2 =	sadd.s32 s3, s2  }
0x8d: {  	s2 =	sadd.s32 s2, s17  }
0x8e: {  	[smem:$0x3FB4] =	sst s2  }
0x8f: {  	_ = 	snop  }
0x90: {  	(tm) =	ssettm $0x1  }
0x91: {  	s18 =	sld [smem:$0x3FFB];
	_ =	sdelay $0x3  }
0x92: {  	_ =	strace s18  }
0x93: {  	s2 =	sld [smem:$0x3FFC];
	_ =	sdelay $0x3  }
0x94: {  	_ =	strace s2  }
0x95: {  	s2 =	sld [smem:$0x3FFD];
	_ =	sdelay $0x3  }
0x96: {  	_ =	strace s2  }
0x97: {  	_ =	strace $0x8FFFFFFF  }
0x98: {  	s19 =	sld [smem:$0x3FDB];
	_ =	sdelay $0x1  }
0x99: {  	s20 =	simm.s32 $_scs_section_size  }
0x9a: {  	s4 =	simm.s32 $_size__tile_overlayer_lowered;
	s5 =	simm.s32 $_tile_overlayer_lowered  }
0x9b: {  	s6 =	simm.s32 $0x1BFF;
	s21 =	sshll.u32 s5, $0x1;
	s3 =	sadd.s32 s20, s19  }
0x9c: {  	s22 =	simm.s32 $0x0;
	s4 =	sshll.u32 s4, $0x1;
	s5 =	sadd.s32 s21, s3  }
0x9d: {  	[timem:s22], [sflag:s6] =	dma.local [hbm:s5], s4  }
0x9e: {  	_ =	swait.ge [sflag:s6], s4  }
0x9f: {  	s4 =	ssub.s32 $0x0, s4;
	[sflag:s6] =	ssyncset.done $0x0  }
0xa0: {  	[sflag:s6] =	ssyncadd.s32 s4;
	_ =	sdelay $0x1  }
0xa1: {  	s23 =	simm.s32 $0x1B8B  }
0xa2: {  	_ =	swait.ge [sflag:s23], $0x1  }
0xa3: {  	[sflag:s23] =	ssyncset.done $0x0  }
0xa4: {  	[sflag:s23] =	ssyncadd.s32 $0xFFFFFFFF  }
0xa5: {  	s4 =	sld [smem:$0x0]  }
0xa6: {  	s5 =	sand.u32 $0xFFFFFFFE, s1  }
0xa7: {  	p0 =	sne.s32 s1, s5  }
0xa8: {  	s5 =	sshll.u32 @p0 s5, $0xE  }
0xa9: {  	s5 =	sadd.s32 @p0 $0x11B8D, s5;
	s6 =	sshll.u32 @p0 s4, $0x11  }
0xaa: {  	s5 =	sor.u32 @p0 s6, s5  }
0xab: {  	[sflag:s5] =	ssyncadd.remote.s32 @p0 $0x1;
	_ =	sdelay $0x1  }
0xac: {  	s5 =	simm.s32 @p0 $0x1B8D  }
0xad: {  	_ =	swait.eq @p0 [sflag:s5], $0x1  }
0xae: {  	[sflag:s5] =	ssyncadd.s32 @p0 $0xFFFFFFFF  }
0xaf: {  	s6 =	sshll.u32 @!p0 s1, $0xE  }
0xb0: {  	s6 =	sor.u32 @!p0 $0x4000, s6;
	s5 =	simm.s32 @!p0 $0x1B8D  }
0xb1: {  	s4 =	sshll.u32 @!p0 s4, $0x11;
	s6 =	sadd.s32 @!p0 $0x11B8D, s6;
	_ =	swait.eq @!p0 [sflag:s5], $0x1  }
0xb2: {  	s4 =	sor.u32 @!p0 s4, s6;
	[sflag:s5] =	ssyncadd.s32 @!p0 $0xFFFFFFFF  }
0xb3: {  	s25 =	simm.s32 $0x1B8E;
	s24 =	sld [smem:$0x3FFE];
	[sflag:s4] =	ssyncadd.remote.s32 @!p0 $0x1  }
0xb4: {  	s26 =	simm.s32 $execute0_lowered;
	[smem:$0x3FD2] =	sst s25  }
0xb5: {  	s5 =	sshll.u32 s26, $0x1;
	_ =	strace $0x80000049;
	[dreg:$0x1] =	wrdreg $0xFFFFFFFF  }
0xb6: {  	s28 =	simm.s32 $_size_execute0_lowered;
	s3 =	sadd.s32 s3, s5;
	[dreg:$0x0] =	wrdreg $0x0  }
0xb7: {  	s5 =	sshll.u32 s28, $0x1;
	[dreg:$0x2] =	wrdreg s3  }
0xb8: {  	[dreg:$0x3] =	wrdreg s5  }
0xb9: {  	[dreg:$0x4] =	wrdreg $0xC0  }
0xba: {  	_ =	task [dreg:s22], $0x5FFFF  }
0xbb: {  	[dreg:$0x1] =	wrdreg $0xFFFFFFFF  }
0xbc: {  	[dreg:$0x0] =	wrdreg $0x60  }
0xbd: {  	[dreg:$0x2] =	wrdreg s24  }
0xbe: {  	[dreg:$0x3] =	wrdreg $0xA  }
0xbf: {  	_ =	task.clear_ibuf [dreg:s22], $0x4FFFF;
	_ =	strace $0x90000049  }
0xc0: {  	s29 =	simm.s32 $0xA;
	_ =	strace $0x8000004B  }
0xc1: {  	_ =	swait.ge [sflag:s29], $0x1  }
0xc2: {  	[sflag:s29] =	ssyncadd.s32 $0xFFFFFFFF  }
0xc3: {  	_ =	strace $0x9000004B  }
0xc4: {  	_ =	sfence  }
0xc5: {  	s30 =	sld [smem:$0x0];
	_ =	sdelay $0x2  }
0xc6: {  	s31 =	sshll.u32 s1, $0xD;
	s1 =	sshrl.u32 s1, $0x2  }
0xc7: {  	s4 =	sand.u32 $0x4000, s31;
	s1 =	sadd.s32 s1, s30  }
0xc8: {  	s0 =	sor.u32 s4, s0;
	s1 =	sshll.u32 s1, $0x11  }
0xc9: {  	s0 =	sor.u32 s1, s0  }
0xca: {  	s0 =	sadd.s32 $0x8F2B, s0  }
0xcb: {  	[sflag:s0] =	ssyncadd.remote.s32 $0x1  }
0xcc: {  	_ =	sfence.sel $0xFFFF  }
0xcd: {  	[dreg:$0x0] =	wrdreg $0xFFFFFFFF;
	(pc) =	sbr.abs _section_cstart, $3  }
0xce: {  	[dreg:$0x1] =	wrdreg $0xFFFFFFFF  }
0xcf: {  	_ =	task.clear_ibuf [dreg:s22], $0x2FFFF;
	_ =	strace $0x9FFFFFFF  }
0xd0: {  	(tm) =	ssettm $0x7FFFFFFF  }
0xd1: {  	_ =	shalt  }
tec
execute0_lowered:
.L_overlay_start_1:
0x0: {  	(tag) =	ssettag $0x1  }
0x1: {  	s1 =	srdreg.scid;
	s0 =	stileid.u32  }
0x2: {  	s23 =	sand.u32 $0x1, s1;
	s31 =	sshll.u32 s0, $0x1  }
0x3: {  	s24 =	sor.u32 s23, s31  }
0x4: {  	s22 =	rddreg [dreg:$0x0];
	s3 =	smul.u32 $0x68, s24  }
0x5: {  	s2 =	simm.s32 $0x0;
	s1 =	rddreg [dreg:$0x1]  }
0x6: {  	[smem:$0x7FF] =	sst s2;
	s3 =	sadd.s32 s3, s22  }
0x7: {  	_ =	strace $0x8000004A;
	s4 =	sadd.s32 $0x2A00, s3;
	s3 =	simm.s32 $0x2  }
0x8: {  	[tilespmem:s2], [sflag:$0x2] =	stream.linear.gather [hbm4b:s4+s2], $0x340, $0x38;
	[tilespmem:$0x3740] =	vst v63  }
0x9: {  	_ =	swait.ge [sflag:s3], $0x340  }
0xa: {  	s6 =	simm.s32 $0x68;
	[sflag:s3] =	ssyncset.done $0x0  }
0xb: {  	s7 =	simm.s32 $0x340;
	s5 =	sadd.s32 $0x2D83A00, s22;
	[sflag:s3] =	ssyncadd.s32 $0xFFFFFCC0  }
0xc: {  	[tilespmem:s7], [sflag:$0x1] =	stream.indirect.gather [hbm4b:s5+s6], $0x10, s2, s6, $0xb8;
	[tilespmem:$0x3740] =	vst v63  }
0xd: {  	s8 =	simm.s32 $0x9C0  }
0xe: {  	[tilespmem:s8], [sflag:$0x1] =	stream.indirect.gather [hbm4b:s5+s6], $0x10, s6, s6, $0xb8;
	[tilespmem:$0x3740] =	vst v63  }
0xf: {  	s9 =	simm.s32 $0xD0;
	s10 =	simm.s32 $0x1040  }
0x10: {  	[tilespmem:s10], [sflag:$0x1] =	stream.indirect.gather [hbm4b:s5+s6], $0x10, s9, s6, $0xb8;
	[tilespmem:$0x3740] =	vst v63  }
0x11: {  	s11 =	simm.s32 $0x138;
	s12 =	simm.s32 $0x16C0  }
0x12: {  	[tilespmem:s12], [sflag:$0x1] =	stream.indirect.gather [hbm4b:s5+s6], $0x10, s11, s6, $0xb8;
	[tilespmem:$0x3740] =	vst v63  }
0x13: {  	s13 =	simm.s32 $0x1A0;
	s14 =	simm.s32 $0x1D40  }
0x14: {  	[tilespmem:s14], [sflag:$0x1] =	stream.indirect.gather [hbm4b:s5+s6], $0x10, s13, s6, $0xb8;
	[tilespmem:$0x3740] =	vst v63  }
0x15: {  	s15 =	simm.s32 $0x208;
	s16 =	simm.s32 $0x23C0  }
0x16: {  	[tilespmem:s16], [sflag:$0x1] =	stream.indirect.gather [hbm4b:s5+s6], $0x10, s15, s6, $0xb8;
	[tilespmem:$0x3740] =	vst v63  }
0x17: {  	s17 =	simm.s32 $0x270;
	s18 =	simm.s32 $0x2A40  }
0x18: {  	[tilespmem:s18], [sflag:$0x1] =	stream.indirect.gather [hbm4b:s5+s6], $0x10, s17, s6, $0xb8;
	[tilespmem:$0x3740] =	vst v63  }
0x19: {  	s19 =	simm.s32 $0x2D8;
	s20 =	simm.s32 $0x30C0;
	s21 =	simm.s32 $0x1  }
0x1a: {  	[tilespmem:s20], [sflag:$0x1] =	stream.indirect.gather [hbm4b:s5+s6], $0x10, s19, s6, $0xb8;
	[tilespmem:$0x3740] =	vst v63  }
0x1b: {  	_ =	swait.ge [sflag:s21], $0x680  }
0x1c: {  	[sflag:s21] =	ssyncset.done $0x0  }
0x1d: {  	[sflag:s21] =	ssyncadd.s32 $0xFFFFF980  }
0x1e: {  	_ =	swait.ge [sflag:s21], $0x680  }
0x1f: {  	[sflag:s21] =	ssyncset.done $0x0  }
0x20: {  	[sflag:s21] =	ssyncadd.s32 $0xFFFFF980  }
0x21: {  	_ =	swait.ge [sflag:s21], $0x680  }
0x22: {  	[sflag:s21] =	ssyncset.done $0x0  }
0x23: {  	[sflag:s21] =	ssyncadd.s32 $0xFFFFF980  }
0x24: {  	_ =	swait.ge [sflag:s21], $0x680  }
0x25: {  	[sflag:s21] =	ssyncset.done $0x0  }
0x26: {  	[sflag:s21] =	ssyncadd.s32 $0xFFFFF980  }
0x27: {  	_ =	swait.ge [sflag:s21], $0x680  }
0x28: {  	[sflag:s21] =	ssyncset.done $0x0  }
0x29: {  	[sflag:s21] =	ssyncadd.s32 $0xFFFFF980  }
0x2a: {  	_ =	swait.ge [sflag:s21], $0x680  }
0x2b: {  	[sflag:s21] =	ssyncset.done $0x0  }
0x2c: {  	s23 =	ssub.s32 $0x2, s23;
	[sflag:s21] =	ssyncadd.s32 $0xFFFFF980  }
0x2d: {  	s25 =	sshrl.u32 s23, $0x1;
	_ =	swait.ge [sflag:s21], $0x680  }
0x2e: {  	s23 =	ssub.s32 s23, s25;
	[sflag:s21] =	ssyncset.done $0x0  }
0x2f: {  	s24 =	smul.u32 $0x680, s24;
	s23 =	smax.u32 s23, $0x1;
	[sflag:s21] =	ssyncadd.s32 $0xFFFFF980  }
0x30: {  	p0 =	sne.s32 s23, $0x1;
	_ =	swait.ge [sflag:s21], $0x680  }
.Ltmp0:
0x31: {  	s22 =	sadd.s32 s24, s22;
	[sflag:s21] =	ssyncset.done $0x0;
	(pc) =	sbr.rel @!p0 .LBB2_2-.Ltmp0, $4  }
0x32: {  	s22 =	sadd.s32 $0x3800, s22;
	[sflag:s21] =	ssyncadd.s32 $0xFFFFF980  }
0x33: {  	[hbm4b:s22+s2] =	stream.linear.scatter [tilespmem:s7], [sflag:$0x2], $0x3400, $0x38;
	[tilespmem:$0x3740] =	vst v63  }
0x34: {  	_ =	swait.ge [sflag:s3], $0x3400  }
0x35: {  	s23 =	sadd.s32 $0xFFFFFFFF, s23;
	[sflag:s3] =	ssyncset.done $0x0  }
.LBB2_1:
0x36: {  	p0 =	sne.s32 s23, $0x1;
	s23 =	sadd.s32 $0xFFFFFFFF, s23;
	[sflag:s3] =	ssyncadd.s32 $0xFFFFCC00  }
0x37: {  	[tilespmem:s2], [sflag:$0x2] =	stream.linear.gather [hbm4b:s4+s2], $0x340, $0x38;
	[tilespmem:$0x3740] =	vst v63  }
0x38: {  	_ =	swait.ge [sflag:s3], $0x340  }
0x39: {  	[sflag:s3] =	ssyncset.done $0x0  }
0x3a: {  	[sflag:s3] =	ssyncadd.s32 $0xFFFFFCC0  }
0x3b: {  	[tilespmem:s7], [sflag:$0x1] =	stream.indirect.gather [hbm4b:s5+s6], $0x10, s2, s6, $0xb8;
	[tilespmem:$0x3740] =	vst v63  }
0x3c: {  	_ = 	snop  }
0x3d: {  	[tilespmem:s8], [sflag:$0x1] =	stream.indirect.gather [hbm4b:s5+s6], $0x10, s6, s6, $0xb8;
	[tilespmem:$0x3740] =	vst v63  }
0x3e: {  	_ = 	snop  }
0x3f: {  	[tilespmem:s10], [sflag:$0x1] =	stream.indirect.gather [hbm4b:s5+s6], $0x10, s9, s6, $0xb8;
	[tilespmem:$0x3740] =	vst v63  }
0x40: {  	_ = 	snop  }
0x41: {  	[tilespmem:s12], [sflag:$0x1] =	stream.indirect.gather [hbm4b:s5+s6], $0x10, s11, s6, $0xb8;
	[tilespmem:$0x3740] =	vst v63  }
0x42: {  	_ = 	snop  }
0x43: {  	[tilespmem:s14], [sflag:$0x1] =	stream.indirect.gather [hbm4b:s5+s6], $0x10, s13, s6, $0xb8;
	[tilespmem:$0x3740] =	vst v63  }
0x44: {  	_ = 	snop  }
0x45: {  	[tilespmem:s16], [sflag:$0x1] =	stream.indirect.gather [hbm4b:s5+s6], $0x10, s15, s6, $0xb8;
	[tilespmem:$0x3740] =	vst v63  }
0x46: {  	_ = 	snop  }
0x47: {  	[tilespmem:s18], [sflag:$0x1] =	stream.indirect.gather [hbm4b:s5+s6], $0x10, s17, s6, $0xb8;
	[tilespmem:$0x3740] =	vst v63  }
0x48: {  	_ = 	snop  }
0x49: {  	[tilespmem:s20], [sflag:$0x1] =	stream.indirect.gather [hbm4b:s5+s6], $0x10, s19, s6, $0xb8;
	[tilespmem:$0x3740] =	vst v63  }
0x4a: {  	_ =	swait.ge [sflag:s21], $0x680  }
0x4b: {  	[sflag:s21] =	ssyncset.done $0x0  }
0x4c: {  	[sflag:s21] =	ssyncadd.s32 $0xFFFFF980  }
0x4d: {  	_ =	swait.ge [sflag:s21], $0x680  }
0x4e: {  	[sflag:s21] =	ssyncset.done $0x0  }
0x4f: {  	[sflag:s21] =	ssyncadd.s32 $0xFFFFF980  }
0x50: {  	_ =	swait.ge [sflag:s21], $0x680  }
0x51: {  	[sflag:s21] =	ssyncset.done $0x0  }
0x52: {  	[sflag:s21] =	ssyncadd.s32 $0xFFFFF980  }
0x53: {  	_ =	swait.ge [sflag:s21], $0x680  }
0x54: {  	[sflag:s21] =	ssyncset.done $0x0  }
0x55: {  	[sflag:s21] =	ssyncadd.s32 $0xFFFFF980  }
0x56: {  	_ =	swait.ge [sflag:s21], $0x680  }
0x57: {  	[sflag:s21] =	ssyncset.done $0x0  }
0x58: {  	[sflag:s21] =	ssyncadd.s32 $0xFFFFF980  }
0x59: {  	_ =	swait.ge [sflag:s21], $0x680  }
0x5a: {  	[sflag:s21] =	ssyncset.done $0x0  }
0x5b: {  	[sflag:s21] =	ssyncadd.s32 $0xFFFFF980  }
0x5c: {  	_ =	swait.ge [sflag:s21], $0x680  }
0x5d: {  	[sflag:s21] =	ssyncset.done $0x0  }
0x5e: {  	[sflag:s21] =	ssyncadd.s32 $0xFFFFF980  }
0x5f: {  	_ =	swait.ge [sflag:s21], $0x680  }
.Ltmp1:
0x60: {  	[sflag:s21] =	ssyncset.done $0x0;
	(pc) =	sbr.rel @p0 .LBB2_1-.Ltmp1, $4  }
0x61: {  	[sflag:s21] =	ssyncadd.s32 $0xFFFFF980  }
0x62: {  	[hbm4b:s22+s2] =	stream.linear.scatter [tilespmem:s7], [sflag:$0x2], $0x3400, $0x38;
	[tilespmem:$0x3740] =	vst v63  }
0x63: {  	_ =	swait.ge [sflag:s3], $0x3400  }
0x64: {  	[sflag:s3] =	ssyncset.done $0x0  }
.LBB2_2:
0x65: {  	[sflag:s3] =	ssyncadd.s32 $0xFFFFCC00  }
0x66: {  	_ =	sfence.sel $0x180000  }
0x67: {  	[bflag:$0x0] =	sbarrier.arrive $0xFFFF  }
0x68: {  	p0 =	sne.s32 s0, $0x0;
	_ =	strace $0x9000004A  }
0x69: {  	s0 =	sadd.s32 @!p0 $0x100000, s1;
	[bflag:$0x2] =	sbarrier.arrive $0xFFFF  }
0x6a: {  	[sflag:s0] =	ssyncadd.tile.s32 @!p0 $0x1;
	_ =	shalt  }
.Lfunc_end2:
_tile_overlayer_lowered:
.L_overlay_start_2:
0x6b: {  	(tag) =	ssettag $0x2  }
0x6c: {  	s0 =	rddreg [dreg:$0x0];
	s2 =	stileid.u32  }
0x6d: {  	s1 =	rddreg [dreg:$0x1];
	p0 =	sne.s32 s2, $0x0  }
0x6e: {  	s3 =	rddreg [dreg:$0x2];
	[bflag:$0x3] =	sbarrier.arrive $0xFFFF;
	s2 =	simm.s32 @!p0 $0x1C02  }
0x6f: {  	[timem:s3], [sflag:s2] =	dma.local @!p0 [hbm:s0], s1  }
0x70: {  	s0 =	simm.s32 @!p0 $0x2  }
0x71: {  	_ =	swait.ge @!p0 [sflag:s0], s1  }
0x72: {  	s1 =	ssub.s32 @!p0 $0x0, s1;
	[sflag:s0] =	ssyncset.done @!p0 $0x0  }
0x73: {  	[sflag:s0] =	ssyncadd.s32 @!p0 s1  }
0x74: {  	[bflag:$0x3] =	sbarrier.arrive $0xFFFF  }
0x75: {  	_ =	shalt  }

</sc_bundles>
